<compile_context>
chip_gen: v7x
topology: tpu7x:2x2x1
jax: 0.10.2.dev20260603
libtpu: 0.0.44.dev20260713+nightly
codegen_flags: <defaults>
</compile_context>

<pallas_src>
import functools

import jax
import jax.numpy as jnp
from jax import lax
from jax.experimental import pallas as pl
from jax.experimental.pallas import tpu as pltpu
from jax.experimental.pallas import tpu_sc as plsc

N = 10000
E = 320000
D = 128
G = 64

NC = 2
NS = 16
NW = NC * NS
EPT = E // NW
EK = 80
NITER = EPT // EK
RPT = 624
TBASE = NS * RPT
TAIL = N - TBASE
DEGW = 16

BN = 1024
NG = (N + BN - 1) // BN



def _sc_mesh():
    return plsc.VectorSubcoreMesh(core_axis_name="c", subcore_axis_name="s")


@functools.partial(
    pl.kernel,
    mesh=_sc_mesh(),
    out_type=jax.ShapeDtypeStruct((NC * N, D), jnp.float32),
    scratch_types=[
        pltpu.VMEM((EK,), jnp.int32),
        pltpu.VMEM((EK,), jnp.int32),
        pltpu.VMEM((EK, D), jnp.float32),
        pltpu.VMEM_SHARED((N, D), jnp.float32),
        pltpu.SemaphoreType.DMA,
    ],
)
def _sc_agg(p_hbm, src_hbm, dst_hbm, zero_hbm, out_hbm,
            idx_s, idx_d, rows, acc, sem):
    c = lax.axis_index("c")
    s = lax.axis_index("s")
    wid = s * NC + c
    r0 = s * RPT
    pltpu.sync_copy(zero_hbm.at[pl.ds(r0, RPT)], acc.at[pl.ds(r0, RPT)])

    @pl.when(s == NS - 1)
    def _():
        pltpu.sync_copy(zero_hbm.at[pl.ds(TBASE, TAIL)],
                        acc.at[pl.ds(TBASE, TAIL)])

    plsc.subcore_barrier()

    base = wid * EPT

    def body(j, carry):
        e0 = base + j * EK
        pltpu.sync_copy(src_hbm.at[pl.ds(e0, EK)], idx_s)
        pltpu.sync_copy(dst_hbm.at[pl.ds(e0, EK)], idx_d)
        pltpu.async_copy(p_hbm.at[idx_s], rows, sem).wait()
        pltpu.sync_copy(rows, acc.at[idx_d], add=True)
        return carry

    lax.fori_loop(0, NITER, body, 0)
    plsc.subcore_barrier()
    pltpu.sync_copy(acc.at[pl.ds(r0, RPT)], out_hbm.at[pl.ds(c * N + r0, RPT)])

    @pl.when(s == NS - 1)
    def _():
        pltpu.sync_copy(acc.at[pl.ds(TBASE, TAIL)],
                        out_hbm.at[pl.ds(c * N + TBASE, TAIL)])


@functools.partial(
    pl.kernel,
    mesh=_sc_mesh(),
    out_type=jax.ShapeDtypeStruct((NC * N, D), jnp.float32),
    scratch_types=[
        pltpu.VMEM((EK,), jnp.int32),
        pltpu.VMEM((EK, D), jnp.float32),
        pltpu.VMEM_SHARED((N, D), jnp.float32),
    ],
)
def _sc_deg(dst_hbm, ones_hbm, zero_hbm, out_hbm, idx_d, ones_v, acc):
    c = lax.axis_index("c")
    s = lax.axis_index("s")
    wid = s * NC + c
    r0 = s * RPT
    pltpu.sync_copy(zero_hbm.at[pl.ds(r0, RPT)], acc.at[pl.ds(r0, RPT)])
    pltpu.sync_copy(ones_hbm, ones_v)

    @pl.when(s == NS - 1)
    def _():
        pltpu.sync_copy(zero_hbm.at[pl.ds(TBASE, TAIL)],
                        acc.at[pl.ds(TBASE, TAIL)])

    plsc.subcore_barrier()

    base = wid * EPT

    def body(j, carry):
        e0 = base + j * EK
        pltpu.sync_copy(dst_hbm.at[pl.ds(e0, EK)], idx_d)
        pltpu.sync_copy(ones_v, acc.at[idx_d], add=True)
        return carry

    lax.fori_loop(0, NITER, body, 0)
    plsc.subcore_barrier()
    pltpu.sync_copy(acc.at[pl.ds(r0, RPT)], out_hbm.at[pl.ds(c * N + r0, RPT)])

    @pl.when(s == NS - 1)
    def _():
        pltpu.sync_copy(acc.at[pl.ds(TBASE, TAIL)],
                        out_hbm.at[pl.ds(c * N + TBASE, TAIL)])



def _leaky(x):
    return jnp.where(x >= 0, x, 0.01 * x)


def _tc0_body(x_ref, deg_ref, wl_ref, wr_ref, b_ref, p_ref, r_ref, inv_ref):
    h = x_ref[...]
    p_ref[...] = jnp.dot(h, wl_ref[...], preferred_element_type=jnp.float32)
    r_ref[...] = jnp.dot(h, wr_ref[...], preferred_element_type=jnp.float32) + b_ref[...]
    dsum = deg_ref[0] + deg_ref[1]
    inv = 1.0 / jnp.maximum(dsum[:, 0:1], 1.0)
    inv_ref[...] = jnp.broadcast_to(inv, (BN, D))


def _tc0(x, deg2, wl, wr, b):
    return pl.pallas_call(
        _tc0_body,
        grid=(NG,),
        in_specs=[
            pl.BlockSpec((BN, D), lambda i: (i, 0)),
            pl.BlockSpec((2, BN, D), lambda i: (0, i, 0)),
            pl.BlockSpec((D, D), lambda i: (0, 0)),
            pl.BlockSpec((D, D), lambda i: (0, 0)),
            pl.BlockSpec((1, D), lambda i: (0, 0)),
        ],
        out_specs=[pl.BlockSpec((BN, D), lambda i: (i, 0))] * 3,
        out_shape=[jax.ShapeDtypeStruct((N, D), jnp.float32)] * 3,
    )(x, deg2, wl, wr, b)


def _combine_body_res(agg_ref, inv_ref, rp_ref, hp_ref, wl_ref, wr_ref, b_ref,
                      h_ref, p_ref, r_ref):
    t = (agg_ref[0] + agg_ref[1]) * inv_ref[...] + rp_ref[...]
    h = hp_ref[...] + _leaky(t)
    h_ref[...] = h
    p_ref[...] = jnp.dot(h, wl_ref[...], preferred_element_type=jnp.float32)
    r_ref[...] = jnp.dot(h, wr_ref[...], preferred_element_type=jnp.float32) + b_ref[...]


def _combine_body_nores(agg_ref, inv_ref, rp_ref, wl_ref, wr_ref, b_ref,
                        h_ref, p_ref, r_ref):
    t = (agg_ref[0] + agg_ref[1]) * inv_ref[...] + rp_ref[...]
    h = _leaky(t)
    h_ref[...] = h
    p_ref[...] = jnp.dot(h, wl_ref[...], preferred_element_type=jnp.float32)
    r_ref[...] = jnp.dot(h, wr_ref[...], preferred_element_type=jnp.float32) + b_ref[...]


def _tc_combine(agg2, invdeg, r_prev, h_prev, wl, wr, b, residual):
    nd_spec = pl.BlockSpec((BN, D), lambda i: (i, 0))
    in_specs = [
        pl.BlockSpec((2, BN, D), lambda i: (0, i, 0)),
        nd_spec,
        nd_spec,
    ]
    args = [agg2, invdeg, r_prev]
    if residual:
        in_specs.append(nd_spec)
        args.append(h_prev)
    in_specs += [
        pl.BlockSpec((D, D), lambda i: (0, 0)),
        pl.BlockSpec((D, D), lambda i: (0, 0)),
        pl.BlockSpec((1, D), lambda i: (0, 0)),
    ]
    args += [wl, wr, b]
    body = _combine_body_res if residual else _combine_body_nores
    return pl.pallas_call(
        body,
        grid=(NG,),
        in_specs=in_specs,
        out_specs=[nd_spec] * 3,
        out_shape=[jax.ShapeDtypeStruct((N, D), jnp.float32)] * 3,
    )(*args)


def _pool_body(agg_ref, inv_ref, rp_ref, hp_ref, batch_ref, out_ref, cnt_ref):
    gi = pl.program_id(0)
    t = (agg_ref[0] + agg_ref[1]) * inv_ref[...] + rp_ref[...]
    h4 = hp_ref[...] + _leaky(t)

    bt = batch_ref[...]
    gid = lax.broadcasted_iota(jnp.int32, (G, BN), 0)
    col = lax.broadcasted_iota(jnp.int32, (G, BN), 1) + gi * BN
    m = jnp.logical_and(bt == gid, col < N)
    mf = m.astype(jnp.float32)

    @pl.when(gi == 0)
    def _():
        out_ref[...] = jnp.zeros((G, D), jnp.float32)
        cnt_ref[...] = jnp.zeros((G, D), jnp.float32)

    out_ref[...] += jnp.dot(mf, h4, preferred_element_type=jnp.float32)
    cnt_ref[...] += jnp.broadcast_to(
        jnp.sum(mf, axis=1, keepdims=True), (G, D))

    @pl.when(gi == NG - 1)
    def _():
        out_ref[...] = out_ref[...] / jnp.maximum(cnt_ref[...], 1.0)


def _tc_pool(agg2, invdeg, r_prev, h_prev, batch2):
    nd_spec = pl.BlockSpec((BN, D), lambda i: (i, 0))
    return pl.pallas_call(
        _pool_body,
        grid=(NG,),
        in_specs=[
            pl.BlockSpec((2, BN, D), lambda i: (0, i, 0)),
            nd_spec,
            nd_spec,
            nd_spec,
            pl.BlockSpec((1, BN), lambda i: (0, i)),
        ],
        out_specs=pl.BlockSpec((G, D), lambda i: (0, 0)),
        out_shape=jax.ShapeDtypeStruct((G, D), jnp.float32),
        scratch_shapes=[pltpu.VMEM((G, D), jnp.float32)],
    )(agg2, invdeg, r_prev, h_prev, batch2)



def kernel(X, edge_index, batch, Wl, Wr, b):
    src = edge_index[0]
    dst = edge_index[1]
    batch2 = batch.reshape(1, N)
    b2 = b.reshape(4, 1, D)

    zeros_nd = jnp.zeros((N, D), jnp.float32)
    ones_ek = jnp.ones((EK, D), jnp.float32)

    deg2 = _sc_deg(dst, ones_ek, zeros_nd).reshape(2, N, D)

    p0, r0, invdeg = _tc0(X, deg2, Wl[0], Wr[0], b2[0])

    agg0 = _sc_agg(p0, src, dst, zeros_nd).reshape(2, N, D)
    h1, p1, r1 = _tc_combine(agg0, invdeg, r0, None, Wl[1], Wr[1], b2[1],
                             residual=False)

    agg1 = _sc_agg(p1, src, dst, zeros_nd).reshape(2, N, D)
    h2, p2, r2 = _tc_combine(agg1, invdeg, r1, None, Wl[2], Wr[2], b2[2],
                             residual=False)

    agg2_ = _sc_agg(p2, src, dst, zeros_nd).reshape(2, N, D)
    h3, p3, r3 = _tc_combine(agg2_, invdeg, r2, h2, Wl[3], Wr[3], b2[3],
                             residual=True)

    agg3 = _sc_agg(p3, src, dst, zeros_nd).reshape(2, N, D)
    return _tc_pool(agg3, invdeg, r3, h3, batch2)

# --- scband reference (transcript-rebuilt; emitter-appended) ---
"""Pipeline reference for scband-graph-convolution-sage-1614907703383 (READ-ONLY COPY).

The authoritative reference and input builder live on the scoring server;
editing this copy changes nothing except your own understanding.
"""

import jax, jax.numpy as jnp
import numpy as np

N = 10000      # nodes
E = 320000     # edges
D = 128        # in_feats
H = 128        # hidden_dim
L = 4          # total SAGEConv layers: 2 base + num_resnet_layers(2)
G = 64         # number of graphs in batch


def setup_inputs(seed: int = 0) -> dict:
    key = jax.random.key(seed)
    ks = jax.random.split(key, 6)
    X = jax.random.normal(ks[0], (N, D), dtype=jnp.float32)
    edge_index = jax.random.randint(ks[1], (2, E), 0, N, dtype=jnp.int32)
    batch = jnp.sort(jax.random.randint(ks[2], (N,), 0, G, dtype=jnp.int32))
    scale = 1.0 / np.sqrt(H)
    # SAGEConv params per layer: W_l applied to mean-aggregated neighbors (with bias),
    # W_r applied to root node features. All layers are 128->128.
    Wl = jax.random.normal(ks[3], (L, D, H), dtype=jnp.float32) * scale
    Wr = jax.random.normal(ks[4], (L, D, H), dtype=jnp.float32) * scale
    b = jnp.zeros((L, H), dtype=jnp.float32)
    return {"X": X, "edge_index": edge_index, "batch": batch, "Wl": Wl, "Wr": Wr, "b": b}


def _leaky_relu(x, negative_slope=0.01):
    return jnp.where(x >= 0, x, negative_slope * x)


def _sage_conv(h, src, dst, Wl_i, Wr_i, b_i):
    # message passing: gather source node features, mean-aggregate at destination
    msgs = h[src]                                            # gather [E, D]
    agg = jax.ops.segment_sum(msgs, dst, num_segments=N)     # scatter-add [N, D]
    deg = jax.ops.segment_sum(jnp.ones((src.shape[0],), h.dtype), dst, num_segments=N)
    mean = agg / jnp.maximum(deg, 1.0)[:, None]
    return mean @ Wl_i + h @ Wr_i + b_i


def reference(X, edge_index, batch, Wl, Wr, b):
    src = edge_index[0]
    dst = edge_index[1]
    h = X
    for i in range(L):
        h_new = _sage_conv(h, src, dst, Wl[i], Wr[i], b[i])
        h_new = _leaky_relu(h_new)
        h = h_new if i < 2 else h + h_new
    # global_mean_pool over graphs
    gsum = jax.ops.segment_sum(h, batch, num_segments=G)
    cnt = jax.ops.segment_sum(jnp.ones((N,), h.dtype), batch, num_segments=G)
    return gsum / jnp.maximum(cnt, 1.0)[:, None]

if __name__ == "__main__":
    import jax
    _d = setup_inputs()
    print(jax.jit(kernel)(*tuple(_d.values())))

</pallas_src>

<mosaic_0001>
#map = affine_map<(d0, d1) -> (0, 0)>
#map1 = affine_map<(d0, d1) -> (0)>
module attributes {stable_mosaic.version = 14 : i64} {
  func.func @_sc_agg(%arg0: i32, %arg1: i32, %arg2: memref<10000x128xf32, #tpu.memory_space<hbm>>, %arg3: memref<320000xi32, #tpu.memory_space<hbm>>, %arg4: memref<320000xi32, #tpu.memory_space<hbm>>, %arg5: memref<10000x128xf32, #tpu.memory_space<hbm>>, %arg6: memref<20000x128xf32, #tpu.memory_space<hbm>>, %arg7: memref<80xi32, #tpu.memory_space<vmem>>, %arg8: memref<80xi32, #tpu.memory_space<vmem>>, %arg9: memref<80x128xf32, #tpu.memory_space<vmem>>, %arg10: memref<10000x128xf32, #tpu.memory_space<vmem_shared>>, %arg11: memref<!tpu.dma_semaphore, #tpu.memory_space<semaphore_mem>>) attributes {dimension_semantics = [#tpu.dimension_semantics<core_parallel>, #tpu.dimension_semantics<subcore_parallel>], iteration_bounds = array<i64: 2, 16>, scalar_prefetch = 0 : i64, scratch_operands = 5 : i64, tpu.core_type = #tpu.core_type<sc_vector_subcore>, window_params = [{transform_indices = #map}, {transform_indices = #map1}, {transform_indices = #map1}, {transform_indices = #map}, {transform_indices = #map}]} {
    %mul3A = arith.constant 2 : i32
    %mul3A_0 = arith.muli %arg1, %mul3A : i32
    %add3A = arith.addi %mul3A_0, %arg0 : i32
    %mul3A_1 = arith.constant 624 : i32
    %mul3A_2 = arith.muli %arg1, %mul3A_1 : i32
    "tpu.region"() ({
      %run_scoped3A = tpu.sem_alloc : memref<!tpu.dma_semaphore, #tpu.memory_space<semaphore_mem>>
      %dma_start3A = arith.constant 0 : i32
      %dma_start3A_21 = tpu.memref_slice %arg10[%mul3A_2, %dma_start3A] : memref<10000x128xf32, #tpu.memory_space<vmem_shared>> -> memref<624x128xf32, #tpu.memory_space<vmem_shared>>
      %dma_start3A_22 = arith.constant 0 : i32
      %dma_start3A_23 = tpu.memref_slice %arg5[%mul3A_2, %dma_start3A_22] : memref<10000x128xf32, #tpu.memory_space<hbm>> -> memref<624x128xf32, #tpu.memory_space<hbm>>
      tpu.enqueue_dma source(%dma_start3A_23 : memref<624x128xf32, #tpu.memory_space<hbm>>) target(%dma_start3A_21 : memref<624x128xf32, #tpu.memory_space<vmem_shared>>) target_semaphore(%run_scoped3A : memref<!tpu.dma_semaphore, #tpu.memory_space<semaphore_mem>>)
      %dma_wait3A = arith.constant 0 : i32
      %dma_wait3A_24 = tpu.memref_slice %arg10[%mul3A_2, %dma_wait3A] : memref<10000x128xf32, #tpu.memory_space<vmem_shared>> -> memref<624x128xf32, #tpu.memory_space<vmem_shared>>
      %dma_wait3A_25 = arith.constant 0 : i32
      %dma_wait3A_26 = tpu.memref_slice %arg5[%mul3A_2, %dma_wait3A_25] : memref<10000x128xf32, #tpu.memory_space<hbm>> -> memref<624x128xf32, #tpu.memory_space<hbm>>
      tpu.wait_dma2 semaphore(%run_scoped3A : memref<!tpu.dma_semaphore, #tpu.memory_space<semaphore_mem>>) src(%dma_wait3A_26 : memref<624x128xf32, #tpu.memory_space<hbm>>) dst(%dma_wait3A_24 : memref<624x128xf32, #tpu.memory_space<vmem_shared>>)
      tpu.yield
    }) : () -> ()
    %eq3A = arith.constant 15 : i32
    %eq3A_3 = arith.cmpi eq, %arg1, %eq3A : i32
    %convert_element_type3A = arith.extui %eq3A_3 : i1 to i32
    %cond3A = arith.constant 0 : i32
    %cond3A_4 = arith.cmpi ne, %convert_element_type3A, %cond3A : i32
    scf.if %cond3A_4 {
      "tpu.region"() ({
        %run_scoped3A = tpu.sem_alloc : memref<!tpu.dma_semaphore, #tpu.memory_space<semaphore_mem>>
        %dma_start3A = arith.constant 9984 : i32
        %dma_start3A_21 = arith.constant 0 : i32
        %dma_start3A_22 = tpu.memref_slice %arg10[%dma_start3A, %dma_start3A_21] : memref<10000x128xf32, #tpu.memory_space<vmem_shared>> -> memref<16x128xf32, #tpu.memory_space<vmem_shared>>
        %dma_start3A_23 = arith.constant 9984 : i32
        %dma_start3A_24 = arith.constant 0 : i32
        %dma_start3A_25 = tpu.memref_slice %arg5[%dma_start3A_23, %dma_start3A_24] : memref<10000x128xf32, #tpu.memory_space<hbm>> -> memref<16x128xf32, #tpu.memory_space<hbm>>
        tpu.enqueue_dma source(%dma_start3A_25 : memref<16x128xf32, #tpu.memory_space<hbm>>) target(%dma_start3A_22 : memref<16x128xf32, #tpu.memory_space<vmem_shared>>) target_semaphore(%run_scoped3A : memref<!tpu.dma_semaphore, #tpu.memory_space<semaphore_mem>>)
        %dma_wait3A = arith.constant 9984 : i32
        %dma_wait3A_26 = arith.constant 0 : i32
        %dma_wait3A_27 = tpu.memref_slice %arg10[%dma_wait3A, %dma_wait3A_26] : memref<10000x128xf32, #tpu.memory_space<vmem_shared>> -> memref<16x128xf32, #tpu.memory_space<vmem_shared>>
        %dma_wait3A_28 = arith.constant 9984 : i32
        %dma_wait3A_29 = arith.constant 0 : i32
        %dma_wait3A_30 = tpu.memref_slice %arg5[%dma_wait3A_28, %dma_wait3A_29] : memref<10000x128xf32, #tpu.memory_space<hbm>> -> memref<16x128xf32, #tpu.memory_space<hbm>>
        tpu.wait_dma2 semaphore(%run_scoped3A : memref<!tpu.dma_semaphore, #tpu.memory_space<semaphore_mem>>) src(%dma_wait3A_30 : memref<16x128xf32, #tpu.memory_space<hbm>>) dst(%dma_wait3A_27 : memref<16x128xf32, #tpu.memory_space<vmem_shared>>)
        tpu.yield
      }) : () -> ()
    } else {
    }
    %barrier3A = arith.constant 0 : index
    tpu.barrier barrier_id(%barrier3A)
    %mul3A_5 = arith.constant 10000 : i32
    %mul3A_6 = arith.muli %add3A, %mul3A_5 : i32
    %scan3A = arith.constant 0 : i32
    %scan3A_7 = arith.constant 0 : i32
    %scan3A_8 = arith.constant 125 : i32
    %scan3A_9 = arith.addi %scan3A_7, %scan3A_8 : i32
    %scan3A_10 = arith.constant 1 : i32
    scf.for %scan3A_21 = %scan3A_7 to %scan3A_9 step %scan3A_10  : i32 {
      %mul3A_22 = arith.constant 80 : i32
      %mul3A_23 = arith.muli %scan3A_21, %mul3A_22 : i32
      %add3A_24 = arith.addi %mul3A_6, %mul3A_23 : i32
      "tpu.region"() ({
        %run_scoped3A = tpu.sem_alloc : memref<!tpu.dma_semaphore, #tpu.memory_space<semaphore_mem>>
        %dma_start3A_29 = tpu.memref_slice %arg3[%add3A_24] : memref<320000xi32, #tpu.memory_space<hbm>> -> memref<80xi32, #tpu.memory_space<hbm>>
        %dma_start3A_30 = tpu.memref_slice %arg3[%add3A_24] : memref<320000xi32, #tpu.memory_space<hbm>> -> memref<80xi32, #tpu.memory_space<hbm>>
        tpu.enqueue_dma source(%dma_start3A_30 : memref<80xi32, #tpu.memory_space<hbm>>) target(%arg7 : memref<80xi32, #tpu.memory_space<vmem>>) target_semaphore(%run_scoped3A : memref<!tpu.dma_semaphore, #tpu.memory_space<semaphore_mem>>)
        %dma_wait3A_31 = tpu.memref_slice %arg3[%add3A_24] : memref<320000xi32, #tpu.memory_space<hbm>> -> memref<80xi32, #tpu.memory_space<hbm>>
        %dma_wait3A_32 = tpu.memref_slice %arg3[%add3A_24] : memref<320000xi32, #tpu.memory_space<hbm>> -> memref<80xi32, #tpu.memory_space<hbm>>
        tpu.wait_dma2 semaphore(%run_scoped3A : memref<!tpu.dma_semaphore, #tpu.memory_space<semaphore_mem>>) src(%dma_wait3A_32 : memref<80xi32, #tpu.memory_space<hbm>>) dst(%arg7 : memref<80xi32, #tpu.memory_space<vmem>>)
        tpu.yield
      }) : () -> ()
      "tpu.region"() ({
        %run_scoped3A = tpu.sem_alloc : memref<!tpu.dma_semaphore, #tpu.memory_space<semaphore_mem>>
        %dma_start3A_29 = tpu.memref_slice %arg4[%add3A_24] : memref<320000xi32, #tpu.memory_space<hbm>> -> memref<80xi32, #tpu.memory_space<hbm>>
        %dma_start3A_30 = tpu.memref_slice %arg4[%add3A_24] : memref<320000xi32, #tpu.memory_space<hbm>> -> memref<80xi32, #tpu.memory_space<hbm>>
        tpu.enqueue_dma source(%dma_start3A_30 : memref<80xi32, #tpu.memory_space<hbm>>) target(%arg8 : memref<80xi32, #tpu.memory_space<vmem>>) target_semaphore(%run_scoped3A : memref<!tpu.dma_semaphore, #tpu.memory_space<semaphore_mem>>)
        %dma_wait3A_31 = tpu.memref_slice %arg4[%add3A_24] : memref<320000xi32, #tpu.memory_space<hbm>> -> memref<80xi32, #tpu.memory_space<hbm>>
        %dma_wait3A_32 = tpu.memref_slice %arg4[%add3A_24] : memref<320000xi32, #tpu.memory_space<hbm>> -> memref<80xi32, #tpu.memory_space<hbm>>
        tpu.wait_dma2 semaphore(%run_scoped3A : memref<!tpu.dma_semaphore, #tpu.memory_space<semaphore_mem>>) src(%dma_wait3A_32 : memref<80xi32, #tpu.memory_space<hbm>>) dst(%arg8 : memref<80xi32, #tpu.memory_space<vmem>>)
        tpu.yield
      }) : () -> ()
      %dma_start3A = arith.constant 0 : i32
      %dma_start3A_25 = arith.constant 0 : i32
      %dma_start3A_26 = tpu.memref_slice %arg2[%dma_start3A, %dma_start3A_25] : memref<10000x128xf32, #tpu.memory_space<hbm>> -> memref<10000x128xf32, #tpu.memory_space<hbm>>
      tpu.enqueue_indirect_dma source(%dma_start3A_26 : memref<10000x128xf32, #tpu.memory_space<hbm>>) target(%arg9 : memref<80x128xf32, #tpu.memory_space<vmem>>) offsets(%arg7 : memref<80xi32, #tpu.memory_space<vmem>>) semaphore(%arg11 : memref<!tpu.dma_semaphore, #tpu.memory_space<semaphore_mem>>)
      %dma_wait3A = arith.constant 0 : i32
      %dma_wait3A_27 = arith.constant 0 : i32
      %dma_wait3A_28 = tpu.memref_slice %arg2[%dma_wait3A, %dma_wait3A_27] : memref<10000x128xf32, #tpu.memory_space<hbm>> -> memref<10000x128xf32, #tpu.memory_space<hbm>>
      tpu.wait_indirect_dma semaphore(%arg11 : memref<!tpu.dma_semaphore, #tpu.memory_space<semaphore_mem>>) src(%dma_wait3A_28 : memref<10000x128xf32, #tpu.memory_space<hbm>>) dst(%arg9 : memref<80x128xf32, #tpu.memory_space<vmem>>)
      "tpu.region"() ({
        %run_scoped3A = tpu.sem_alloc : memref<!tpu.dma_semaphore, #tpu.memory_space<semaphore_mem>>
        %dma_start3A_29 = arith.constant 0 : i32
        %dma_start3A_30 = arith.constant 0 : i32
        %dma_start3A_31 = tpu.memref_slice %arg10[%dma_start3A_29, %dma_start3A_30] : memref<10000x128xf32, #tpu.memory_space<vmem_shared>> -> memref<10000x128xf32, #tpu.memory_space<vmem_shared>>
        tpu.enqueue_indirect_dma source(%arg9 : memref<80x128xf32, #tpu.memory_space<vmem>>) target(%dma_start3A_31 : memref<10000x128xf32, #tpu.memory_space<vmem_shared>>) offsets(%arg8 : memref<80xi32, #tpu.memory_space<vmem>>) semaphore(%run_scoped3A : memref<!tpu.dma_semaphore, #tpu.memory_space<semaphore_mem>>) {add = true}
        %dma_wait3A_32 = arith.constant 0 : i32
        %dma_wait3A_33 = arith.constant 0 : i32
        %dma_wait3A_34 = tpu.memref_slice %arg10[%dma_wait3A_32, %dma_wait3A_33] : memref<10000x128xf32, #tpu.memory_space<vmem_shared>> -> memref<10000x128xf32, #tpu.memory_space<vmem_shared>>
        tpu.wait_indirect_dma semaphore(%run_scoped3A : memref<!tpu.dma_semaphore, #tpu.memory_space<semaphore_mem>>) src(%arg9 : memref<80x128xf32, #tpu.memory_space<vmem>>) dst(%dma_wait3A_34 : memref<10000x128xf32, #tpu.memory_space<vmem_shared>>)
        tpu.yield
      }) : () -> ()
    }
    %scan3A_11 = arith.constant 125 : i32
    %barrier3A_12 = arith.constant 0 : index
    tpu.barrier barrier_id(%barrier3A_12)
    %mul3A_13 = arith.constant 10000 : i32
    %mul3A_14 = arith.muli %arg0, %mul3A_13 : i32
    %add3A_15 = arith.addi %mul3A_14, %mul3A_2 : i32
    "tpu.region"() ({
      %run_scoped3A = tpu.sem_alloc : memref<!tpu.dma_semaphore, #tpu.memory_space<semaphore_mem>>
      %dma_start3A = arith.constant 0 : i32
      %dma_start3A_21 = tpu.memref_slice %arg6[%add3A_15, %dma_start3A] : memref<20000x128xf32, #tpu.memory_space<hbm>> -> memref<624x128xf32, #tpu.memory_space<hbm>>
      %dma_start3A_22 = arith.constant 0 : i32
      %dma_start3A_23 = tpu.memref_slice %arg10[%mul3A_2, %dma_start3A_22] : memref<10000x128xf32, #tpu.memory_space<vmem_shared>> -> memref<624x128xf32, #tpu.memory_space<vmem_shared>>
      tpu.enqueue_dma source(%dma_start3A_23 : memref<624x128xf32, #tpu.memory_space<vmem_shared>>) target(%dma_start3A_21 : memref<624x128xf32, #tpu.memory_space<hbm>>) target_semaphore(%run_scoped3A : memref<!tpu.dma_semaphore, #tpu.memory_space<semaphore_mem>>)
      %dma_wait3A = arith.constant 0 : i32
      %dma_wait3A_24 = tpu.memref_slice %arg6[%add3A_15, %dma_wait3A] : memref<20000x128xf32, #tpu.memory_space<hbm>> -> memref<624x128xf32, #tpu.memory_space<hbm>>
      %dma_wait3A_25 = arith.constant 0 : i32
      %dma_wait3A_26 = tpu.memref_slice %arg10[%mul3A_2, %dma_wait3A_25] : memref<10000x128xf32, #tpu.memory_space<vmem_shared>> -> memref<624x128xf32, #tpu.memory_space<vmem_shared>>
      tpu.wait_dma2 semaphore(%run_scoped3A : memref<!tpu.dma_semaphore, #tpu.memory_space<semaphore_mem>>) src(%dma_wait3A_26 : memref<624x128xf32, #tpu.memory_space<vmem_shared>>) dst(%dma_wait3A_24 : memref<624x128xf32, #tpu.memory_space<hbm>>)
      tpu.yield
    }) : () -> ()
    %eq3A_16 = arith.constant 15 : i32
    %eq3A_17 = arith.cmpi eq, %arg1, %eq3A_16 : i32
    %convert_element_type3A_18 = arith.extui %eq3A_17 : i1 to i32
    %cond3A_19 = arith.constant 0 : i32
    %cond3A_20 = arith.cmpi ne, %convert_element_type3A_18, %cond3A_19 : i32
    scf.if %cond3A_20 {
      %mul3A_21 = arith.constant 10000 : i32
      %mul3A_22 = arith.muli %arg0, %mul3A_21 : i32
      %add3A_23 = arith.constant 9984 : i32
      %add3A_24 = arith.addi %mul3A_22, %add3A_23 : i32
      "tpu.region"() ({
        %run_scoped3A = tpu.sem_alloc : memref<!tpu.dma_semaphore, #tpu.memory_space<semaphore_mem>>
        %dma_start3A = arith.constant 0 : i32
        %dma_start3A_25 = tpu.memref_slice %arg6[%add3A_24, %dma_start3A] : memref<20000x128xf32, #tpu.memory_space<hbm>> -> memref<16x128xf32, #tpu.memory_space<hbm>>
        %dma_start3A_26 = arith.constant 9984 : i32
        %dma_start3A_27 = arith.constant 0 : i32
        %dma_start3A_28 = tpu.memref_slice %arg10[%dma_start3A_26, %dma_start3A_27] : memref<10000x128xf32, #tpu.memory_space<vmem_shared>> -> memref<16x128xf32, #tpu.memory_space<vmem_shared>>
        tpu.enqueue_dma source(%dma_start3A_28 : memref<16x128xf32, #tpu.memory_space<vmem_shared>>) target(%dma_start3A_25 : memref<16x128xf32, #tpu.memory_space<hbm>>) target_semaphore(%run_scoped3A : memref<!tpu.dma_semaphore, #tpu.memory_space<semaphore_mem>>)
        %dma_wait3A = arith.constant 0 : i32
        %dma_wait3A_29 = tpu.memref_slice %arg6[%add3A_24, %dma_wait3A] : memref<20000x128xf32, #tpu.memory_space<hbm>> -> memref<16x128xf32, #tpu.memory_space<hbm>>
        %dma_wait3A_30 = arith.constant 9984 : i32
        %dma_wait3A_31 = arith.constant 0 : i32
        %dma_wait3A_32 = tpu.memref_slice %arg10[%dma_wait3A_30, %dma_wait3A_31] : memref<10000x128xf32, #tpu.memory_space<vmem_shared>> -> memref<16x128xf32, #tpu.memory_space<vmem_shared>>
        tpu.wait_dma2 semaphore(%run_scoped3A : memref<!tpu.dma_semaphore, #tpu.memory_space<semaphore_mem>>) src(%dma_wait3A_32 : memref<16x128xf32, #tpu.memory_space<vmem_shared>>) dst(%dma_wait3A_29 : memref<16x128xf32, #tpu.memory_space<hbm>>)
        tpu.yield
      }) : () -> ()
    } else {
    }
    return
  }
}

#map = affine_map<(d0, d1) -> (0, 0)>
#map1 = affine_map<(d0, d1) -> (0)>
module attributes {stable_mosaic.version = 14 : i64} {
  func.func @_sc_agg(%arg0: i32, %arg1: i32, %arg2: memref<10000x128xf32, #tpu.memory_space<hbm>>, %arg3: memref<320000xi32, #tpu.memory_space<hbm>>, %arg4: memref<320000xi32, #tpu.memory_space<hbm>>, %arg5: memref<10000x128xf32, #tpu.memory_space<hbm>>, %arg6: memref<20000x128xf32, #tpu.memory_space<hbm>>, %arg7: memref<80xi32, #tpu.memory_space<vmem>>, %arg8: memref<80xi32, #tpu.memory_space<vmem>>, %arg9: memref<80x128xf32, #tpu.memory_space<vmem>>, %arg10: memref<10000x128xf32, #tpu.memory_space<vmem_shared>>, %arg11: memref<!tpu.dma_semaphore, #tpu.memory_space<semaphore_mem>>) attributes {dimension_semantics = [#tpu.dimension_semantics<core_parallel>, #tpu.dimension_semantics<subcore_parallel>], iteration_bounds = array<i64: 2, 16>, scalar_prefetch = 0 : i64, scratch_operands = 5 : i64, tpu.core_type = #tpu.core_type<sc_vector_subcore>, window_params = [{transform_indices = #map}, {transform_indices = #map1}, {transform_indices = #map1}, {transform_indices = #map}, {transform_indices = #map}]} {
    %mul3A = arith.constant 2 : i32
    %mul3A_0 = arith.muli %arg1, %mul3A : i32
    %add3A = arith.addi %mul3A_0, %arg0 : i32
    %mul3A_1 = arith.constant 624 : i32
    %mul3A_2 = arith.muli %arg1, %mul3A_1 : i32
    "tpu.region"() ({
      %run_scoped3A = tpu.sem_alloc : memref<!tpu.dma_semaphore, #tpu.memory_space<semaphore_mem>>
      %dma_start3A = arith.constant 0 : i32
      %dma_start3A_21 = tpu.memref_slice %arg10[%mul3A_2, %dma_start3A] : memref<10000x128xf32, #tpu.memory_space<vmem_shared>> -> memref<624x128xf32, #tpu.memory_space<vmem_shared>>
      %dma_start3A_22 = arith.constant 0 : i32
      %dma_start3A_23 = tpu.memref_slice %arg5[%mul3A_2, %dma_start3A_22] : memref<10000x128xf32, #tpu.memory_space<hbm>> -> memref<624x128xf32, #tpu.memory_space<hbm>>
      tpu.enqueue_dma source(%dma_start3A_23 : memref<624x128xf32, #tpu.memory_space<hbm>>) target(%dma_start3A_21 : memref<624x128xf32, #tpu.memory_space<vmem_shared>>) target_semaphore(%run_scoped3A : memref<!tpu.dma_semaphore, #tpu.memory_space<semaphore_mem>>)
      %dma_wait3A = arith.constant 0 : i32
      %dma_wait3A_24 = tpu.memref_slice %arg10[%mul3A_2, %dma_wait3A] : memref<10000x128xf32, #tpu.memory_space<vmem_shared>> -> memref<624x128xf32, #tpu.memory_space<vmem_shared>>
      %dma_wait3A_25 = arith.constant 0 : i32
      %dma_wait3A_26 = tpu.memref_slice %arg5[%mul3A_2, %dma_wait3A_25] : memref<10000x128xf32, #tpu.memory_space<hbm>> -> memref<624x128xf32, #tpu.memory_space<hbm>>
      tpu.wait_dma2 semaphore(%run_scoped3A : memref<!tpu.dma_semaphore, #tpu.memory_space<semaphore_mem>>) src(%dma_wait3A_26 : memref<624x128xf32, #tpu.memory_space<hbm>>) dst(%dma_wait3A_24 : memref<624x128xf32, #tpu.memory_space<vmem_shared>>)
      tpu.yield
    }) : () -> ()
    %eq3A = arith.constant 15 : i32
    %eq3A_3 = arith.cmpi eq, %arg1, %eq3A : i32
    %convert_element_type3A = arith.extui %eq3A_3 : i1 to i32
    %cond3A = arith.constant 0 : i32
    %cond3A_4 = arith.cmpi ne, %convert_element_type3A, %cond3A : i32
    scf.if %cond3A_4 {
      "tpu.region"() ({
        %run_scoped3A = tpu.sem_alloc : memref<!tpu.dma_semaphore, #tpu.memory_space<semaphore_mem>>
        %dma_start3A = arith.constant 9984 : i32
        %dma_start3A_21 = arith.constant 0 : i32
        %dma_start3A_22 = tpu.memref_slice %arg10[%dma_start3A, %dma_start3A_21] : memref<10000x128xf32, #tpu.memory_space<vmem_shared>> -> memref<16x128xf32, #tpu.memory_space<vmem_shared>>
        %dma_start3A_23 = arith.constant 9984 : i32
        %dma_start3A_24 = arith.constant 0 : i32
        %dma_start3A_25 = tpu.memref_slice %arg5[%dma_start3A_23, %dma_start3A_24] : memref<10000x128xf32, #tpu.memory_space<hbm>> -> memref<16x128xf32, #tpu.memory_space<hbm>>
        tpu.enqueue_dma source(%dma_start3A_25 : memref<16x128xf32, #tpu.memory_space<hbm>>) target(%dma_start3A_22 : memref<16x128xf32, #tpu.memory_space<vmem_shared>>) target_semaphore(%run_scoped3A : memref<!tpu.dma_semaphore, #tpu.memory_space<semaphore_mem>>)
        %dma_wait3A = arith.constant 9984 : i32
        %dma_wait3A_26 = arith.constant 0 : i32
        %dma_wait3A_27 = tpu.memref_slice %arg10[%dma_wait3A, %dma_wait3A_26] : memref<10000x128xf32, #tpu.memory_space<vmem_shared>> -> memref<16x128xf32, #tpu.memory_space<vmem_shared>>
        %dma_wait3A_28 = arith.constant 9984 : i32
        %dma_wait3A_29 = arith.constant 0 : i32
        %dma_wait3A_30 = tpu.memref_slice %arg5[%dma_wait3A_28, %dma_wait3A_29] : memref<10000x128xf32, #tpu.memory_space<hbm>> -> memref<16x128xf32, #tpu.memory_space<hbm>>
        tpu.wait_dma2 semaphore(%run_scoped3A : memref<!tpu.dma_semaphore, #tpu.memory_space<semaphore_mem>>) src(%dma_wait3A_30 : memref<16x128xf32, #tpu.memory_space<hbm>>) dst(%dma_wait3A_27 : memref<16x128xf32, #tpu.memory_space<vmem_shared>>)
        tpu.yield
      }) : () -> ()
    } else {
    }
    %barrier3A = arith.constant 0 : index
    tpu.barrier barrier_id(%barrier3A)
    %mul3A_5 = arith.constant 10000 : i32
    %mul3A_6 = arith.muli %add3A, %mul3A_5 : i32
    %scan3A = arith.constant 0 : i32
    %scan3A_7 = arith.constant 0 : i32
    %scan3A_8 = arith.constant 125 : i32
    %scan3A_9 = arith.addi %scan3A_7, %scan3A_8 : i32
    %scan3A_10 = arith.constant 1 : i32
    scf.for %scan3A_21 = %scan3A_7 to %scan3A_9 step %scan3A_10  : i32 {
      %mul3A_22 = arith.constant 80 : i32
      %mul3A_23 = arith.muli %scan3A_21, %mul3A_22 : i32
      %add3A_24 = arith.addi %mul3A_6, %mul3A_23 : i32
      "tpu.region"() ({
        %run_scoped3A = tpu.sem_alloc : memref<!tpu.dma_semaphore, #tpu.memory_space<semaphore_mem>>
        %dma_start3A_29 = tpu.memref_slice %arg3[%add3A_24] : memref<320000xi32, #tpu.memory_space<hbm>> -> memref<80xi32, #tpu.memory_space<hbm>>
        %dma_start3A_30 = tpu.memref_slice %arg3[%add3A_24] : memref<320000xi32, #tpu.memory_space<hbm>> -> memref<80xi32, #tpu.memory_space<hbm>>
        tpu.enqueue_dma source(%dma_start3A_30 : memref<80xi32, #tpu.memory_space<hbm>>) target(%arg7 : memref<80xi32, #tpu.memory_space<vmem>>) target_semaphore(%run_scoped3A : memref<!tpu.dma_semaphore, #tpu.memory_space<semaphore_mem>>)
        %dma_wait3A_31 = tpu.memref_slice %arg3[%add3A_24] : memref<320000xi32, #tpu.memory_space<hbm>> -> memref<80xi32, #tpu.memory_space<hbm>>
        %dma_wait3A_32 = tpu.memref_slice %arg3[%add3A_24] : memref<320000xi32, #tpu.memory_space<hbm>> -> memref<80xi32, #tpu.memory_space<hbm>>
        tpu.wait_dma2 semaphore(%run_scoped3A : memref<!tpu.dma_semaphore, #tpu.memory_space<semaphore_mem>>) src(%dma_wait3A_32 : memref<80xi32, #tpu.memory_space<hbm>>) dst(%arg7 : memref<80xi32, #tpu.memory_space<vmem>>)
        tpu.yield
      }) : () -> ()
      "tpu.region"() ({
        %run_scoped3A = tpu.sem_alloc : memref<!tpu.dma_semaphore, #tpu.memory_space<semaphore_mem>>
        %dma_start3A_29 = tpu.memref_slice %arg4[%add3A_24] : memref<320000xi32, #tpu.memory_space<hbm>> -> memref<80xi32, #tpu.memory_space<hbm>>
        %dma_start3A_30 = tpu.memref_slice %arg4[%add3A_24] : memref<320000xi32, #tpu.memory_space<hbm>> -> memref<80xi32, #tpu.memory_space<hbm>>
        tpu.enqueue_dma source(%dma_start3A_30 : memref<80xi32, #tpu.memory_space<hbm>>) target(%arg8 : memref<80xi32, #tpu.memory_space<vmem>>) target_semaphore(%run_scoped3A : memref<!tpu.dma_semaphore, #tpu.memory_space<semaphore_mem>>)
        %dma_wait3A_31 = tpu.memref_slice %arg4[%add3A_24] : memref<320000xi32, #tpu.memory_space<hbm>> -> memref<80xi32, #tpu.memory_space<hbm>>
        %dma_wait3A_32 = tpu.memref_slice %arg4[%add3A_24] : memref<320000xi32, #tpu.memory_space<hbm>> -> memref<80xi32, #tpu.memory_space<hbm>>
        tpu.wait_dma2 semaphore(%run_scoped3A : memref<!tpu.dma_semaphore, #tpu.memory_space<semaphore_mem>>) src(%dma_wait3A_32 : memref<80xi32, #tpu.memory_space<hbm>>) dst(%arg8 : memref<80xi32, #tpu.memory_space<vmem>>)
        tpu.yield
      }) : () -> ()
      %dma_start3A = arith.constant 0 : i32
      %dma_start3A_25 = arith.constant 0 : i32
      %dma_start3A_26 = tpu.memref_slice %arg2[%dma_start3A, %dma_start3A_25] : memref<10000x128xf32, #tpu.memory_space<hbm>> -> memref<10000x128xf32, #tpu.memory_space<hbm>>
      tpu.enqueue_indirect_dma source(%dma_start3A_26 : memref<10000x128xf32, #tpu.memory_space<hbm>>) target(%arg9 : memref<80x128xf32, #tpu.memory_space<vmem>>) offsets(%arg7 : memref<80xi32, #tpu.memory_space<vmem>>) semaphore(%arg11 : memref<!tpu.dma_semaphore, #tpu.memory_space<semaphore_mem>>)
      %dma_wait3A = arith.constant 0 : i32
      %dma_wait3A_27 = arith.constant 0 : i32
      %dma_wait3A_28 = tpu.memref_slice %arg2[%dma_wait3A, %dma_wait3A_27] : memref<10000x128xf32, #tpu.memory_space<hbm>> -> memref<10000x128xf32, #tpu.memory_space<hbm>>
      tpu.wait_indirect_dma semaphore(%arg11 : memref<!tpu.dma_semaphore, #tpu.memory_space<semaphore_mem>>) src(%dma_wait3A_28 : memref<10000x128xf32, #tpu.memory_space<hbm>>) dst(%arg9 : memref<80x128xf32, #tpu.memory_space<vmem>>)
      "tpu.region"() ({
        %run_scoped3A = tpu.sem_alloc : memref<!tpu.dma_semaphore, #tpu.memory_space<semaphore_mem>>
        %dma_start3A_29 = arith.constant 0 : i32
        %dma_start3A_30 = arith.constant 0 : i32
        %dma_start3A_31 = tpu.memref_slice %arg10[%dma_start3A_29, %dma_start3A_30] : memref<10000x128xf32, #tpu.memory_space<vmem_shared>> -> memref<10000x128xf32, #tpu.memory_space<vmem_shared>>
        tpu.enqueue_indirect_dma source(%arg9 : memref<80x128xf32, #tpu.memory_space<vmem>>) target(%dma_start3A_31 : memref<10000x128xf32, #tpu.memory_space<vmem_shared>>) offsets(%arg8 : memref<80xi32, #tpu.memory_space<vmem>>) semaphore(%run_scoped3A : memref<!tpu.dma_semaphore, #tpu.memory_space<semaphore_mem>>) {add = true}
        %dma_wait3A_32 = arith.constant 0 : i32
        %dma_wait3A_33 = arith.constant 0 : i32
        %dma_wait3A_34 = tpu.memref_slice %arg10[%dma_wait3A_32, %dma_wait3A_33] : memref<10000x128xf32, #tpu.memory_space<vmem_shared>> -> memref<10000x128xf32, #tpu.memory_space<vmem_shared>>
        tpu.wait_indirect_dma semaphore(%run_scoped3A : memref<!tpu.dma_semaphore, #tpu.memory_space<semaphore_mem>>) src(%arg9 : memref<80x128xf32, #tpu.memory_space<vmem>>) dst(%dma_wait3A_34 : memref<10000x128xf32, #tpu.memory_space<vmem_shared>>)
        tpu.yield
      }) : () -> ()
    }
    %scan3A_11 = arith.constant 125 : i32
    %barrier3A_12 = arith.constant 0 : index
    tpu.barrier barrier_id(%barrier3A_12)
    %mul3A_13 = arith.constant 10000 : i32
    %mul3A_14 = arith.muli %arg0, %mul3A_13 : i32
    %add3A_15 = arith.addi %mul3A_14, %mul3A_2 : i32
    "tpu.region"() ({
      %run_scoped3A = tpu.sem_alloc : memref<!tpu.dma_semaphore, #tpu.memory_space<semaphore_mem>>
      %dma_start3A = arith.constant 0 : i32
      %dma_start3A_21 = tpu.memref_slice %arg6[%add3A_15, %dma_start3A] : memref<20000x128xf32, #tpu.memory_space<hbm>> -> memref<624x128xf32, #tpu.memory_space<hbm>>
      %dma_start3A_22 = arith.constant 0 : i32
      %dma_start3A_23 = tpu.memref_slice %arg10[%mul3A_2, %dma_start3A_22] : memref<10000x128xf32, #tpu.memory_space<vmem_shared>> -> memref<624x128xf32, #tpu.memory_space<vmem_shared>>
      tpu.enqueue_dma source(%dma_start3A_23 : memref<624x128xf32, #tpu.memory_space<vmem_shared>>) target(%dma_start3A_21 : memref<624x128xf32, #tpu.memory_space<hbm>>) target_semaphore(%run_scoped3A : memref<!tpu.dma_semaphore, #tpu.memory_space<semaphore_mem>>)
      %dma_wait3A = arith.constant 0 : i32
      %dma_wait3A_24 = tpu.memref_slice %arg6[%add3A_15, %dma_wait3A] : memref<20000x128xf32, #tpu.memory_space<hbm>> -> memref<624x128xf32, #tpu.memory_space<hbm>>
      %dma_wait3A_25 = arith.constant 0 : i32
      %dma_wait3A_26 = tpu.memref_slice %arg10[%mul3A_2, %dma_wait3A_25] : memref<10000x128xf32, #tpu.memory_space<vmem_shared>> -> memref<624x128xf32, #tpu.memory_space<vmem_shared>>
      tpu.wait_dma2 semaphore(%run_scoped3A : memref<!tpu.dma_semaphore, #tpu.memory_space<semaphore_mem>>) src(%dma_wait3A_26 : memref<624x128xf32, #tpu.memory_space<vmem_shared>>) dst(%dma_wait3A_24 : memref<624x128xf32, #tpu.memory_space<hbm>>)
      tpu.yield
    }) : () -> ()
    %eq3A_16 = arith.constant 15 : i32
    %eq3A_17 = arith.cmpi eq, %arg1, %eq3A_16 : i32
    %convert_element_type3A_18 = arith.extui %eq3A_17 : i1 to i32
    %cond3A_19 = arith.constant 0 : i32
    %cond3A_20 = arith.cmpi ne, %convert_element_type3A_18, %cond3A_19 : i32
    scf.if %cond3A_20 {
      %mul3A_21 = arith.constant 10000 : i32
      %mul3A_22 = arith.muli %arg0, %mul3A_21 : i32
      %add3A_23 = arith.constant 9984 : i32
      %add3A_24 = arith.addi %mul3A_22, %add3A_23 : i32
      "tpu.region"() ({
        %run_scoped3A = tpu.sem_alloc : memref<!tpu.dma_semaphore, #tpu.memory_space<semaphore_mem>>
        %dma_start3A = arith.constant 0 : i32
        %dma_start3A_25 = tpu.memref_slice %arg6[%add3A_24, %dma_start3A] : memref<20000x128xf32, #tpu.memory_space<hbm>> -> memref<16x128xf32, #tpu.memory_space<hbm>>
        %dma_start3A_26 = arith.constant 9984 : i32
        %dma_start3A_27 = arith.constant 0 : i32
        %dma_start3A_28 = tpu.memref_slice %arg10[%dma_start3A_26, %dma_start3A_27] : memref<10000x128xf32, #tpu.memory_space<vmem_shared>> -> memref<16x128xf32, #tpu.memory_space<vmem_shared>>
        tpu.enqueue_dma source(%dma_start3A_28 : memref<16x128xf32, #tpu.memory_space<vmem_shared>>) target(%dma_start3A_25 : memref<16x128xf32, #tpu.memory_space<hbm>>) target_semaphore(%run_scoped3A : memref<!tpu.dma_semaphore, #tpu.memory_space<semaphore_mem>>)
        %dma_wait3A = arith.constant 0 : i32
        %dma_wait3A_29 = tpu.memref_slice %arg6[%add3A_24, %dma_wait3A] : memref<20000x128xf32, #tpu.memory_space<hbm>> -> memref<16x128xf32, #tpu.memory_space<hbm>>
        %dma_wait3A_30 = arith.constant 9984 : i32
        %dma_wait3A_31 = arith.constant 0 : i32
        %dma_wait3A_32 = tpu.memref_slice %arg10[%dma_wait3A_30, %dma_wait3A_31] : memref<10000x128xf32, #tpu.memory_space<vmem_shared>> -> memref<16x128xf32, #tpu.memory_space<vmem_shared>>
        tpu.wait_dma2 semaphore(%run_scoped3A : memref<!tpu.dma_semaphore, #tpu.memory_space<semaphore_mem>>) src(%dma_wait3A_32 : memref<16x128xf32, #tpu.memory_space<vmem_shared>>) dst(%dma_wait3A_29 : memref<16x128xf32, #tpu.memory_space<hbm>>)
        tpu.yield
      }) : () -> ()
    } else {
    }
    return
  }
}

#map = affine_map<(d0, d1) -> (0, 0)>
#map1 = affine_map<(d0, d1) -> (0)>
module attributes {stable_mosaic.version = 14 : i64} {
  func.func @_sc_agg(%arg0: i32, %arg1: i32, %arg2: memref<10000x128xf32, #tpu.memory_space<hbm>>, %arg3: memref<320000xi32, #tpu.memory_space<hbm>>, %arg4: memref<320000xi32, #tpu.memory_space<hbm>>, %arg5: memref<10000x128xf32, #tpu.memory_space<hbm>>, %arg6: memref<20000x128xf32, #tpu.memory_space<hbm>>, %arg7: memref<80xi32, #tpu.memory_space<vmem>>, %arg8: memref<80xi32, #tpu.memory_space<vmem>>, %arg9: memref<80x128xf32, #tpu.memory_space<vmem>>, %arg10: memref<10000x128xf32, #tpu.memory_space<vmem_shared>>, %arg11: memref<!tpu.dma_semaphore, #tpu.memory_space<semaphore_mem>>) attributes {dimension_semantics = [#tpu.dimension_semantics<core_parallel>, #tpu.dimension_semantics<subcore_parallel>], iteration_bounds = array<i64: 2, 16>, scalar_prefetch = 0 : i64, scratch_operands = 5 : i64, tpu.core_type = #tpu.core_type<sc_vector_subcore>, window_params = [{transform_indices = #map}, {transform_indices = #map1}, {transform_indices = #map1}, {transform_indices = #map}, {transform_indices = #map}]} {
    %mul3A = arith.constant 2 : i32
    %mul3A_0 = arith.muli %arg1, %mul3A : i32
    %add3A = arith.addi %mul3A_0, %arg0 : i32
    %mul3A_1 = arith.constant 624 : i32
    %mul3A_2 = arith.muli %arg1, %mul3A_1 : i32
    "tpu.region"() ({
      %run_scoped3A = tpu.sem_alloc : memref<!tpu.dma_semaphore, #tpu.memory_space<semaphore_mem>>
      %dma_start3A = arith.constant 0 : i32
      %dma_start3A_21 = tpu.memref_slice %arg10[%mul3A_2, %dma_start3A] : memref<10000x128xf32, #tpu.memory_space<vmem_shared>> -> memref<624x128xf32, #tpu.memory_space<vmem_shared>>
      %dma_start3A_22 = arith.constant 0 : i32
      %dma_start3A_23 = tpu.memref_slice %arg5[%mul3A_2, %dma_start3A_22] : memref<10000x128xf32, #tpu.memory_space<hbm>> -> memref<624x128xf32, #tpu.memory_space<hbm>>
      tpu.enqueue_dma source(%dma_start3A_23 : memref<624x128xf32, #tpu.memory_space<hbm>>) target(%dma_start3A_21 : memref<624x128xf32, #tpu.memory_space<vmem_shared>>) target_semaphore(%run_scoped3A : memref<!tpu.dma_semaphore, #tpu.memory_space<semaphore_mem>>)
      %dma_wait3A = arith.constant 0 : i32
      %dma_wait3A_24 = tpu.memref_slice %arg10[%mul3A_2, %dma_wait3A] : memref<10000x128xf32, #tpu.memory_space<vmem_shared>> -> memref<624x128xf32, #tpu.memory_space<vmem_shared>>
      %dma_wait3A_25 = arith.constant 0 : i32
      %dma_wait3A_26 = tpu.memref_slice %arg5[%mul3A_2, %dma_wait3A_25] : memref<10000x128xf32, #tpu.memory_space<hbm>> -> memref<624x128xf32, #tpu.memory_space<hbm>>
      tpu.wait_dma2 semaphore(%run_scoped3A : memref<!tpu.dma_semaphore, #tpu.memory_space<semaphore_mem>>) src(%dma_wait3A_26 : memref<624x128xf32, #tpu.memory_space<hbm>>) dst(%dma_wait3A_24 : memref<624x128xf32, #tpu.memory_space<vmem_shared>>)
      tpu.yield
    }) : () -> ()
    %eq3A = arith.constant 15 : i32
    %eq3A_3 = arith.cmpi eq, %arg1, %eq3A : i32
    %convert_element_type3A = arith.extui %eq3A_3 : i1 to i32
    %cond3A = arith.constant 0 : i32
    %cond3A_4 = arith.cmpi ne, %convert_element_type3A, %cond3A : i32
    scf.if %cond3A_4 {
      "tpu.region"() ({
        %run_scoped3A = tpu.sem_alloc : memref<!tpu.dma_semaphore, #tpu.memory_space<semaphore_mem>>
        %dma_start3A = arith.constant 9984 : i32
        %dma_start3A_21 = arith.constant 0 : i32
        %dma_start3A_22 = tpu.memref_slice %arg10[%dma_start3A, %dma_start3A_21] : memref<10000x128xf32, #tpu.memory_space<vmem_shared>> -> memref<16x128xf32, #tpu.memory_space<vmem_shared>>
        %dma_start3A_23 = arith.constant 9984 : i32
        %dma_start3A_24 = arith.constant 0 : i32
        %dma_start3A_25 = tpu.memref_slice %arg5[%dma_start3A_23, %dma_start3A_24] : memref<10000x128xf32, #tpu.memory_space<hbm>> -> memref<16x128xf32, #tpu.memory_space<hbm>>
        tpu.enqueue_dma source(%dma_start3A_25 : memref<16x128xf32, #tpu.memory_space<hbm>>) target(%dma_start3A_22 : memref<16x128xf32, #tpu.memory_space<vmem_shared>>) target_semaphore(%run_scoped3A : memref<!tpu.dma_semaphore, #tpu.memory_space<semaphore_mem>>)
        %dma_wait3A = arith.constant 9984 : i32
        %dma_wait3A_26 = arith.constant 0 : i32
        %dma_wait3A_27 = tpu.memref_slice %arg10[%dma_wait3A, %dma_wait3A_26] : memref<10000x128xf32, #tpu.memory_space<vmem_shared>> -> memref<16x128xf32, #tpu.memory_space<vmem_shared>>
        %dma_wait3A_28 = arith.constant 9984 : i32
        %dma_wait3A_29 = arith.constant 0 : i32
        %dma_wait3A_30 = tpu.memref_slice %arg5[%dma_wait3A_28, %dma_wait3A_29] : memref<10000x128xf32, #tpu.memory_space<hbm>> -> memref<16x128xf32, #tpu.memory_space<hbm>>
        tpu.wait_dma2 semaphore(%run_scoped3A : memref<!tpu.dma_semaphore, #tpu.memory_space<semaphore_mem>>) src(%dma_wait3A_30 : memref<16x128xf32, #tpu.memory_space<hbm>>) dst(%dma_wait3A_27 : memref<16x128xf32, #tpu.memory_space<vmem_shared>>)
        tpu.yield
      }) : () -> ()
    } else {
    }
    %barrier3A = arith.constant 0 : index
    tpu.barrier barrier_id(%barrier3A)
    %mul3A_5 = arith.constant 10000 : i32
    %mul3A_6 = arith.muli %add3A, %mul3A_5 : i32
    %scan3A = arith.constant 0 : i32
    %scan3A_7 = arith.constant 0 : i32
    %scan3A_8 = arith.constant 125 : i32
    %scan3A_9 = arith.addi %scan3A_7, %scan3A_8 : i32
    %scan3A_10 = arith.constant 1 : i32
    scf.for %scan3A_21 = %scan3A_7 to %scan3A_9 step %scan3A_10  : i32 {
      %mul3A_22 = arith.constant 80 : i32
      %mul3A_23 = arith.muli %scan3A_21, %mul3A_22 : i32
      %add3A_24 = arith.addi %mul3A_6, %mul3A_23 : i32
      "tpu.region"() ({
        %run_scoped3A = tpu.sem_alloc : memref<!tpu.dma_semaphore, #tpu.memory_space<semaphore_mem>>
        %dma_start3A_29 = tpu.memref_slice %arg3[%add3A_24] : memref<320000xi32, #tpu.memory_space<hbm>> -> memref<80xi32, #tpu.memory_space<hbm>>
        %dma_start3A_30 = tpu.memref_slice %arg3[%add3A_24] : memref<320000xi32, #tpu.memory_space<hbm>> -> memref<80xi32, #tpu.memory_space<hbm>>
        tpu.enqueue_dma source(%dma_start3A_30 : memref<80xi32, #tpu.memory_space<hbm>>) target(%arg7 : memref<80xi32, #tpu.memory_space<vmem>>) target_semaphore(%run_scoped3A : memref<!tpu.dma_semaphore, #tpu.memory_space<semaphore_mem>>)
        %dma_wait3A_31 = tpu.memref_slice %arg3[%add3A_24] : memref<320000xi32, #tpu.memory_space<hbm>> -> memref<80xi32, #tpu.memory_space<hbm>>
        %dma_wait3A_32 = tpu.memref_slice %arg3[%add3A_24] : memref<320000xi32, #tpu.memory_space<hbm>> -> memref<80xi32, #tpu.memory_space<hbm>>
        tpu.wait_dma2 semaphore(%run_scoped3A : memref<!tpu.dma_semaphore, #tpu.memory_space<semaphore_mem>>) src(%dma_wait3A_32 : memref<80xi32, #tpu.memory_space<hbm>>) dst(%arg7 : memref<80xi32, #tpu.memory_space<vmem>>)
        tpu.yield
      }) : () -> ()
      "tpu.region"() ({
        %run_scoped3A = tpu.sem_alloc : memref<!tpu.dma_semaphore, #tpu.memory_space<semaphore_mem>>
        %dma_start3A_29 = tpu.memref_slice %arg4[%add3A_24] : memref<320000xi32, #tpu.memory_space<hbm>> -> memref<80xi32, #tpu.memory_space<hbm>>
        %dma_start3A_30 = tpu.memref_slice %arg4[%add3A_24] : memref<320000xi32, #tpu.memory_space<hbm>> -> memref<80xi32, #tpu.memory_space<hbm>>
        tpu.enqueue_dma source(%dma_start3A_30 : memref<80xi32, #tpu.memory_space<hbm>>) target(%arg8 : memref<80xi32, #tpu.memory_space<vmem>>) target_semaphore(%run_scoped3A : memref<!tpu.dma_semaphore, #tpu.memory_space<semaphore_mem>>)
        %dma_wait3A_31 = tpu.memref_slice %arg4[%add3A_24] : memref<320000xi32, #tpu.memory_space<hbm>> -> memref<80xi32, #tpu.memory_space<hbm>>
        %dma_wait3A_32 = tpu.memref_slice %arg4[%add3A_24] : memref<320000xi32, #tpu.memory_space<hbm>> -> memref<80xi32, #tpu.memory_space<hbm>>
        tpu.wait_dma2 semaphore(%run_scoped3A : memref<!tpu.dma_semaphore, #tpu.memory_space<semaphore_mem>>) src(%dma_wait3A_32 : memref<80xi32, #tpu.memory_space<hbm>>) dst(%arg8 : memref<80xi32, #tpu.memory_space<vmem>>)
        tpu.yield
      }) : () -> ()
      %dma_start3A = arith.constant 0 : i32
      %dma_start3A_25 = arith.constant 0 : i32
      %dma_start3A_26 = tpu.memref_slice %arg2[%dma_start3A, %dma_start3A_25] : memref<10000x128xf32, #tpu.memory_space<hbm>> -> memref<10000x128xf32, #tpu.memory_space<hbm>>
      tpu.enqueue_indirect_dma source(%dma_start3A_26 : memref<10000x128xf32, #tpu.memory_space<hbm>>) target(%arg9 : memref<80x128xf32, #tpu.memory_space<vmem>>) offsets(%arg7 : memref<80xi32, #tpu.memory_space<vmem>>) semaphore(%arg11 : memref<!tpu.dma_semaphore, #tpu.memory_space<semaphore_mem>>)
      %dma_wait3A = arith.constant 0 : i32
      %dma_wait3A_27 = arith.constant 0 : i32
      %dma_wait3A_28 = tpu.memref_slice %arg2[%dma_wait3A, %dma_wait3A_27] : memref<10000x128xf32, #tpu.memory_space<hbm>> -> memref<10000x128xf32, #tpu.memory_space<hbm>>
      tpu.wait_indirect_dma semaphore(%arg11 : memref<!tpu.dma_semaphore, #tpu.memory_space<semaphore_mem>>) src(%dma_wait3A_28 : memref<10000x128xf32, #tpu.memory_space<hbm>>) dst(%arg9 : memref<80x128xf32, #tpu.memory_space<vmem>>)
      "tpu.region"() ({
        %run_scoped3A = tpu.sem_alloc : memref<!tpu.dma_semaphore, #tpu.memory_space<semaphore_mem>>
        %dma_start3A_29 = arith.constant 0 : i32
        %dma_start3A_30 = arith.constant 0 : i32
        %dma_start3A_31 = tpu.memref_slice %arg10[%dma_start3A_29, %dma_start3A_30] : memref<10000x128xf32, #tpu.memory_space<vmem_shared>> -> memref<10000x128xf32, #tpu.memory_space<vmem_shared>>
        tpu.enqueue_indirect_dma source(%arg9 : memref<80x128xf32, #tpu.memory_space<vmem>>) target(%dma_start3A_31 : memref<10000x128xf32, #tpu.memory_space<vmem_shared>>) offsets(%arg8 : memref<80xi32, #tpu.memory_space<vmem>>) semaphore(%run_scoped3A : memref<!tpu.dma_semaphore, #tpu.memory_space<semaphore_mem>>) {add = true}
        %dma_wait3A_32 = arith.constant 0 : i32
        %dma_wait3A_33 = arith.constant 0 : i32
        %dma_wait3A_34 = tpu.memref_slice %arg10[%dma_wait3A_32, %dma_wait3A_33] : memref<10000x128xf32, #tpu.memory_space<vmem_shared>> -> memref<10000x128xf32, #tpu.memory_space<vmem_shared>>
        tpu.wait_indirect_dma semaphore(%run_scoped3A : memref<!tpu.dma_semaphore, #tpu.memory_space<semaphore_mem>>) src(%arg9 : memref<80x128xf32, #tpu.memory_space<vmem>>) dst(%dma_wait3A_34 : memref<10000x128xf32, #tpu.memory_space<vmem_shared>>)
        tpu.yield
      }) : () -> ()
    }
    %scan3A_11 = arith.constant 125 : i32
    %barrier3A_12 = arith.constant 0 : index
    tpu.barrier barrier_id(%barrier3A_12)
    %mul3A_13 = arith.constant 10000 : i32
    %mul3A_14 = arith.muli %arg0, %mul3A_13 : i32
    %add3A_15 = arith.addi %mul3A_14, %mul3A_2 : i32
    "tpu.region"() ({
      %run_scoped3A = tpu.sem_alloc : memref<!tpu.dma_semaphore, #tpu.memory_space<semaphore_mem>>
      %dma_start3A = arith.constant 0 : i32
      %dma_start3A_21 = tpu.memref_slice %arg6[%add3A_15, %dma_start3A] : memref<20000x128xf32, #tpu.memory_space<hbm>> -> memref<624x128xf32, #tpu.memory_space<hbm>>
      %dma_start3A_22 = arith.constant 0 : i32
      %dma_start3A_23 = tpu.memref_slice %arg10[%mul3A_2, %dma_start3A_22] : memref<10000x128xf32, #tpu.memory_space<vmem_shared>> -> memref<624x128xf32, #tpu.memory_space<vmem_shared>>
      tpu.enqueue_dma source(%dma_start3A_23 : memref<624x128xf32, #tpu.memory_space<vmem_shared>>) target(%dma_start3A_21 : memref<624x128xf32, #tpu.memory_space<hbm>>) target_semaphore(%run_scoped3A : memref<!tpu.dma_semaphore, #tpu.memory_space<semaphore_mem>>)
      %dma_wait3A = arith.constant 0 : i32
      %dma_wait3A_24 = tpu.memref_slice %arg6[%add3A_15, %dma_wait3A] : memref<20000x128xf32, #tpu.memory_space<hbm>> -> memref<624x128xf32, #tpu.memory_space<hbm>>
      %dma_wait3A_25 = arith.constant 0 : i32
      %dma_wait3A_26 = tpu.memref_slice %arg10[%mul3A_2, %dma_wait3A_25] : memref<10000x128xf32, #tpu.memory_space<vmem_shared>> -> memref<624x128xf32, #tpu.memory_space<vmem_shared>>
      tpu.wait_dma2 semaphore(%run_scoped3A : memref<!tpu.dma_semaphore, #tpu.memory_space<semaphore_mem>>) src(%dma_wait3A_26 : memref<624x128xf32, #tpu.memory_space<vmem_shared>>) dst(%dma_wait3A_24 : memref<624x128xf32, #tpu.memory_space<hbm>>)
      tpu.yield
    }) : () -> ()
    %eq3A_16 = arith.constant 15 : i32
    %eq3A_17 = arith.cmpi eq, %arg1, %eq3A_16 : i32
    %convert_element_type3A_18 = arith.extui %eq3A_17 : i1 to i32
    %cond3A_19 = arith.constant 0 : i32
    %cond3A_20 = arith.cmpi ne, %convert_element_type3A_18, %cond3A_19 : i32
    scf.if %cond3A_20 {
      %mul3A_21 = arith.constant 10000 : i32
      %mul3A_22 = arith.muli %arg0, %mul3A_21 : i32
      %add3A_23 = arith.constant 9984 : i32
      %add3A_24 = arith.addi %mul3A_22, %add3A_23 : i32
      "tpu.region"() ({
        %run_scoped3A = tpu.sem_alloc : memref<!tpu.dma_semaphore, #tpu.memory_space<semaphore_mem>>
        %dma_start3A = arith.constant 0 : i32
        %dma_start3A_25 = tpu.memref_slice %arg6[%add3A_24, %dma_start3A] : memref<20000x128xf32, #tpu.memory_space<hbm>> -> memref<16x128xf32, #tpu.memory_space<hbm>>
        %dma_start3A_26 = arith.constant 9984 : i32
        %dma_start3A_27 = arith.constant 0 : i32
        %dma_start3A_28 = tpu.memref_slice %arg10[%dma_start3A_26, %dma_start3A_27] : memref<10000x128xf32, #tpu.memory_space<vmem_shared>> -> memref<16x128xf32, #tpu.memory_space<vmem_shared>>
        tpu.enqueue_dma source(%dma_start3A_28 : memref<16x128xf32, #tpu.memory_space<vmem_shared>>) target(%dma_start3A_25 : memref<16x128xf32, #tpu.memory_space<hbm>>) target_semaphore(%run_scoped3A : memref<!tpu.dma_semaphore, #tpu.memory_space<semaphore_mem>>)
        %dma_wait3A = arith.constant 0 : i32
        %dma_wait3A_29 = tpu.memref_slice %arg6[%add3A_24, %dma_wait3A] : memref<20000x128xf32, #tpu.memory_space<hbm>> -> memref<16x128xf32, #tpu.memory_space<hbm>>
        %dma_wait3A_30 = arith.constant 9984 : i32
        %dma_wait3A_31 = arith.constant 0 : i32
        %dma_wait3A_32 = tpu.memref_slice %arg10[%dma_wait3A_30, %dma_wait3A_31] : memref<10000x128xf32, #tpu.memory_space<vmem_shared>> -> memref<16x128xf32, #tpu.memory_space<vmem_shared>>
        tpu.wait_dma2 semaphore(%run_scoped3A : memref<!tpu.dma_semaphore, #tpu.memory_space<semaphore_mem>>) src(%dma_wait3A_32 : memref<16x128xf32, #tpu.memory_space<vmem_shared>>) dst(%dma_wait3A_29 : memref<16x128xf32, #tpu.memory_space<hbm>>)
        tpu.yield
      }) : () -> ()
    } else {
    }
    return
  }
}

#map = affine_map<(d0, d1) -> (0)>
#map1 = affine_map<(d0, d1) -> (0, 0)>
module attributes {stable_mosaic.version = 14 : i64} {
  func.func @_sc_deg(%arg0: i32, %arg1: i32, %arg2: memref<320000xi32, #tpu.memory_space<hbm>>, %arg3: memref<80x128xf32, #tpu.memory_space<hbm>>, %arg4: memref<10000x128xf32, #tpu.memory_space<hbm>>, %arg5: memref<20000x128xf32, #tpu.memory_space<hbm>>, %arg6: memref<80xi32, #tpu.memory_space<vmem>>, %arg7: memref<80x128xf32, #tpu.memory_space<vmem>>, %arg8: memref<10000x128xf32, #tpu.memory_space<vmem_shared>>) attributes {dimension_semantics = [#tpu.dimension_semantics<core_parallel>, #tpu.dimension_semantics<subcore_parallel>], iteration_bounds = array<i64: 2, 16>, scalar_prefetch = 0 : i64, scratch_operands = 3 : i64, tpu.core_type = #tpu.core_type<sc_vector_subcore>, window_params = [{transform_indices = #map}, {transform_indices = #map1}, {transform_indices = #map1}, {transform_indices = #map1}]} {
    %mul3A = arith.constant 2 : i32
    %mul3A_0 = arith.muli %arg1, %mul3A : i32
    %add3A = arith.addi %mul3A_0, %arg0 : i32
    %mul3A_1 = arith.constant 624 : i32
    %mul3A_2 = arith.muli %arg1, %mul3A_1 : i32
    "tpu.region"() ({
      %run_scoped3A = tpu.sem_alloc : memref<!tpu.dma_semaphore, #tpu.memory_space<semaphore_mem>>
      %dma_start3A = arith.constant 0 : i32
      %dma_start3A_21 = tpu.memref_slice %arg8[%mul3A_2, %dma_start3A] : memref<10000x128xf32, #tpu.memory_space<vmem_shared>> -> memref<624x128xf32, #tpu.memory_space<vmem_shared>>
      %dma_start3A_22 = arith.constant 0 : i32
      %dma_start3A_23 = tpu.memref_slice %arg4[%mul3A_2, %dma_start3A_22] : memref<10000x128xf32, #tpu.memory_space<hbm>> -> memref<624x128xf32, #tpu.memory_space<hbm>>
      tpu.enqueue_dma source(%dma_start3A_23 : memref<624x128xf32, #tpu.memory_space<hbm>>) target(%dma_start3A_21 : memref<624x128xf32, #tpu.memory_space<vmem_shared>>) target_semaphore(%run_scoped3A : memref<!tpu.dma_semaphore, #tpu.memory_space<semaphore_mem>>)
      %dma_wait3A = arith.constant 0 : i32
      %dma_wait3A_24 = tpu.memref_slice %arg8[%mul3A_2, %dma_wait3A] : memref<10000x128xf32, #tpu.memory_space<vmem_shared>> -> memref<624x128xf32, #tpu.memory_space<vmem_shared>>
      %dma_wait3A_25 = arith.constant 0 : i32
      %dma_wait3A_26 = tpu.memref_slice %arg4[%mul3A_2, %dma_wait3A_25] : memref<10000x128xf32, #tpu.memory_space<hbm>> -> memref<624x128xf32, #tpu.memory_space<hbm>>
      tpu.wait_dma2 semaphore(%run_scoped3A : memref<!tpu.dma_semaphore, #tpu.memory_space<semaphore_mem>>) src(%dma_wait3A_26 : memref<624x128xf32, #tpu.memory_space<hbm>>) dst(%dma_wait3A_24 : memref<624x128xf32, #tpu.memory_space<vmem_shared>>)
      tpu.yield
    }) : () -> ()
    "tpu.region"() ({
      %run_scoped3A = tpu.sem_alloc : memref<!tpu.dma_semaphore, #tpu.memory_space<semaphore_mem>>
      tpu.enqueue_dma source(%arg3 : memref<80x128xf32, #tpu.memory_space<hbm>>) target(%arg7 : memref<80x128xf32, #tpu.memory_space<vmem>>) target_semaphore(%run_scoped3A : memref<!tpu.dma_semaphore, #tpu.memory_space<semaphore_mem>>)
      tpu.wait_dma2 semaphore(%run_scoped3A : memref<!tpu.dma_semaphore, #tpu.memory_space<semaphore_mem>>) src(%arg3 : memref<80x128xf32, #tpu.memory_space<hbm>>) dst(%arg7 : memref<80x128xf32, #tpu.memory_space<vmem>>)
      tpu.yield
    }) : () -> ()
    %eq3A = arith.constant 15 : i32
    %eq3A_3 = arith.cmpi eq, %arg1, %eq3A : i32
    %convert_element_type3A = arith.extui %eq3A_3 : i1 to i32
    %cond3A = arith.constant 0 : i32
    %cond3A_4 = arith.cmpi ne, %convert_element_type3A, %cond3A : i32
    scf.if %cond3A_4 {
      "tpu.region"() ({
        %run_scoped3A = tpu.sem_alloc : memref<!tpu.dma_semaphore, #tpu.memory_space<semaphore_mem>>
        %dma_start3A = arith.constant 9984 : i32
        %dma_start3A_21 = arith.constant 0 : i32
        %dma_start3A_22 = tpu.memref_slice %arg8[%dma_start3A, %dma_start3A_21] : memref<10000x128xf32, #tpu.memory_space<vmem_shared>> -> memref<16x128xf32, #tpu.memory_space<vmem_shared>>
        %dma_start3A_23 = arith.constant 9984 : i32
        %dma_start3A_24 = arith.constant 0 : i32
        %dma_start3A_25 = tpu.memref_slice %arg4[%dma_start3A_23, %dma_start3A_24] : memref<10000x128xf32, #tpu.memory_space<hbm>> -> memref<16x128xf32, #tpu.memory_space<hbm>>
        tpu.enqueue_dma source(%dma_start3A_25 : memref<16x128xf32, #tpu.memory_space<hbm>>) target(%dma_start3A_22 : memref<16x128xf32, #tpu.memory_space<vmem_shared>>) target_semaphore(%run_scoped3A : memref<!tpu.dma_semaphore, #tpu.memory_space<semaphore_mem>>)
        %dma_wait3A = arith.constant 9984 : i32
        %dma_wait3A_26 = arith.constant 0 : i32
        %dma_wait3A_27 = tpu.memref_slice %arg8[%dma_wait3A, %dma_wait3A_26] : memref<10000x128xf32, #tpu.memory_space<vmem_shared>> -> memref<16x128xf32, #tpu.memory_space<vmem_shared>>
        %dma_wait3A_28 = arith.constant 9984 : i32
        %dma_wait3A_29 = arith.constant 0 : i32
        %dma_wait3A_30 = tpu.memref_slice %arg4[%dma_wait3A_28, %dma_wait3A_29] : memref<10000x128xf32, #tpu.memory_space<hbm>> -> memref<16x128xf32, #tpu.memory_space<hbm>>
        tpu.wait_dma2 semaphore(%run_scoped3A : memref<!tpu.dma_semaphore, #tpu.memory_space<semaphore_mem>>) src(%dma_wait3A_30 : memref<16x128xf32, #tpu.memory_space<hbm>>) dst(%dma_wait3A_27 : memref<16x128xf32, #tpu.memory_space<vmem_shared>>)
        tpu.yield
      }) : () -> ()
    } else {
    }
    %barrier3A = arith.constant 0 : index
    tpu.barrier barrier_id(%barrier3A)
    %mul3A_5 = arith.constant 10000 : i32
    %mul3A_6 = arith.muli %add3A, %mul3A_5 : i32
    %scan3A = arith.constant 0 : i32
    %scan3A_7 = arith.constant 0 : i32
    %scan3A_8 = arith.constant 125 : i32
    %scan3A_9 = arith.addi %scan3A_7, %scan3A_8 : i32
    %scan3A_10 = arith.constant 1 : i32
    scf.for %scan3A_21 = %scan3A_7 to %scan3A_9 step %scan3A_10  : i32 {
      %mul3A_22 = arith.constant 80 : i32
      %mul3A_23 = arith.muli %scan3A_21, %mul3A_22 : i32
      %add3A_24 = arith.addi %mul3A_6, %mul3A_23 : i32
      "tpu.region"() ({
        %run_scoped3A = tpu.sem_alloc : memref<!tpu.dma_semaphore, #tpu.memory_space<semaphore_mem>>
        %dma_start3A = tpu.memref_slice %arg2[%add3A_24] : memref<320000xi32, #tpu.memory_space<hbm>> -> memref<80xi32, #tpu.memory_space<hbm>>
        %dma_start3A_25 = tpu.memref_slice %arg2[%add3A_24] : memref<320000xi32, #tpu.memory_space<hbm>> -> memref<80xi32, #tpu.memory_space<hbm>>
        tpu.enqueue_dma source(%dma_start3A_25 : memref<80xi32, #tpu.memory_space<hbm>>) target(%arg6 : memref<80xi32, #tpu.memory_space<vmem>>) target_semaphore(%run_scoped3A : memref<!tpu.dma_semaphore, #tpu.memory_space<semaphore_mem>>)
        %dma_wait3A = tpu.memref_slice %arg2[%add3A_24] : memref<320000xi32, #tpu.memory_space<hbm>> -> memref<80xi32, #tpu.memory_space<hbm>>
        %dma_wait3A_26 = tpu.memref_slice %arg2[%add3A_24] : memref<320000xi32, #tpu.memory_space<hbm>> -> memref<80xi32, #tpu.memory_space<hbm>>
        tpu.wait_dma2 semaphore(%run_scoped3A : memref<!tpu.dma_semaphore, #tpu.memory_space<semaphore_mem>>) src(%dma_wait3A_26 : memref<80xi32, #tpu.memory_space<hbm>>) dst(%arg6 : memref<80xi32, #tpu.memory_space<vmem>>)
        tpu.yield
      }) : () -> ()
      "tpu.region"() ({
        %run_scoped3A = tpu.sem_alloc : memref<!tpu.dma_semaphore, #tpu.memory_space<semaphore_mem>>
        %dma_start3A = arith.constant 0 : i32
        %dma_start3A_25 = arith.constant 0 : i32
        %dma_start3A_26 = tpu.memref_slice %arg8[%dma_start3A, %dma_start3A_25] : memref<10000x128xf32, #tpu.memory_space<vmem_shared>> -> memref<10000x128xf32, #tpu.memory_space<vmem_shared>>
        tpu.enqueue_indirect_dma source(%arg7 : memref<80x128xf32, #tpu.memory_space<vmem>>) target(%dma_start3A_26 : memref<10000x128xf32, #tpu.memory_space<vmem_shared>>) offsets(%arg6 : memref<80xi32, #tpu.memory_space<vmem>>) semaphore(%run_scoped3A : memref<!tpu.dma_semaphore, #tpu.memory_space<semaphore_mem>>) {add = true}
        %dma_wait3A = arith.constant 0 : i32
        %dma_wait3A_27 = arith.constant 0 : i32
        %dma_wait3A_28 = tpu.memref_slice %arg8[%dma_wait3A, %dma_wait3A_27] : memref<10000x128xf32, #tpu.memory_space<vmem_shared>> -> memref<10000x128xf32, #tpu.memory_space<vmem_shared>>
        tpu.wait_indirect_dma semaphore(%run_scoped3A : memref<!tpu.dma_semaphore, #tpu.memory_space<semaphore_mem>>) src(%arg7 : memref<80x128xf32, #tpu.memory_space<vmem>>) dst(%dma_wait3A_28 : memref<10000x128xf32, #tpu.memory_space<vmem_shared>>)
        tpu.yield
      }) : () -> ()
    }
    %scan3A_11 = arith.constant 125 : i32
    %barrier3A_12 = arith.constant 0 : index
    tpu.barrier barrier_id(%barrier3A_12)
    %mul3A_13 = arith.constant 10000 : i32
    %mul3A_14 = arith.muli %arg0, %mul3A_13 : i32
    %add3A_15 = arith.addi %mul3A_14, %mul3A_2 : i32
    "tpu.region"() ({
      %run_scoped3A = tpu.sem_alloc : memref<!tpu.dma_semaphore, #tpu.memory_space<semaphore_mem>>
      %dma_start3A = arith.constant 0 : i32
      %dma_start3A_21 = tpu.memref_slice %arg5[%add3A_15, %dma_start3A] : memref<20000x128xf32, #tpu.memory_space<hbm>> -> memref<624x128xf32, #tpu.memory_space<hbm>>
      %dma_start3A_22 = arith.constant 0 : i32
      %dma_start3A_23 = tpu.memref_slice %arg8[%mul3A_2, %dma_start3A_22] : memref<10000x128xf32, #tpu.memory_space<vmem_shared>> -> memref<624x128xf32, #tpu.memory_space<vmem_shared>>
      tpu.enqueue_dma source(%dma_start3A_23 : memref<624x128xf32, #tpu.memory_space<vmem_shared>>) target(%dma_start3A_21 : memref<624x128xf32, #tpu.memory_space<hbm>>) target_semaphore(%run_scoped3A : memref<!tpu.dma_semaphore, #tpu.memory_space<semaphore_mem>>)
      %dma_wait3A = arith.constant 0 : i32
      %dma_wait3A_24 = tpu.memref_slice %arg5[%add3A_15, %dma_wait3A] : memref<20000x128xf32, #tpu.memory_space<hbm>> -> memref<624x128xf32, #tpu.memory_space<hbm>>
      %dma_wait3A_25 = arith.constant 0 : i32
      %dma_wait3A_26 = tpu.memref_slice %arg8[%mul3A_2, %dma_wait3A_25] : memref<10000x128xf32, #tpu.memory_space<vmem_shared>> -> memref<624x128xf32, #tpu.memory_space<vmem_shared>>
      tpu.wait_dma2 semaphore(%run_scoped3A : memref<!tpu.dma_semaphore, #tpu.memory_space<semaphore_mem>>) src(%dma_wait3A_26 : memref<624x128xf32, #tpu.memory_space<vmem_shared>>) dst(%dma_wait3A_24 : memref<624x128xf32, #tpu.memory_space<hbm>>)
      tpu.yield
    }) : () -> ()
    %eq3A_16 = arith.constant 15 : i32
    %eq3A_17 = arith.cmpi eq, %arg1, %eq3A_16 : i32
    %convert_element_type3A_18 = arith.extui %eq3A_17 : i1 to i32
    %cond3A_19 = arith.constant 0 : i32
    %cond3A_20 = arith.cmpi ne, %convert_element_type3A_18, %cond3A_19 : i32
    scf.if %cond3A_20 {
      %mul3A_21 = arith.constant 10000 : i32
      %mul3A_22 = arith.muli %arg0, %mul3A_21 : i32
      %add3A_23 = arith.constant 9984 : i32
      %add3A_24 = arith.addi %mul3A_22, %add3A_23 : i32
      "tpu.region"() ({
        %run_scoped3A = tpu.sem_alloc : memref<!tpu.dma_semaphore, #tpu.memory_space<semaphore_mem>>
        %dma_start3A = arith.constant 0 : i32
        %dma_start3A_25 = tpu.memref_slice %arg5[%add3A_24, %dma_start3A] : memref<20000x128xf32, #tpu.memory_space<hbm>> -> memref<16x128xf32, #tpu.memory_space<hbm>>
        %dma_start3A_26 = arith.constant 9984 : i32
        %dma_start3A_27 = arith.constant 0 : i32
        %dma_start3A_28 = tpu.memref_slice %arg8[%dma_start3A_26, %dma_start3A_27] : memref<10000x128xf32, #tpu.memory_space<vmem_shared>> -> memref<16x128xf32, #tpu.memory_space<vmem_shared>>
        tpu.enqueue_dma source(%dma_start3A_28 : memref<16x128xf32, #tpu.memory_space<vmem_shared>>) target(%dma_start3A_25 : memref<16x128xf32, #tpu.memory_space<hbm>>) target_semaphore(%run_scoped3A : memref<!tpu.dma_semaphore, #tpu.memory_space<semaphore_mem>>)
        %dma_wait3A = arith.constant 0 : i32
        %dma_wait3A_29 = tpu.memref_slice %arg5[%add3A_24, %dma_wait3A] : memref<20000x128xf32, #tpu.memory_space<hbm>> -> memref<16x128xf32, #tpu.memory_space<hbm>>
        %dma_wait3A_30 = arith.constant 9984 : i32
        %dma_wait3A_31 = arith.constant 0 : i32
        %dma_wait3A_32 = tpu.memref_slice %arg8[%dma_wait3A_30, %dma_wait3A_31] : memref<10000x128xf32, #tpu.memory_space<vmem_shared>> -> memref<16x128xf32, #tpu.memory_space<vmem_shared>>
        tpu.wait_dma2 semaphore(%run_scoped3A : memref<!tpu.dma_semaphore, #tpu.memory_space<semaphore_mem>>) src(%dma_wait3A_32 : memref<16x128xf32, #tpu.memory_space<vmem_shared>>) dst(%dma_wait3A_29 : memref<16x128xf32, #tpu.memory_space<hbm>>)
        tpu.yield
      }) : () -> ()
    } else {
    }
    return
  }
}

#map = affine_map<(d0, d1) -> (0, 0)>
#map1 = affine_map<(d0, d1) -> (0)>
module attributes {stable_mosaic.version = 14 : i64} {
  func.func @_sc_agg(%arg0: i32, %arg1: i32, %arg2: memref<10000x128xf32, #tpu.memory_space<hbm>>, %arg3: memref<320000xi32, #tpu.memory_space<hbm>>, %arg4: memref<320000xi32, #tpu.memory_space<hbm>>, %arg5: memref<10000x128xf32, #tpu.memory_space<hbm>>, %arg6: memref<20000x128xf32, #tpu.memory_space<hbm>>, %arg7: memref<80xi32, #tpu.memory_space<vmem>>, %arg8: memref<80xi32, #tpu.memory_space<vmem>>, %arg9: memref<80x128xf32, #tpu.memory_space<vmem>>, %arg10: memref<10000x128xf32, #tpu.memory_space<vmem_shared>>, %arg11: memref<!tpu.dma_semaphore, #tpu.memory_space<semaphore_mem>>) attributes {dimension_semantics = [#tpu.dimension_semantics<core_parallel>, #tpu.dimension_semantics<subcore_parallel>], iteration_bounds = array<i64: 2, 16>, scalar_prefetch = 0 : i64, scratch_operands = 5 : i64, tpu.core_type = #tpu.core_type<sc_vector_subcore>, window_params = [{transform_indices = #map}, {transform_indices = #map1}, {transform_indices = #map1}, {transform_indices = #map}, {transform_indices = #map}]} {
    %mul3A = arith.constant 2 : i32
    %mul3A_0 = arith.muli %arg1, %mul3A : i32
    %add3A = arith.addi %mul3A_0, %arg0 : i32
    %mul3A_1 = arith.constant 624 : i32
    %mul3A_2 = arith.muli %arg1, %mul3A_1 : i32
    "tpu.region"() ({
      %run_scoped3A = tpu.sem_alloc : memref<!tpu.dma_semaphore, #tpu.memory_space<semaphore_mem>>
      %dma_start3A = arith.constant 0 : i32
      %dma_start3A_21 = tpu.memref_slice %arg10[%mul3A_2, %dma_start3A] : memref<10000x128xf32, #tpu.memory_space<vmem_shared>> -> memref<624x128xf32, #tpu.memory_space<vmem_shared>>
      %dma_start3A_22 = arith.constant 0 : i32
      %dma_start3A_23 = tpu.memref_slice %arg5[%mul3A_2, %dma_start3A_22] : memref<10000x128xf32, #tpu.memory_space<hbm>> -> memref<624x128xf32, #tpu.memory_space<hbm>>
      tpu.enqueue_dma source(%dma_start3A_23 : memref<624x128xf32, #tpu.memory_space<hbm>>) target(%dma_start3A_21 : memref<624x128xf32, #tpu.memory_space<vmem_shared>>) target_semaphore(%run_scoped3A : memref<!tpu.dma_semaphore, #tpu.memory_space<semaphore_mem>>)
      %dma_wait3A = arith.constant 0 : i32
      %dma_wait3A_24 = tpu.memref_slice %arg10[%mul3A_2, %dma_wait3A] : memref<10000x128xf32, #tpu.memory_space<vmem_shared>> -> memref<624x128xf32, #tpu.memory_space<vmem_shared>>
      %dma_wait3A_25 = arith.constant 0 : i32
      %dma_wait3A_26 = tpu.memref_slice %arg5[%mul3A_2, %dma_wait3A_25] : memref<10000x128xf32, #tpu.memory_space<hbm>> -> memref<624x128xf32, #tpu.memory_space<hbm>>
      tpu.wait_dma2 semaphore(%run_scoped3A : memref<!tpu.dma_semaphore, #tpu.memory_space<semaphore_mem>>) src(%dma_wait3A_26 : memref<624x128xf32, #tpu.memory_space<hbm>>) dst(%dma_wait3A_24 : memref<624x128xf32, #tpu.memory_space<vmem_shared>>)
      tpu.yield
    }) : () -> ()
    %eq3A = arith.constant 15 : i32
    %eq3A_3 = arith.cmpi eq, %arg1, %eq3A : i32
    %convert_element_type3A = arith.extui %eq3A_3 : i1 to i32
    %cond3A = arith.constant 0 : i32
    %cond3A_4 = arith.cmpi ne, %convert_element_type3A, %cond3A : i32
    scf.if %cond3A_4 {
      "tpu.region"() ({
        %run_scoped3A = tpu.sem_alloc : memref<!tpu.dma_semaphore, #tpu.memory_space<semaphore_mem>>
        %dma_start3A = arith.constant 9984 : i32
        %dma_start3A_21 = arith.constant 0 : i32
        %dma_start3A_22 = tpu.memref_slice %arg10[%dma_start3A, %dma_start3A_21] : memref<10000x128xf32, #tpu.memory_space<vmem_shared>> -> memref<16x128xf32, #tpu.memory_space<vmem_shared>>
        %dma_start3A_23 = arith.constant 9984 : i32
        %dma_start3A_24 = arith.constant 0 : i32
        %dma_start3A_25 = tpu.memref_slice %arg5[%dma_start3A_23, %dma_start3A_24] : memref<10000x128xf32, #tpu.memory_space<hbm>> -> memref<16x128xf32, #tpu.memory_space<hbm>>
        tpu.enqueue_dma source(%dma_start3A_25 : memref<16x128xf32, #tpu.memory_space<hbm>>) target(%dma_start3A_22 : memref<16x128xf32, #tpu.memory_space<vmem_shared>>) target_semaphore(%run_scoped3A : memref<!tpu.dma_semaphore, #tpu.memory_space<semaphore_mem>>)
        %dma_wait3A = arith.constant 9984 : i32
        %dma_wait3A_26 = arith.constant 0 : i32
        %dma_wait3A_27 = tpu.memref_slice %arg10[%dma_wait3A, %dma_wait3A_26] : memref<10000x128xf32, #tpu.memory_space<vmem_shared>> -> memref<16x128xf32, #tpu.memory_space<vmem_shared>>
        %dma_wait3A_28 = arith.constant 9984 : i32
        %dma_wait3A_29 = arith.constant 0 : i32
        %dma_wait3A_30 = tpu.memref_slice %arg5[%dma_wait3A_28, %dma_wait3A_29] : memref<10000x128xf32, #tpu.memory_space<hbm>> -> memref<16x128xf32, #tpu.memory_space<hbm>>
        tpu.wait_dma2 semaphore(%run_scoped3A : memref<!tpu.dma_semaphore, #tpu.memory_space<semaphore_mem>>) src(%dma_wait3A_30 : memref<16x128xf32, #tpu.memory_space<hbm>>) dst(%dma_wait3A_27 : memref<16x128xf32, #tpu.memory_space<vmem_shared>>)
        tpu.yield
      }) : () -> ()
    } else {
    }
    %barrier3A = arith.constant 0 : index
    tpu.barrier barrier_id(%barrier3A)
    %mul3A_5 = arith.constant 10000 : i32
    %mul3A_6 = arith.muli %add3A, %mul3A_5 : i32
    %scan3A = arith.constant 0 : i32
    %scan3A_7 = arith.constant 0 : i32
    %scan3A_8 = arith.constant 125 : i32
    %scan3A_9 = arith.addi %scan3A_7, %scan3A_8 : i32
    %scan3A_10 = arith.constant 1 : i32
    scf.for %scan3A_21 = %scan3A_7 to %scan3A_9 step %scan3A_10  : i32 {
      %mul3A_22 = arith.constant 80 : i32
      %mul3A_23 = arith.muli %scan3A_21, %mul3A_22 : i32
      %add3A_24 = arith.addi %mul3A_6, %mul3A_23 : i32
      "tpu.region"() ({
        %run_scoped3A = tpu.sem_alloc : memref<!tpu.dma_semaphore, #tpu.memory_space<semaphore_mem>>
        %dma_start3A_29 = tpu.memref_slice %arg3[%add3A_24] : memref<320000xi32, #tpu.memory_space<hbm>> -> memref<80xi32, #tpu.memory_space<hbm>>
        %dma_start3A_30 = tpu.memref_slice %arg3[%add3A_24] : memref<320000xi32, #tpu.memory_space<hbm>> -> memref<80xi32, #tpu.memory_space<hbm>>
        tpu.enqueue_dma source(%dma_start3A_30 : memref<80xi32, #tpu.memory_space<hbm>>) target(%arg7 : memref<80xi32, #tpu.memory_space<vmem>>) target_semaphore(%run_scoped3A : memref<!tpu.dma_semaphore, #tpu.memory_space<semaphore_mem>>)
        %dma_wait3A_31 = tpu.memref_slice %arg3[%add3A_24] : memref<320000xi32, #tpu.memory_space<hbm>> -> memref<80xi32, #tpu.memory_space<hbm>>
        %dma_wait3A_32 = tpu.memref_slice %arg3[%add3A_24] : memref<320000xi32, #tpu.memory_space<hbm>> -> memref<80xi32, #tpu.memory_space<hbm>>
        tpu.wait_dma2 semaphore(%run_scoped3A : memref<!tpu.dma_semaphore, #tpu.memory_space<semaphore_mem>>) src(%dma_wait3A_32 : memref<80xi32, #tpu.memory_space<hbm>>) dst(%arg7 : memref<80xi32, #tpu.memory_space<vmem>>)
        tpu.yield
      }) : () -> ()
      "tpu.region"() ({
        %run_scoped3A = tpu.sem_alloc : memref<!tpu.dma_semaphore, #tpu.memory_space<semaphore_mem>>
        %dma_start3A_29 = tpu.memref_slice %arg4[%add3A_24] : memref<320000xi32, #tpu.memory_space<hbm>> -> memref<80xi32, #tpu.memory_space<hbm>>
        %dma_start3A_30 = tpu.memref_slice %arg4[%add3A_24] : memref<320000xi32, #tpu.memory_space<hbm>> -> memref<80xi32, #tpu.memory_space<hbm>>
        tpu.enqueue_dma source(%dma_start3A_30 : memref<80xi32, #tpu.memory_space<hbm>>) target(%arg8 : memref<80xi32, #tpu.memory_space<vmem>>) target_semaphore(%run_scoped3A : memref<!tpu.dma_semaphore, #tpu.memory_space<semaphore_mem>>)
        %dma_wait3A_31 = tpu.memref_slice %arg4[%add3A_24] : memref<320000xi32, #tpu.memory_space<hbm>> -> memref<80xi32, #tpu.memory_space<hbm>>
        %dma_wait3A_32 = tpu.memref_slice %arg4[%add3A_24] : memref<320000xi32, #tpu.memory_space<hbm>> -> memref<80xi32, #tpu.memory_space<hbm>>
        tpu.wait_dma2 semaphore(%run_scoped3A : memref<!tpu.dma_semaphore, #tpu.memory_space<semaphore_mem>>) src(%dma_wait3A_32 : memref<80xi32, #tpu.memory_space<hbm>>) dst(%arg8 : memref<80xi32, #tpu.memory_space<vmem>>)
        tpu.yield
      }) : () -> ()
      %dma_start3A = arith.constant 0 : i32
      %dma_start3A_25 = arith.constant 0 : i32
      %dma_start3A_26 = tpu.memref_slice %arg2[%dma_start3A, %dma_start3A_25] : memref<10000x128xf32, #tpu.memory_space<hbm>> -> memref<10000x128xf32, #tpu.memory_space<hbm>>
      tpu.enqueue_indirect_dma source(%dma_start3A_26 : memref<10000x128xf32, #tpu.memory_space<hbm>>) target(%arg9 : memref<80x128xf32, #tpu.memory_space<vmem>>) offsets(%arg7 : memref<80xi32, #tpu.memory_space<vmem>>) semaphore(%arg11 : memref<!tpu.dma_semaphore, #tpu.memory_space<semaphore_mem>>)
      %dma_wait3A = arith.constant 0 : i32
      %dma_wait3A_27 = arith.constant 0 : i32
      %dma_wait3A_28 = tpu.memref_slice %arg2[%dma_wait3A, %dma_wait3A_27] : memref<10000x128xf32, #tpu.memory_space<hbm>> -> memref<10000x128xf32, #tpu.memory_space<hbm>>
      tpu.wait_indirect_dma semaphore(%arg11 : memref<!tpu.dma_semaphore, #tpu.memory_space<semaphore_mem>>) src(%dma_wait3A_28 : memref<10000x128xf32, #tpu.memory_space<hbm>>) dst(%arg9 : memref<80x128xf32, #tpu.memory_space<vmem>>)
      "tpu.region"() ({
        %run_scoped3A = tpu.sem_alloc : memref<!tpu.dma_semaphore, #tpu.memory_space<semaphore_mem>>
        %dma_start3A_29 = arith.constant 0 : i32
        %dma_start3A_30 = arith.constant 0 : i32
        %dma_start3A_31 = tpu.memref_slice %arg10[%dma_start3A_29, %dma_start3A_30] : memref<10000x128xf32, #tpu.memory_space<vmem_shared>> -> memref<10000x128xf32, #tpu.memory_space<vmem_shared>>
        tpu.enqueue_indirect_dma source(%arg9 : memref<80x128xf32, #tpu.memory_space<vmem>>) target(%dma_start3A_31 : memref<10000x128xf32, #tpu.memory_space<vmem_shared>>) offsets(%arg8 : memref<80xi32, #tpu.memory_space<vmem>>) semaphore(%run_scoped3A : memref<!tpu.dma_semaphore, #tpu.memory_space<semaphore_mem>>) {add = true}
        %dma_wait3A_32 = arith.constant 0 : i32
        %dma_wait3A_33 = arith.constant 0 : i32
        %dma_wait3A_34 = tpu.memref_slice %arg10[%dma_wait3A_32, %dma_wait3A_33] : memref<10000x128xf32, #tpu.memory_space<vmem_shared>> -> memref<10000x128xf32, #tpu.memory_space<vmem_shared>>
        tpu.wait_indirect_dma semaphore(%run_scoped3A : memref<!tpu.dma_semaphore, #tpu.memory_space<semaphore_mem>>) src(%arg9 : memref<80x128xf32, #tpu.memory_space<vmem>>) dst(%dma_wait3A_34 : memref<10000x128xf32, #tpu.memory_space<vmem_shared>>)
        tpu.yield
      }) : () -> ()
    }
    %scan3A_11 = arith.constant 125 : i32
    %barrier3A_12 = arith.constant 0 : index
    tpu.barrier barrier_id(%barrier3A_12)
    %mul3A_13 = arith.constant 10000 : i32
    %mul3A_14 = arith.muli %arg0, %mul3A_13 : i32
    %add3A_15 = arith.addi %mul3A_14, %mul3A_2 : i32
    "tpu.region"() ({
      %run_scoped3A = tpu.sem_alloc : memref<!tpu.dma_semaphore, #tpu.memory_space<semaphore_mem>>
      %dma_start3A = arith.constant 0 : i32
      %dma_start3A_21 = tpu.memref_slice %arg6[%add3A_15, %dma_start3A] : memref<20000x128xf32, #tpu.memory_space<hbm>> -> memref<624x128xf32, #tpu.memory_space<hbm>>
      %dma_start3A_22 = arith.constant 0 : i32
      %dma_start3A_23 = tpu.memref_slice %arg10[%mul3A_2, %dma_start3A_22] : memref<10000x128xf32, #tpu.memory_space<vmem_shared>> -> memref<624x128xf32, #tpu.memory_space<vmem_shared>>
      tpu.enqueue_dma source(%dma_start3A_23 : memref<624x128xf32, #tpu.memory_space<vmem_shared>>) target(%dma_start3A_21 : memref<624x128xf32, #tpu.memory_space<hbm>>) target_semaphore(%run_scoped3A : memref<!tpu.dma_semaphore, #tpu.memory_space<semaphore_mem>>)
      %dma_wait3A = arith.constant 0 : i32
      %dma_wait3A_24 = tpu.memref_slice %arg6[%add3A_15, %dma_wait3A] : memref<20000x128xf32, #tpu.memory_space<hbm>> -> memref<624x128xf32, #tpu.memory_space<hbm>>
      %dma_wait3A_25 = arith.constant 0 : i32
      %dma_wait3A_26 = tpu.memref_slice %arg10[%mul3A_2, %dma_wait3A_25] : memref<10000x128xf32, #tpu.memory_space<vmem_shared>> -> memref<624x128xf32, #tpu.memory_space<vmem_shared>>
      tpu.wait_dma2 semaphore(%run_scoped3A : memref<!tpu.dma_semaphore, #tpu.memory_space<semaphore_mem>>) src(%dma_wait3A_26 : memref<624x128xf32, #tpu.memory_space<vmem_shared>>) dst(%dma_wait3A_24 : memref<624x128xf32, #tpu.memory_space<hbm>>)
      tpu.yield
    }) : () -> ()
    %eq3A_16 = arith.constant 15 : i32
    %eq3A_17 = arith.cmpi eq, %arg1, %eq3A_16 : i32
    %convert_element_type3A_18 = arith.extui %eq3A_17 : i1 to i32
    %cond3A_19 = arith.constant 0 : i32
    %cond3A_20 = arith.cmpi ne, %convert_element_type3A_18, %cond3A_19 : i32
    scf.if %cond3A_20 {
      %mul3A_21 = arith.constant 10000 : i32
      %mul3A_22 = arith.muli %arg0, %mul3A_21 : i32
      %add3A_23 = arith.constant 9984 : i32
      %add3A_24 = arith.addi %mul3A_22, %add3A_23 : i32
      "tpu.region"() ({
        %run_scoped3A = tpu.sem_alloc : memref<!tpu.dma_semaphore, #tpu.memory_space<semaphore_mem>>
        %dma_start3A = arith.constant 0 : i32
        %dma_start3A_25 = tpu.memref_slice %arg6[%add3A_24, %dma_start3A] : memref<20000x128xf32, #tpu.memory_space<hbm>> -> memref<16x128xf32, #tpu.memory_space<hbm>>
        %dma_start3A_26 = arith.constant 9984 : i32
        %dma_start3A_27 = arith.constant 0 : i32
        %dma_start3A_28 = tpu.memref_slice %arg10[%dma_start3A_26, %dma_start3A_27] : memref<10000x128xf32, #tpu.memory_space<vmem_shared>> -> memref<16x128xf32, #tpu.memory_space<vmem_shared>>
        tpu.enqueue_dma source(%dma_start3A_28 : memref<16x128xf32, #tpu.memory_space<vmem_shared>>) target(%dma_start3A_25 : memref<16x128xf32, #tpu.memory_space<hbm>>) target_semaphore(%run_scoped3A : memref<!tpu.dma_semaphore, #tpu.memory_space<semaphore_mem>>)
        %dma_wait3A = arith.constant 0 : i32
        %dma_wait3A_29 = tpu.memref_slice %arg6[%add3A_24, %dma_wait3A] : memref<20000x128xf32, #tpu.memory_space<hbm>> -> memref<16x128xf32, #tpu.memory_space<hbm>>
        %dma_wait3A_30 = arith.constant 9984 : i32
        %dma_wait3A_31 = arith.constant 0 : i32
        %dma_wait3A_32 = tpu.memref_slice %arg10[%dma_wait3A_30, %dma_wait3A_31] : memref<10000x128xf32, #tpu.memory_space<vmem_shared>> -> memref<16x128xf32, #tpu.memory_space<vmem_shared>>
        tpu.wait_dma2 semaphore(%run_scoped3A : memref<!tpu.dma_semaphore, #tpu.memory_space<semaphore_mem>>) src(%dma_wait3A_32 : memref<16x128xf32, #tpu.memory_space<vmem_shared>>) dst(%dma_wait3A_29 : memref<16x128xf32, #tpu.memory_space<hbm>>)
        tpu.yield
      }) : () -> ()
    } else {
    }
    return
  }
}

module attributes {stable_mosaic.version = 14 : i64} {
  func.func @_tc0_body(%arg0: i32, %arg1: memref<1024x128xf32, #tpu.memory_space<vmem>>, %arg2: memref<2x1024x128xf32, #tpu.memory_space<vmem>>, %arg3: memref<128x128xf32, #tpu.memory_space<vmem>>, %arg4: memref<128x128xf32, #tpu.memory_space<vmem>>, %arg5: memref<1x128xf32, #tpu.memory_space<vmem>>, %arg6: memref<1024x128xf32, #tpu.memory_space<vmem>>, %arg7: memref<1024x128xf32, #tpu.memory_space<vmem>>, %arg8: memref<1024x128xf32, #tpu.memory_space<vmem>>) attributes {dimension_semantics = [#tpu.dimension_semantics<arbitrary>], iteration_bounds = array<i64: 10>, scalar_prefetch = 0 : i64, scratch_operands = 0 : i64, tpu.core_type = #tpu.core_type<tc>, window_params = [{transform_indices = @transform_0, window_bounds = array<i64: 1024, 128>}, {transform_indices = @transform_1, window_bounds = array<i64: 2, 1024, 128>}, {pipeline_mode = #tpu.pipeline_mode<synchronous>, transform_indices = @transform_2, window_bounds = array<i64: 128, 128>}, {pipeline_mode = #tpu.pipeline_mode<synchronous>, transform_indices = @transform_3, window_bounds = array<i64: 128, 128>}, {pipeline_mode = #tpu.pipeline_mode<synchronous>, transform_indices = @transform_4, window_bounds = array<i64: 1, 128>}, {transform_indices = @transform_5, window_bounds = array<i64: 1024, 128>}, {transform_indices = @transform_6, window_bounds = array<i64: 1024, 128>}, {transform_indices = @transform_7, window_bounds = array<i64: 1024, 128>}]} {
    %get3A = arith.constant 0 : index
    %get3A_0 = arith.constant 0 : index
    %get3A_1 = vector.load %arg1[%get3A, %get3A_0] : memref<1024x128xf32, #tpu.memory_space<vmem>>, vector<1024x128xf32>
    %get3A_2 = arith.constant 0 : index
    %get3A_3 = arith.constant 0 : index
    %get3A_4 = vector.load %arg3[%get3A_2, %get3A_3] : memref<128x128xf32, #tpu.memory_space<vmem>>, vector<128x128xf32>
    %dot_general3A = arith.constant dense<0.000000e+00> : vector<1024x128xf32>
    %dot_general3A_5 = tpu.matmul %get3A_1, %get3A_4, %dot_general3A {dimension_numbers = #tpu.dot_dimension_numbers<[1], [0], [0], [1], [0, 0, 1, 1], [], []>, transpose_lhs_hint = false} : vector<1024x128xf32>, vector<128x128xf32>, vector<1024x128xf32> -> vector<1024x128xf32>
    %swap3A = arith.constant 0 : index
    %swap3A_6 = arith.constant 0 : index
    %swap3A_7 = vector.load %arg6[%swap3A, %swap3A_6] : memref<1024x128xf32, #tpu.memory_space<vmem>>, vector<1024x128xf32>
    tpu.vector_store %arg6[%swap3A, %swap3A_6], %dot_general3A_5 {strides = array<i32>} : memref<1024x128xf32, #tpu.memory_space<vmem>>, vector<1024x128xf32>,
    %get3A_8 = arith.constant 0 : index
    %get3A_9 = arith.constant 0 : index
    %get3A_10 = vector.load %arg4[%get3A_8, %get3A_9] : memref<128x128xf32, #tpu.memory_space<vmem>>, vector<128x128xf32>
    %dot_general3A_11 = arith.constant dense<0.000000e+00> : vector<1024x128xf32>
    %dot_general3A_12 = tpu.matmul %get3A_1, %get3A_10, %dot_general3A_11 {dimension_numbers = #tpu.dot_dimension_numbers<[1], [0], [0], [1], [0, 0, 1, 1], [], []>, transpose_lhs_hint = false} : vector<1024x128xf32>, vector<128x128xf32>, vector<1024x128xf32> -> vector<1024x128xf32>
    %get3A_13 = arith.constant 0 : index
    %get3A_14 = arith.constant 0 : index
    %get3A_15 = vector.load %arg5[%get3A_13, %get3A_14] : memref<1x128xf32, #tpu.memory_space<vmem>>, vector<1x128xf32>
    %add3A = vector.broadcast %get3A_15 : vector<1x128xf32> to vector<1024x128xf32>
    %add3A_16 = arith.addf %dot_general3A_12, %add3A : vector<1024x128xf32>
    %swap3A_17 = arith.constant 0 : index
    %swap3A_18 = arith.constant 0 : index
    %swap3A_19 = vector.load %arg7[%swap3A_17, %swap3A_18] : memref<1024x128xf32, #tpu.memory_space<vmem>>, vector<1024x128xf32>
    tpu.vector_store %arg7[%swap3A_17, %swap3A_18], %add3A_16 {strides = array<i32>} : memref<1024x128xf32, #tpu.memory_space<vmem>>, vector<1024x128xf32>,
    %get3A_20 = arith.constant 0 : index
    %get3A_21 = arith.constant 0 : index
    %get3A_22 = arith.constant 0 : index
    %get3A_23 = vector.load %arg2[%get3A_20, %get3A_21, %get3A_22] : memref<2x1024x128xf32, #tpu.memory_space<vmem>>, vector<1x1024x128xf32>
    %get3A_24 = vector.shape_cast %get3A_23 : vector<1x1024x128xf32> to vector<1024x128xf32>
    %get3A_25 = arith.constant 1 : index
    %get3A_26 = arith.constant 0 : index
    %get3A_27 = arith.constant 0 : index
    %get3A_28 = vector.load %arg2[%get3A_25, %get3A_26, %get3A_27] : memref<2x1024x128xf32, #tpu.memory_space<vmem>>, vector<1x1024x128xf32>
    %get3A_29 = vector.shape_cast %get3A_28 : vector<1x1024x128xf32> to vector<1024x128xf32>
    %add3A_30 = arith.addf %get3A_24, %get3A_29 : vector<1024x128xf32>
    %slice3A = vector.extract_strided_slice %add3A_30 {offsets = [0, 0], sizes = [1024, 1], strides = [1, 1]} : vector<1024x128xf32> to vector<1024x1xf32>
    %max3A = arith.constant 1.000000e+00 : f32
    %max3A_31 = vector.broadcast %max3A : f32 to vector<1024x1xf32>
    %max3A_32 = arith.maximumf %slice3A, %max3A_31 : vector<1024x1xf32>
    %div3A = arith.constant 1.000000e+00 : f32
    %div3A_33 = vector.broadcast %div3A : f32 to vector<1024x1xf32>
    %div3A_34 = arith.divf %div3A_33, %max3A_32 : vector<1024x1xf32>
    %broadcast_in_dim3A = vector.shape_cast %div3A_34 : vector<1024x1xf32> to vector<1024x1xf32>
    %broadcast_in_dim3A_35 = vector.broadcast %broadcast_in_dim3A : vector<1024x1xf32> to vector<1024x128xf32>
    %swap3A_36 = arith.constant 0 : index
    %swap3A_37 = arith.constant 0 : index
    %swap3A_38 = vector.load %arg8[%swap3A_36, %swap3A_37] : memref<1024x128xf32, #tpu.memory_space<vmem>>, vector<1024x128xf32>
    tpu.vector_store %arg8[%swap3A_36, %swap3A_37], %broadcast_in_dim3A_35 {strides = array<i32>} : memref<1024x128xf32, #tpu.memory_space<vmem>>, vector<1024x128xf32>,
    return
  }
  func.func @transform_0(%arg0: i32) -> (i32, i32) {
    %c0_i32 = arith.constant 0 : i32
    %c0_i32_0 = arith.constant 0 : i32
    return %arg0, %c0_i32 : i32, i32
  }
  func.func @transform_1(%arg0: i32) -> (i32, i32, i32) {
    %c0_i32 = arith.constant 0 : i32
    %c0_i32_0 = arith.constant 0 : i32
    %c0_i32_1 = arith.constant 0 : i32
    return %c0_i32, %arg0, %c0_i32_0 : i32, i32, i32
  }
  func.func @transform_2(%arg0: i32) -> (i32, i32) {
    %c0_i32 = arith.constant 0 : i32
    %c0_i32_0 = arith.constant 0 : i32
    %c0_i32_1 = arith.constant 0 : i32
    return %c0_i32, %c0_i32_0 : i32, i32
  }
  func.func @transform_3(%arg0: i32) -> (i32, i32) {
    %c0_i32 = arith.constant 0 : i32
    %c0_i32_0 = arith.constant 0 : i32
    %c0_i32_1 = arith.constant 0 : i32
    return %c0_i32, %c0_i32_0 : i32, i32
  }
  func.func @transform_4(%arg0: i32) -> (i32, i32) {
    %c0_i32 = arith.constant 0 : i32
    %c0_i32_0 = arith.constant 0 : i32
    %c0_i32_1 = arith.constant 0 : i32
    return %c0_i32, %c0_i32_0 : i32, i32
  }
  func.func @transform_5(%arg0: i32) -> (i32, i32) {
    %c0_i32 = arith.constant 0 : i32
    %c0_i32_0 = arith.constant 0 : i32
    return %arg0, %c0_i32 : i32, i32
  }
  func.func @transform_6(%arg0: i32) -> (i32, i32) {
    %c0_i32 = arith.constant 0 : i32
    %c0_i32_0 = arith.constant 0 : i32
    return %arg0, %c0_i32 : i32, i32
  }
  func.func @transform_7(%arg0: i32) -> (i32, i32) {
    %c0_i32 = arith.constant 0 : i32
    %c0_i32_0 = arith.constant 0 : i32
    return %arg0, %c0_i32 : i32, i32
  }
}

module attributes {stable_mosaic.version = 14 : i64} {
  func.func @_combine_body_nores(%arg0: i32, %arg1: memref<2x1024x128xf32, #tpu.memory_space<vmem>>, %arg2: memref<1024x128xf32, #tpu.memory_space<vmem>>, %arg3: memref<1024x128xf32, #tpu.memory_space<vmem>>, %arg4: memref<128x128xf32, #tpu.memory_space<vmem>>, %arg5: memref<128x128xf32, #tpu.memory_space<vmem>>, %arg6: memref<1x128xf32, #tpu.memory_space<vmem>>, %arg7: memref<1024x128xf32, #tpu.memory_space<vmem>>, %arg8: memref<1024x128xf32, #tpu.memory_space<vmem>>, %arg9: memref<1024x128xf32, #tpu.memory_space<vmem>>) attributes {dimension_semantics = [#tpu.dimension_semantics<arbitrary>], iteration_bounds = array<i64: 10>, scalar_prefetch = 0 : i64, scratch_operands = 0 : i64, tpu.core_type = #tpu.core_type<tc>, window_params = [{transform_indices = @transform_0, window_bounds = array<i64: 2, 1024, 128>}, {transform_indices = @transform_1, window_bounds = array<i64: 1024, 128>}, {transform_indices = @transform_2, window_bounds = array<i64: 1024, 128>}, {pipeline_mode = #tpu.pipeline_mode<synchronous>, transform_indices = @transform_3, window_bounds = array<i64: 128, 128>}, {pipeline_mode = #tpu.pipeline_mode<synchronous>, transform_indices = @transform_4, window_bounds = array<i64: 128, 128>}, {pipeline_mode = #tpu.pipeline_mode<synchronous>, transform_indices = @transform_5, window_bounds = array<i64: 1, 128>}, {transform_indices = @transform_6, window_bounds = array<i64: 1024, 128>}, {transform_indices = @transform_7, window_bounds = array<i64: 1024, 128>}, {transform_indices = @transform_8, window_bounds = array<i64: 1024, 128>}]} {
    %get3A = arith.constant 0 : index
    %get3A_0 = arith.constant 0 : index
    %get3A_1 = arith.constant 0 : index
    %get3A_2 = vector.load %arg1[%get3A, %get3A_0, %get3A_1] : memref<2x1024x128xf32, #tpu.memory_space<vmem>>, vector<1x1024x128xf32>
    %get3A_3 = vector.shape_cast %get3A_2 : vector<1x1024x128xf32> to vector<1024x128xf32>
    %get3A_4 = arith.constant 1 : index
    %get3A_5 = arith.constant 0 : index
    %get3A_6 = arith.constant 0 : index
    %get3A_7 = vector.load %arg1[%get3A_4, %get3A_5, %get3A_6] : memref<2x1024x128xf32, #tpu.memory_space<vmem>>, vector<1x1024x128xf32>
    %get3A_8 = vector.shape_cast %get3A_7 : vector<1x1024x128xf32> to vector<1024x128xf32>
    %add3A = arith.addf %get3A_3, %get3A_8 : vector<1024x128xf32>
    %get3A_9 = arith.constant 0 : index
    %get3A_10 = arith.constant 0 : index
    %get3A_11 = vector.load %arg2[%get3A_9, %get3A_10] : memref<1024x128xf32, #tpu.memory_space<vmem>>, vector<1024x128xf32>
    %mul3A = arith.mulf %add3A, %get3A_11 : vector<1024x128xf32>
    %get3A_12 = arith.constant 0 : index
    %get3A_13 = arith.constant 0 : index
    %get3A_14 = vector.load %arg3[%get3A_12, %get3A_13] : memref<1024x128xf32, #tpu.memory_space<vmem>>, vector<1024x128xf32>
    %add3A_15 = arith.addf %mul3A, %get3A_14 : vector<1024x128xf32>
    %ge3A = arith.constant 0.000000e+00 : f32
    %ge3A_16 = vector.broadcast %ge3A : f32 to vector<1024x128xf32>
    %ge3A_17 = arith.cmpf oge, %add3A_15, %ge3A_16 : vector<1024x128xf32>
    %mul3A_18 = arith.constant 0.00999999977 : f32
    %mul3A_19 = vector.broadcast %mul3A_18 : f32 to vector<1024x128xf32>
    %mul3A_20 = arith.mulf %mul3A_19, %add3A_15 : vector<1024x128xf32>
    %select_n3A = arith.select %ge3A_17, %add3A_15, %mul3A_20 : vector<1024x128xi1>, vector<1024x128xf32>
    %swap3A = arith.constant 0 : index
    %swap3A_21 = arith.constant 0 : index
    %swap3A_22 = vector.load %arg7[%swap3A, %swap3A_21] : memref<1024x128xf32, #tpu.memory_space<vmem>>, vector<1024x128xf32>
    tpu.vector_store %arg7[%swap3A, %swap3A_21], %select_n3A {strides = array<i32>} : memref<1024x128xf32, #tpu.memory_space<vmem>>, vector<1024x128xf32>,
    %get3A_23 = arith.constant 0 : index
    %get3A_24 = arith.constant 0 : index
    %get3A_25 = vector.load %arg4[%get3A_23, %get3A_24] : memref<128x128xf32, #tpu.memory_space<vmem>>, vector<128x128xf32>
    %dot_general3A = arith.constant dense<0.000000e+00> : vector<1024x128xf32>
    %dot_general3A_26 = tpu.matmul %select_n3A, %get3A_25, %dot_general3A {dimension_numbers = #tpu.dot_dimension_numbers<[1], [0], [0], [1], [0, 0, 1, 1], [], []>, transpose_lhs_hint = false} : vector<1024x128xf32>, vector<128x128xf32>, vector<1024x128xf32> -> vector<1024x128xf32>
    %swap3A_27 = arith.constant 0 : index
    %swap3A_28 = arith.constant 0 : index
    %swap3A_29 = vector.load %arg8[%swap3A_27, %swap3A_28] : memref<1024x128xf32, #tpu.memory_space<vmem>>, vector<1024x128xf32>
    tpu.vector_store %arg8[%swap3A_27, %swap3A_28], %dot_general3A_26 {strides = array<i32>} : memref<1024x128xf32, #tpu.memory_space<vmem>>, vector<1024x128xf32>,
    %get3A_30 = arith.constant 0 : index
    %get3A_31 = arith.constant 0 : index
    %get3A_32 = vector.load %arg5[%get3A_30, %get3A_31] : memref<128x128xf32, #tpu.memory_space<vmem>>, vector<128x128xf32>
    %dot_general3A_33 = arith.constant dense<0.000000e+00> : vector<1024x128xf32>
    %dot_general3A_34 = tpu.matmul %select_n3A, %get3A_32, %dot_general3A_33 {dimension_numbers = #tpu.dot_dimension_numbers<[1], [0], [0], [1], [0, 0, 1, 1], [], []>, transpose_lhs_hint = false} : vector<1024x128xf32>, vector<128x128xf32>, vector<1024x128xf32> -> vector<1024x128xf32>
    %get3A_35 = arith.constant 0 : index
    %get3A_36 = arith.constant 0 : index
    %get3A_37 = vector.load %arg6[%get3A_35, %get3A_36] : memref<1x128xf32, #tpu.memory_space<vmem>>, vector<1x128xf32>
    %add3A_38 = vector.broadcast %get3A_37 : vector<1x128xf32> to vector<1024x128xf32>
    %add3A_39 = arith.addf %dot_general3A_34, %add3A_38 : vector<1024x128xf32>
    %swap3A_40 = arith.constant 0 : index
    %swap3A_41 = arith.constant 0 : index
    %swap3A_42 = vector.load %arg9[%swap3A_40, %swap3A_41] : memref<1024x128xf32, #tpu.memory_space<vmem>>, vector<1024x128xf32>
    tpu.vector_store %arg9[%swap3A_40, %swap3A_41], %add3A_39 {strides = array<i32>} : memref<1024x128xf32, #tpu.memory_space<vmem>>, vector<1024x128xf32>,
    return
  }
  func.func @transform_0(%arg0: i32) -> (i32, i32, i32) {
    %c0_i32 = arith.constant 0 : i32
    %c0_i32_0 = arith.constant 0 : i32
    %c0_i32_1 = arith.constant 0 : i32
    return %c0_i32, %arg0, %c0_i32_0 : i32, i32, i32
  }
  func.func @transform_1(%arg0: i32) -> (i32, i32) {
    %c0_i32 = arith.constant 0 : i32
    %c0_i32_0 = arith.constant 0 : i32
    return %arg0, %c0_i32 : i32, i32
  }
  func.func @transform_2(%arg0: i32) -> (i32, i32) {
    %c0_i32 = arith.constant 0 : i32
    %c0_i32_0 = arith.constant 0 : i32
    return %arg0, %c0_i32 : i32, i32
  }
  func.func @transform_3(%arg0: i32) -> (i32, i32) {
    %c0_i32 = arith.constant 0 : i32
    %c0_i32_0 = arith.constant 0 : i32
    %c0_i32_1 = arith.constant 0 : i32
    return %c0_i32, %c0_i32_0 : i32, i32
  }
  func.func @transform_4(%arg0: i32) -> (i32, i32) {
    %c0_i32 = arith.constant 0 : i32
    %c0_i32_0 = arith.constant 0 : i32
    %c0_i32_1 = arith.constant 0 : i32
    return %c0_i32, %c0_i32_0 : i32, i32
  }
  func.func @transform_5(%arg0: i32) -> (i32, i32) {
    %c0_i32 = arith.constant 0 : i32
    %c0_i32_0 = arith.constant 0 : i32
    %c0_i32_1 = arith.constant 0 : i32
    return %c0_i32, %c0_i32_0 : i32, i32
  }
  func.func @transform_6(%arg0: i32) -> (i32, i32) {
    %c0_i32 = arith.constant 0 : i32
    %c0_i32_0 = arith.constant 0 : i32
    return %arg0, %c0_i32 : i32, i32
  }
  func.func @transform_7(%arg0: i32) -> (i32, i32) {
    %c0_i32 = arith.constant 0 : i32
    %c0_i32_0 = arith.constant 0 : i32
    return %arg0, %c0_i32 : i32, i32
  }
  func.func @transform_8(%arg0: i32) -> (i32, i32) {
    %c0_i32 = arith.constant 0 : i32
    %c0_i32_0 = arith.constant 0 : i32
    return %arg0, %c0_i32 : i32, i32
  }
}

module attributes {stable_mosaic.version = 14 : i64} {
  func.func @_combine_body_nores(%arg0: i32, %arg1: memref<2x1024x128xf32, #tpu.memory_space<vmem>>, %arg2: memref<1024x128xf32, #tpu.memory_space<vmem>>, %arg3: memref<1024x128xf32, #tpu.memory_space<vmem>>, %arg4: memref<128x128xf32, #tpu.memory_space<vmem>>, %arg5: memref<128x128xf32, #tpu.memory_space<vmem>>, %arg6: memref<1x128xf32, #tpu.memory_space<vmem>>, %arg7: memref<1024x128xf32, #tpu.memory_space<vmem>>, %arg8: memref<1024x128xf32, #tpu.memory_space<vmem>>, %arg9: memref<1024x128xf32, #tpu.memory_space<vmem>>) attributes {dimension_semantics = [#tpu.dimension_semantics<arbitrary>], iteration_bounds = array<i64: 10>, scalar_prefetch = 0 : i64, scratch_operands = 0 : i64, tpu.core_type = #tpu.core_type<tc>, window_params = [{transform_indices = @transform_0, window_bounds = array<i64: 2, 1024, 128>}, {transform_indices = @transform_1, window_bounds = array<i64: 1024, 128>}, {transform_indices = @transform_2, window_bounds = array<i64: 1024, 128>}, {pipeline_mode = #tpu.pipeline_mode<synchronous>, transform_indices = @transform_3, window_bounds = array<i64: 128, 128>}, {pipeline_mode = #tpu.pipeline_mode<synchronous>, transform_indices = @transform_4, window_bounds = array<i64: 128, 128>}, {pipeline_mode = #tpu.pipeline_mode<synchronous>, transform_indices = @transform_5, window_bounds = array<i64: 1, 128>}, {transform_indices = @transform_6, window_bounds = array<i64: 1024, 128>}, {transform_indices = @transform_7, window_bounds = array<i64: 1024, 128>}, {transform_indices = @transform_8, window_bounds = array<i64: 1024, 128>}]} {
    %get3A = arith.constant 0 : index
    %get3A_0 = arith.constant 0 : index
    %get3A_1 = arith.constant 0 : index
    %get3A_2 = vector.load %arg1[%get3A, %get3A_0, %get3A_1] : memref<2x1024x128xf32, #tpu.memory_space<vmem>>, vector<1x1024x128xf32>
    %get3A_3 = vector.shape_cast %get3A_2 : vector<1x1024x128xf32> to vector<1024x128xf32>
    %get3A_4 = arith.constant 1 : index
    %get3A_5 = arith.constant 0 : index
    %get3A_6 = arith.constant 0 : index
    %get3A_7 = vector.load %arg1[%get3A_4, %get3A_5, %get3A_6] : memref<2x1024x128xf32, #tpu.memory_space<vmem>>, vector<1x1024x128xf32>
    %get3A_8 = vector.shape_cast %get3A_7 : vector<1x1024x128xf32> to vector<1024x128xf32>
    %add3A = arith.addf %get3A_3, %get3A_8 : vector<1024x128xf32>
    %get3A_9 = arith.constant 0 : index
    %get3A_10 = arith.constant 0 : index
    %get3A_11 = vector.load %arg2[%get3A_9, %get3A_10] : memref<1024x128xf32, #tpu.memory_space<vmem>>, vector<1024x128xf32>
    %mul3A = arith.mulf %add3A, %get3A_11 : vector<1024x128xf32>
    %get3A_12 = arith.constant 0 : index
    %get3A_13 = arith.constant 0 : index
    %get3A_14 = vector.load %arg3[%get3A_12, %get3A_13] : memref<1024x128xf32, #tpu.memory_space<vmem>>, vector<1024x128xf32>
    %add3A_15 = arith.addf %mul3A, %get3A_14 : vector<1024x128xf32>
    %ge3A = arith.constant 0.000000e+00 : f32
    %ge3A_16 = vector.broadcast %ge3A : f32 to vector<1024x128xf32>
    %ge3A_17 = arith.cmpf oge, %add3A_15, %ge3A_16 : vector<1024x128xf32>
    %mul3A_18 = arith.constant 0.00999999977 : f32
    %mul3A_19 = vector.broadcast %mul3A_18 : f32 to vector<1024x128xf32>
    %mul3A_20 = arith.mulf %mul3A_19, %add3A_15 : vector<1024x128xf32>
    %select_n3A = arith.select %ge3A_17, %add3A_15, %mul3A_20 : vector<1024x128xi1>, vector<1024x128xf32>
    %swap3A = arith.constant 0 : index
    %swap3A_21 = arith.constant 0 : index
    %swap3A_22 = vector.load %arg7[%swap3A, %swap3A_21] : memref<1024x128xf32, #tpu.memory_space<vmem>>, vector<1024x128xf32>
    tpu.vector_store %arg7[%swap3A, %swap3A_21], %select_n3A {strides = array<i32>} : memref<1024x128xf32, #tpu.memory_space<vmem>>, vector<1024x128xf32>,
    %get3A_23 = arith.constant 0 : index
    %get3A_24 = arith.constant 0 : index
    %get3A_25 = vector.load %arg4[%get3A_23, %get3A_24] : memref<128x128xf32, #tpu.memory_space<vmem>>, vector<128x128xf32>
    %dot_general3A = arith.constant dense<0.000000e+00> : vector<1024x128xf32>
    %dot_general3A_26 = tpu.matmul %select_n3A, %get3A_25, %dot_general3A {dimension_numbers = #tpu.dot_dimension_numbers<[1], [0], [0], [1], [0, 0, 1, 1], [], []>, transpose_lhs_hint = false} : vector<1024x128xf32>, vector<128x128xf32>, vector<1024x128xf32> -> vector<1024x128xf32>
    %swap3A_27 = arith.constant 0 : index
    %swap3A_28 = arith.constant 0 : index
    %swap3A_29 = vector.load %arg8[%swap3A_27, %swap3A_28] : memref<1024x128xf32, #tpu.memory_space<vmem>>, vector<1024x128xf32>
    tpu.vector_store %arg8[%swap3A_27, %swap3A_28], %dot_general3A_26 {strides = array<i32>} : memref<1024x128xf32, #tpu.memory_space<vmem>>, vector<1024x128xf32>,
    %get3A_30 = arith.constant 0 : index
    %get3A_31 = arith.constant 0 : index
    %get3A_32 = vector.load %arg5[%get3A_30, %get3A_31] : memref<128x128xf32, #tpu.memory_space<vmem>>, vector<128x128xf32>
    %dot_general3A_33 = arith.constant dense<0.000000e+00> : vector<1024x128xf32>
    %dot_general3A_34 = tpu.matmul %select_n3A, %get3A_32, %dot_general3A_33 {dimension_numbers = #tpu.dot_dimension_numbers<[1], [0], [0], [1], [0, 0, 1, 1], [], []>, transpose_lhs_hint = false} : vector<1024x128xf32>, vector<128x128xf32>, vector<1024x128xf32> -> vector<1024x128xf32>
    %get3A_35 = arith.constant 0 : index
    %get3A_36 = arith.constant 0 : index
    %get3A_37 = vector.load %arg6[%get3A_35, %get3A_36] : memref<1x128xf32, #tpu.memory_space<vmem>>, vector<1x128xf32>
    %add3A_38 = vector.broadcast %get3A_37 : vector<1x128xf32> to vector<1024x128xf32>
    %add3A_39 = arith.addf %dot_general3A_34, %add3A_38 : vector<1024x128xf32>
    %swap3A_40 = arith.constant 0 : index
    %swap3A_41 = arith.constant 0 : index
    %swap3A_42 = vector.load %arg9[%swap3A_40, %swap3A_41] : memref<1024x128xf32, #tpu.memory_space<vmem>>, vector<1024x128xf32>
    tpu.vector_store %arg9[%swap3A_40, %swap3A_41], %add3A_39 {strides = array<i32>} : memref<1024x128xf32, #tpu.memory_space<vmem>>, vector<1024x128xf32>,
    return
  }
  func.func @transform_0(%arg0: i32) -> (i32, i32, i32) {
    %c0_i32 = arith.constant 0 : i32
    %c0_i32_0 = arith.constant 0 : i32
    %c0_i32_1 = arith.constant 0 : i32
    return %c0_i32, %arg0, %c0_i32_0 : i32, i32, i32
  }
  func.func @transform_1(%arg0: i32) -> (i32, i32) {
    %c0_i32 = arith.constant 0 : i32
    %c0_i32_0 = arith.constant 0 : i32
    return %arg0, %c0_i32 : i32, i32
  }
  func.func @transform_2(%arg0: i32) -> (i32, i32) {
    %c0_i32 = arith.constant 0 : i32
    %c0_i32_0 = arith.constant 0 : i32
    return %arg0, %c0_i32 : i32, i32
  }
  func.func @transform_3(%arg0: i32) -> (i32, i32) {
    %c0_i32 = arith.constant 0 : i32
    %c0_i32_0 = arith.constant 0 : i32
    %c0_i32_1 = arith.constant 0 : i32
    return %c0_i32, %c0_i32_0 : i32, i32
  }
  func.func @transform_4(%arg0: i32) -> (i32, i32) {
    %c0_i32 = arith.constant 0 : i32
    %c0_i32_0 = arith.constant 0 : i32
    %c0_i32_1 = arith.constant 0 : i32
    return %c0_i32, %c0_i32_0 : i32, i32
  }
  func.func @transform_5(%arg0: i32) -> (i32, i32) {
    %c0_i32 = arith.constant 0 : i32
    %c0_i32_0 = arith.constant 0 : i32
    %c0_i32_1 = arith.constant 0 : i32
    return %c0_i32, %c0_i32_0 : i32, i32
  }
  func.func @transform_6(%arg0: i32) -> (i32, i32) {
    %c0_i32 = arith.constant 0 : i32
    %c0_i32_0 = arith.constant 0 : i32
    return %arg0, %c0_i32 : i32, i32
  }
  func.func @transform_7(%arg0: i32) -> (i32, i32) {
    %c0_i32 = arith.constant 0 : i32
    %c0_i32_0 = arith.constant 0 : i32
    return %arg0, %c0_i32 : i32, i32
  }
  func.func @transform_8(%arg0: i32) -> (i32, i32) {
    %c0_i32 = arith.constant 0 : i32
    %c0_i32_0 = arith.constant 0 : i32
    return %arg0, %c0_i32 : i32, i32
  }
}

module attributes {stable_mosaic.version = 14 : i64} {
  func.func @_combine_body_res(%arg0: i32, %arg1: memref<2x1024x128xf32, #tpu.memory_space<vmem>>, %arg2: memref<1024x128xf32, #tpu.memory_space<vmem>>, %arg3: memref<1024x128xf32, #tpu.memory_space<vmem>>, %arg4: memref<1024x128xf32, #tpu.memory_space<vmem>>, %arg5: memref<128x128xf32, #tpu.memory_space<vmem>>, %arg6: memref<128x128xf32, #tpu.memory_space<vmem>>, %arg7: memref<1x128xf32, #tpu.memory_space<vmem>>, %arg8: memref<1024x128xf32, #tpu.memory_space<vmem>>, %arg9: memref<1024x128xf32, #tpu.memory_space<vmem>>, %arg10: memref<1024x128xf32, #tpu.memory_space<vmem>>) attributes {dimension_semantics = [#tpu.dimension_semantics<arbitrary>], iteration_bounds = array<i64: 10>, scalar_prefetch = 0 : i64, scratch_operands = 0 : i64, tpu.core_type = #tpu.core_type<tc>, window_params = [{transform_indices = @transform_0, window_bounds = array<i64: 2, 1024, 128>}, {transform_indices = @transform_1, window_bounds = array<i64: 1024, 128>}, {transform_indices = @transform_2, window_bounds = array<i64: 1024, 128>}, {transform_indices = @transform_3, window_bounds = array<i64: 1024, 128>}, {pipeline_mode = #tpu.pipeline_mode<synchronous>, transform_indices = @transform_4, window_bounds = array<i64: 128, 128>}, {pipeline_mode = #tpu.pipeline_mode<synchronous>, transform_indices = @transform_5, window_bounds = array<i64: 128, 128>}, {pipeline_mode = #tpu.pipeline_mode<synchronous>, transform_indices = @transform_6, window_bounds = array<i64: 1, 128>}, {transform_indices = @transform_7, window_bounds = array<i64: 1024, 128>}, {transform_indices = @transform_8, window_bounds = array<i64: 1024, 128>}, {transform_indices = @transform_9, window_bounds = array<i64: 1024, 128>}]} {
    %get3A = arith.constant 0 : index
    %get3A_0 = arith.constant 0 : index
    %get3A_1 = arith.constant 0 : index
    %get3A_2 = vector.load %arg1[%get3A, %get3A_0, %get3A_1] : memref<2x1024x128xf32, #tpu.memory_space<vmem>>, vector<1x1024x128xf32>
    %get3A_3 = vector.shape_cast %get3A_2 : vector<1x1024x128xf32> to vector<1024x128xf32>
    %get3A_4 = arith.constant 1 : index
    %get3A_5 = arith.constant 0 : index
    %get3A_6 = arith.constant 0 : index
    %get3A_7 = vector.load %arg1[%get3A_4, %get3A_5, %get3A_6] : memref<2x1024x128xf32, #tpu.memory_space<vmem>>, vector<1x1024x128xf32>
    %get3A_8 = vector.shape_cast %get3A_7 : vector<1x1024x128xf32> to vector<1024x128xf32>
    %add3A = arith.addf %get3A_3, %get3A_8 : vector<1024x128xf32>
    %get3A_9 = arith.constant 0 : index
    %get3A_10 = arith.constant 0 : index
    %get3A_11 = vector.load %arg2[%get3A_9, %get3A_10] : memref<1024x128xf32, #tpu.memory_space<vmem>>, vector<1024x128xf32>
    %mul3A = arith.mulf %add3A, %get3A_11 : vector<1024x128xf32>
    %get3A_12 = arith.constant 0 : index
    %get3A_13 = arith.constant 0 : index
    %get3A_14 = vector.load %arg3[%get3A_12, %get3A_13] : memref<1024x128xf32, #tpu.memory_space<vmem>>, vector<1024x128xf32>
    %add3A_15 = arith.addf %mul3A, %get3A_14 : vector<1024x128xf32>
    %get3A_16 = arith.constant 0 : index
    %get3A_17 = arith.constant 0 : index
    %get3A_18 = vector.load %arg4[%get3A_16, %get3A_17] : memref<1024x128xf32, #tpu.memory_space<vmem>>, vector<1024x128xf32>
    %ge3A = arith.constant 0.000000e+00 : f32
    %ge3A_19 = vector.broadcast %ge3A : f32 to vector<1024x128xf32>
    %ge3A_20 = arith.cmpf oge, %add3A_15, %ge3A_19 : vector<1024x128xf32>
    %mul3A_21 = arith.constant 0.00999999977 : f32
    %mul3A_22 = vector.broadcast %mul3A_21 : f32 to vector<1024x128xf32>
    %mul3A_23 = arith.mulf %mul3A_22, %add3A_15 : vector<1024x128xf32>
    %select_n3A = arith.select %ge3A_20, %add3A_15, %mul3A_23 : vector<1024x128xi1>, vector<1024x128xf32>
    %add3A_24 = arith.addf %get3A_18, %select_n3A : vector<1024x128xf32>
    %swap3A = arith.constant 0 : index
    %swap3A_25 = arith.constant 0 : index
    %swap3A_26 = vector.load %arg8[%swap3A, %swap3A_25] : memref<1024x128xf32, #tpu.memory_space<vmem>>, vector<1024x128xf32>
    tpu.vector_store %arg8[%swap3A, %swap3A_25], %add3A_24 {strides = array<i32>} : memref<1024x128xf32, #tpu.memory_space<vmem>>, vector<1024x128xf32>,
    %get3A_27 = arith.constant 0 : index
    %get3A_28 = arith.constant 0 : index
    %get3A_29 = vector.load %arg5[%get3A_27, %get3A_28] : memref<128x128xf32, #tpu.memory_space<vmem>>, vector<128x128xf32>
    %dot_general3A = arith.constant dense<0.000000e+00> : vector<1024x128xf32>
    %dot_general3A_30 = tpu.matmul %add3A_24, %get3A_29, %dot_general3A {dimension_numbers = #tpu.dot_dimension_numbers<[1], [0], [0], [1], [0, 0, 1, 1], [], []>, transpose_lhs_hint = false} : vector<1024x128xf32>, vector<128x128xf32>, vector<1024x128xf32> -> vector<1024x128xf32>
    %swap3A_31 = arith.constant 0 : index
    %swap3A_32 = arith.constant 0 : index
    %swap3A_33 = vector.load %arg9[%swap3A_31, %swap3A_32] : memref<1024x128xf32, #tpu.memory_space<vmem>>, vector<1024x128xf32>
    tpu.vector_store %arg9[%swap3A_31, %swap3A_32], %dot_general3A_30 {strides = array<i32>} : memref<1024x128xf32, #tpu.memory_space<vmem>>, vector<1024x128xf32>,
    %get3A_34 = arith.constant 0 : index
    %get3A_35 = arith.constant 0 : index
    %get3A_36 = vector.load %arg6[%get3A_34, %get3A_35] : memref<128x128xf32, #tpu.memory_space<vmem>>, vector<128x128xf32>
    %dot_general3A_37 = arith.constant dense<0.000000e+00> : vector<1024x128xf32>
    %dot_general3A_38 = tpu.matmul %add3A_24, %get3A_36, %dot_general3A_37 {dimension_numbers = #tpu.dot_dimension_numbers<[1], [0], [0], [1], [0, 0, 1, 1], [], []>, transpose_lhs_hint = false} : vector<1024x128xf32>, vector<128x128xf32>, vector<1024x128xf32> -> vector<1024x128xf32>
    %get3A_39 = arith.constant 0 : index
    %get3A_40 = arith.constant 0 : index
    %get3A_41 = vector.load %arg7[%get3A_39, %get3A_40] : memref<1x128xf32, #tpu.memory_space<vmem>>, vector<1x128xf32>
    %add3A_42 = vector.broadcast %get3A_41 : vector<1x128xf32> to vector<1024x128xf32>
    %add3A_43 = arith.addf %dot_general3A_38, %add3A_42 : vector<1024x128xf32>
    %swap3A_44 = arith.constant 0 : index
    %swap3A_45 = arith.constant 0 : index
    %swap3A_46 = vector.load %arg10[%swap3A_44, %swap3A_45] : memref<1024x128xf32, #tpu.memory_space<vmem>>, vector<1024x128xf32>
    tpu.vector_store %arg10[%swap3A_44, %swap3A_45], %add3A_43 {strides = array<i32>} : memref<1024x128xf32, #tpu.memory_space<vmem>>, vector<1024x128xf32>,
    return
  }
  func.func @transform_0(%arg0: i32) -> (i32, i32, i32) {
    %c0_i32 = arith.constant 0 : i32
    %c0_i32_0 = arith.constant 0 : i32
    %c0_i32_1 = arith.constant 0 : i32
    return %c0_i32, %arg0, %c0_i32_0 : i32, i32, i32
  }
  func.func @transform_1(%arg0: i32) -> (i32, i32) {
    %c0_i32 = arith.constant 0 : i32
    %c0_i32_0 = arith.constant 0 : i32
    return %arg0, %c0_i32 : i32, i32
  }
  func.func @transform_2(%arg0: i32) -> (i32, i32) {
    %c0_i32 = arith.constant 0 : i32
    %c0_i32_0 = arith.constant 0 : i32
    return %arg0, %c0_i32 : i32, i32
  }
  func.func @transform_3(%arg0: i32) -> (i32, i32) {
    %c0_i32 = arith.constant 0 : i32
    %c0_i32_0 = arith.constant 0 : i32
    return %arg0, %c0_i32 : i32, i32
  }
  func.func @transform_4(%arg0: i32) -> (i32, i32) {
    %c0_i32 = arith.constant 0 : i32
    %c0_i32_0 = arith.constant 0 : i32
    %c0_i32_1 = arith.constant 0 : i32
    return %c0_i32, %c0_i32_0 : i32, i32
  }
  func.func @transform_5(%arg0: i32) -> (i32, i32) {
    %c0_i32 = arith.constant 0 : i32
    %c0_i32_0 = arith.constant 0 : i32
    %c0_i32_1 = arith.constant 0 : i32
    return %c0_i32, %c0_i32_0 : i32, i32
  }
  func.func @transform_6(%arg0: i32) -> (i32, i32) {
    %c0_i32 = arith.constant 0 : i32
    %c0_i32_0 = arith.constant 0 : i32
    %c0_i32_1 = arith.constant 0 : i32
    return %c0_i32, %c0_i32_0 : i32, i32
  }
  func.func @transform_7(%arg0: i32) -> (i32, i32) {
    %c0_i32 = arith.constant 0 : i32
    %c0_i32_0 = arith.constant 0 : i32
    return %arg0, %c0_i32 : i32, i32
  }
  func.func @transform_8(%arg0: i32) -> (i32, i32) {
    %c0_i32 = arith.constant 0 : i32
    %c0_i32_0 = arith.constant 0 : i32
    return %arg0, %c0_i32 : i32, i32
  }
  func.func @transform_9(%arg0: i32) -> (i32, i32) {
    %c0_i32 = arith.constant 0 : i32
    %c0_i32_0 = arith.constant 0 : i32
    return %arg0, %c0_i32 : i32, i32
  }
}

module attributes {stable_mosaic.version = 14 : i64} {
  func.func @_pool_body(%arg0: i32, %arg1: memref<2x1024x128xf32, #tpu.memory_space<vmem>>, %arg2: memref<1024x128xf32, #tpu.memory_space<vmem>>, %arg3: memref<1024x128xf32, #tpu.memory_space<vmem>>, %arg4: memref<1024x128xf32, #tpu.memory_space<vmem>>, %arg5: memref<1x1024xi32, #tpu.memory_space<vmem>>, %arg6: memref<64x128xf32, #tpu.memory_space<vmem>>, %arg7: memref<64x128xf32, #tpu.memory_space<vmem>>) attributes {dimension_semantics = [#tpu.dimension_semantics<arbitrary>], iteration_bounds = array<i64: 10>, scalar_prefetch = 0 : i64, scratch_operands = 1 : i64, tpu.core_type = #tpu.core_type<tc>, window_params = [{transform_indices = @transform_0, window_bounds = array<i64: 2, 1024, 128>}, {transform_indices = @transform_1, window_bounds = array<i64: 1024, 128>}, {transform_indices = @transform_2, window_bounds = array<i64: 1024, 128>}, {transform_indices = @transform_3, window_bounds = array<i64: 1024, 128>}, {transform_indices = @transform_4, window_bounds = array<i64: 1, 1024>}, {pipeline_mode = #tpu.pipeline_mode<synchronous>, transform_indices = @transform_5, window_bounds = array<i64: 64, 128>}]} {
    %get3A = arith.constant 0 : index
    %get3A_0 = arith.constant 0 : index
    %get3A_1 = arith.constant 0 : index
    %get3A_2 = vector.load %arg1[%get3A, %get3A_0, %get3A_1] : memref<2x1024x128xf32, #tpu.memory_space<vmem>>, vector<1x1024x128xf32>
    %get3A_3 = vector.shape_cast %get3A_2 : vector<1x1024x128xf32> to vector<1024x128xf32>
    %get3A_4 = arith.constant 1 : index
    %get3A_5 = arith.constant 0 : index
    %get3A_6 = arith.constant 0 : index
    %get3A_7 = vector.load %arg1[%get3A_4, %get3A_5, %get3A_6] : memref<2x1024x128xf32, #tpu.memory_space<vmem>>, vector<1x1024x128xf32>
    %get3A_8 = vector.shape_cast %get3A_7 : vector<1x1024x128xf32> to vector<1024x128xf32>
    %add3A = arith.addf %get3A_3, %get3A_8 : vector<1024x128xf32>
    %get3A_9 = arith.constant 0 : index
    %get3A_10 = arith.constant 0 : index
    %get3A_11 = vector.load %arg2[%get3A_9, %get3A_10] : memref<1024x128xf32, #tpu.memory_space<vmem>>, vector<1024x128xf32>
    %mul3A = arith.mulf %add3A, %get3A_11 : vector<1024x128xf32>
    %get3A_12 = arith.constant 0 : index
    %get3A_13 = arith.constant 0 : index
    %get3A_14 = vector.load %arg3[%get3A_12, %get3A_13] : memref<1024x128xf32, #tpu.memory_space<vmem>>, vector<1024x128xf32>
    %add3A_15 = arith.addf %mul3A, %get3A_14 : vector<1024x128xf32>
    %get3A_16 = arith.constant 0 : index
    %get3A_17 = arith.constant 0 : index
    %get3A_18 = vector.load %arg4[%get3A_16, %get3A_17] : memref<1024x128xf32, #tpu.memory_space<vmem>>, vector<1024x128xf32>
    %ge3A = arith.constant 0.000000e+00 : f32
    %ge3A_19 = vector.broadcast %ge3A : f32 to vector<1024x128xf32>
    %ge3A_20 = arith.cmpf oge, %add3A_15, %ge3A_19 : vector<1024x128xf32>
    %mul3A_21 = arith.constant 0.00999999977 : f32
    %mul3A_22 = vector.broadcast %mul3A_21 : f32 to vector<1024x128xf32>
    %mul3A_23 = arith.mulf %mul3A_22, %add3A_15 : vector<1024x128xf32>
    %select_n3A = arith.select %ge3A_20, %add3A_15, %mul3A_23 : vector<1024x128xi1>, vector<1024x128xf32>
    %add3A_24 = arith.addf %get3A_18, %select_n3A : vector<1024x128xf32>
    %get3A_25 = arith.constant 0 : index
    %get3A_26 = arith.constant 0 : index
    %get3A_27 = vector.load %arg5[%get3A_25, %get3A_26] : memref<1x1024xi32, #tpu.memory_space<vmem>>, vector<1x1024xi32>
    %iota3A = tpu.iota {dimensions = array<i32: 0>} : vector<64x1024xi32>
    %iota3A_28 = tpu.iota {dimensions = array<i32: 1>} : vector<64x1024xi32>
    %mul3A_29 = arith.constant 1024 : i32
    %mul3A_30 = arith.muli %arg0, %mul3A_29 : i32
    %add3A_31 = vector.broadcast %mul3A_30 : i32 to vector<64x1024xi32>
    %add3A_32 = arith.addi %iota3A_28, %add3A_31 : vector<64x1024xi32>
    %eq3A = vector.broadcast %get3A_27 : vector<1x1024xi32> to vector<64x1024xi32>
    %eq3A_33 = arith.cmpi eq, %eq3A, %iota3A : vector<64x1024xi32>
    %lt3A = arith.constant 10000 : i32
    %lt3A_34 = vector.broadcast %lt3A : i32 to vector<64x1024xi32>
    %lt3A_35 = arith.cmpi slt, %add3A_32, %lt3A_34 : vector<64x1024xi32>
    %and3A = arith.andi %eq3A_33, %lt3A_35 : vector<64x1024xi1>
    %convert_element_type3A = arith.extui %and3A : vector<64x1024xi1> to vector<64x1024xi32>
    %convert_element_type3A_36 = arith.sitofp %convert_element_type3A : vector<64x1024xi32> to vector<64x1024xf32>
    %eq3A_37 = arith.constant 0 : i32
    %eq3A_38 = arith.cmpi eq, %arg0, %eq3A_37 : i32
    %convert_element_type3A_39 = arith.extui %eq3A_38 : i1 to i32
    %cond3A = arith.constant 0 : i32
    %cond3A_40 = arith.cmpi ne, %convert_element_type3A_39, %cond3A : i32
    scf.if %cond3A_40 {
      %broadcast_in_dim3A_63 = arith.constant 0.000000e+00 : f32
      %broadcast_in_dim3A_64 = vector.broadcast %broadcast_in_dim3A_63 : f32 to vector<64x128xf32>
      %swap3A_65 = arith.constant 0 : index
      %swap3A_66 = arith.constant 0 : index
      %swap3A_67 = vector.load %arg6[%swap3A_65, %swap3A_66] : memref<64x128xf32, #tpu.memory_space<vmem>>, vector<64x128xf32>
      tpu.vector_store %arg6[%swap3A_65, %swap3A_66], %broadcast_in_dim3A_64 {strides = array<i32>} : memref<64x128xf32, #tpu.memory_space<vmem>>, vector<64x128xf32>,
      %broadcast_in_dim3A_68 = arith.constant 0.000000e+00 : f32
      %broadcast_in_dim3A_69 = vector.broadcast %broadcast_in_dim3A_68 : f32 to vector<64x128xf32>
      %swap3A_70 = arith.constant 0 : index
      %swap3A_71 = arith.constant 0 : index
      %swap3A_72 = vector.load %arg7[%swap3A_70, %swap3A_71] : memref<64x128xf32, #tpu.memory_space<vmem>>, vector<64x128xf32>
      tpu.vector_store %arg7[%swap3A_70, %swap3A_71], %broadcast_in_dim3A_69 {strides = array<i32>} : memref<64x128xf32, #tpu.memory_space<vmem>>, vector<64x128xf32>,
    } else {
    }
    %get3A_41 = arith.constant 0 : index
    %get3A_42 = arith.constant 0 : index
    %get3A_43 = vector.load %arg6[%get3A_41, %get3A_42] : memref<64x128xf32, #tpu.memory_space<vmem>>, vector<64x128xf32>
    %dot_general3A = arith.constant dense<0.000000e+00> : vector<64x128xf32>
    %dot_general3A_44 = tpu.matmul %convert_element_type3A_36, %add3A_24, %dot_general3A {dimension_numbers = #tpu.dot_dimension_numbers<[1], [0], [0], [1], [0, 0, 1, 1], [], []>, transpose_lhs_hint = false} : vector<64x1024xf32>, vector<1024x128xf32>, vector<64x128xf32> -> vector<64x128xf32>
    %add3A_45 = arith.addf %get3A_43, %dot_general3A_44 : vector<64x128xf32>
    %swap3A = arith.constant 0 : index
    %swap3A_46 = arith.constant 0 : index
    %swap3A_47 = vector.load %arg6[%swap3A, %swap3A_46] : memref<64x128xf32, #tpu.memory_space<vmem>>, vector<64x128xf32>
    tpu.vector_store %arg6[%swap3A, %swap3A_46], %add3A_45 {strides = array<i32>} : memref<64x128xf32, #tpu.memory_space<vmem>>, vector<64x128xf32>,
    %get3A_48 = arith.constant 0 : index
    %get3A_49 = arith.constant 0 : index
    %get3A_50 = vector.load %arg7[%get3A_48, %get3A_49] : memref<64x128xf32, #tpu.memory_space<vmem>>, vector<64x128xf32>
    %reduce_sum3A = arith.constant dense<0.000000e+00> : vector<64xf32>
    %reduce_sum3A_51 = vector.multi_reduction <add>, %convert_element_type3A_36, %reduce_sum3A [1] : vector<64x1024xf32> to vector<64xf32>
    %broadcast_in_dim3A = vector.shape_cast %reduce_sum3A_51 : vector<64xf32> to vector<64x1xf32>
    %broadcast_in_dim3A_52 = vector.shape_cast %broadcast_in_dim3A : vector<64x1xf32> to vector<64x1xf32>
    %broadcast_in_dim3A_53 = vector.broadcast %broadcast_in_dim3A_52 : vector<64x1xf32> to vector<64x128xf32>
    %add3A_54 = arith.addf %get3A_50, %broadcast_in_dim3A_53 : vector<64x128xf32>
    %swap3A_55 = arith.constant 0 : index
    %swap3A_56 = arith.constant 0 : index
    %swap3A_57 = vector.load %arg7[%swap3A_55, %swap3A_56] : memref<64x128xf32, #tpu.memory_space<vmem>>, vector<64x128xf32>
    tpu.vector_store %arg7[%swap3A_55, %swap3A_56], %add3A_54 {strides = array<i32>} : memref<64x128xf32, #tpu.memory_space<vmem>>, vector<64x128xf32>,
    %eq3A_58 = arith.constant 9 : i32
    %eq3A_59 = arith.cmpi eq, %arg0, %eq3A_58 : i32
    %convert_element_type3A_60 = arith.extui %eq3A_59 : i1 to i32
    %cond3A_61 = arith.constant 0 : i32
    %cond3A_62 = arith.cmpi ne, %convert_element_type3A_60, %cond3A_61 : i32
    scf.if %cond3A_62 {
      %get3A_63 = arith.constant 0 : index
      %get3A_64 = arith.constant 0 : index
      %get3A_65 = vector.load %arg6[%get3A_63, %get3A_64] : memref<64x128xf32, #tpu.memory_space<vmem>>, vector<64x128xf32>
      %get3A_66 = arith.constant 0 : index
      %get3A_67 = arith.constant 0 : index
      %get3A_68 = vector.load %arg7[%get3A_66, %get3A_67] : memref<64x128xf32, #tpu.memory_space<vmem>>, vector<64x128xf32>
      %max3A = arith.constant 1.000000e+00 : f32
      %max3A_69 = vector.broadcast %max3A : f32 to vector<64x128xf32>
      %max3A_70 = arith.maximumf %get3A_68, %max3A_69 : vector<64x128xf32>
      %div3A = arith.divf %get3A_65, %max3A_70 : vector<64x128xf32>
      %swap3A_71 = arith.constant 0 : index
      %swap3A_72 = arith.constant 0 : index
      %swap3A_73 = vector.load %arg6[%swap3A_71, %swap3A_72] : memref<64x128xf32, #tpu.memory_space<vmem>>, vector<64x128xf32>
      tpu.vector_store %arg6[%swap3A_71, %swap3A_72], %div3A {strides = array<i32>} : memref<64x128xf32, #tpu.memory_space<vmem>>, vector<64x128xf32>,
    } else {
    }
    return
  }
  func.func @transform_0(%arg0: i32) -> (i32, i32, i32) {
    %c0_i32 = arith.constant 0 : i32
    %c0_i32_0 = arith.constant 0 : i32
    %c0_i32_1 = arith.constant 0 : i32
    return %c0_i32, %arg0, %c0_i32_0 : i32, i32, i32
  }
  func.func @transform_1(%arg0: i32) -> (i32, i32) {
    %c0_i32 = arith.constant 0 : i32
    %c0_i32_0 = arith.constant 0 : i32
    return %arg0, %c0_i32 : i32, i32
  }
  func.func @transform_2(%arg0: i32) -> (i32, i32) {
    %c0_i32 = arith.constant 0 : i32
    %c0_i32_0 = arith.constant 0 : i32
    return %arg0, %c0_i32 : i32, i32
  }
  func.func @transform_3(%arg0: i32) -> (i32, i32) {
    %c0_i32 = arith.constant 0 : i32
    %c0_i32_0 = arith.constant 0 : i32
    return %arg0, %c0_i32 : i32, i32
  }
  func.func @transform_4(%arg0: i32) -> (i32, i32) {
    %c0_i32 = arith.constant 0 : i32
    %c0_i32_0 = arith.constant 0 : i32
    return %c0_i32, %arg0 : i32, i32
  }
  func.func @transform_5(%arg0: i32) -> (i32, i32) {
    %c0_i32 = arith.constant 0 : i32
    %c0_i32_0 = arith.constant 0 : i32
    %c0_i32_1 = arith.constant 0 : i32
    return %c0_i32, %c0_i32_0 : i32, i32
  }
}

</mosaic_0001>

<sc_bundles>
// kernel: kernel.12.cloned.1.call-start
scs
__scs_entry_jumppad:
0x0: {  	(pc) =	sbr.rel $0x88, $3  }
0x1: {  	(tag) =	ssettag $0x0;
	lr =	simm.s32 $0x1  }
0x2: {  	[smem:$0x3F9B] =	sst lr;
	_ =	strace $0xD0000000  }
0x3: {  	_ = 	snop  }
0x4: {  	_ = 	snop  }
0x5: {  	_ = 	snop  }
0x6: {  	_ = 	snop  }
0x7: {  	_ = 	snop  }
__scs_overlays_trampoline_lowered:
0x8: {  	[smem:$0x3FAA] =	sst s0  }
0x9: {  	[smem:$0x3FAB] =	sst s1  }
0xa: {  	[smem:$0x3FAC] =	sst s2  }
0xb: {  	[smem:$0x3FAD] =	sst s3  }
0xc: {  	[smem:$0x3FAE] =	sst s4  }
0xd: {  	[smem:$0x3FAF] =	sst s5  }
0xe: {  	[smem:$0x3FB0] =	sst s6  }
0xf: {  	[smem:$0x3FB1] =	sst s7  }
0x10: {  	[smem:$0x3FB2] =	sst s8  }
0x11: {  	[smem:$0x3FB3] =	sst s9;
	s0 =	simm.s32 @!p0 $0x0  }
0x12: {  	s1 =	sld [smem:$0x3F99];
	s0 =	simm.s32 @p0 $0x1  }
0x13: {  	[smem:$0x3FB4] =	sst s0;
	s0 =	simm.s32 @!p1 $0x0  }
0x14: {  	s2 =	sld [smem:$0x3F98];
	s0 =	simm.s32 @p1 $0x1  }
0x15: {  	[smem:$0x3FB5] =	sst s0;
	s0 =	simm.s32 @!p2 $0x0  }
0x16: {  	s3 =	sld [smem:$0x3FDB];
	s0 =	simm.s32 @p2 $0x1  }
0x17: {  	s4 =	simm.s32 $0x1BF5;
	[smem:$0x3FB7] =	sst s0  }
0x18: {  	s0 =	sld [smem:$0x3F9A];
	_ =	swait.ge [sflag:s4], $0x0  }
0x19: {  	s7 =	sld [smem:$0x3F9B]  }
0x1a: {  	s8 =	sadd.s32 $0xFFFFE003, lr  }
0x1b: {  	s9 =	sadd.s32 $0xFFFFFEF7, lr;
	s5 =	simm.s32 $0xFFFFFFFF;
	p2 =	slt.u32 s8, $0xFFFFF086  }
0x1c: {  	p1 =	slt.u32 s9, $0xF7A;
	s5 =	simm.s32 @!p2 $0x0  }
0x1d: {  	s5 =	simm.s32 @p1 $0x1;
	p0 =	seq.s32 s7, s2  }
0x1e: {  	s7 =	smul.u32 @!p0 $0xF7A, s2;
	p2 =	seq.s32 @!p0 s5, $0x0  }
0x1f: {  	s9 =	smul.u32 $0xF7A, s1;
	s8 =	simm.s32 @!p0 $0x1BF5;
	p2 =	por !p2, p0  }
0x20: {  	[sflag:s8] =	ssyncset.s32 @!p0 $0xFFFFF086;
	s6 =	sadd.s32 @!p0 s3, s7;
	s7 =	simm.s32 @!p0 $0x108  }
0x21: {  	s3 =	sadd.s32 s3, s9;
	s6 =	sadd.s32 @!p0 $0x88, s6;
	s7 =	simm.s32 @p2 $0x1082  }
0x22: {  	[simem:s7], [sflag:s8] =	dma.local @!p0 [hbm:s6], $0xF7A  }
0x23: {  	s9 =	sor.u32 $0xD0000000, s2;
	s6 =	simm.s32 $0x108;
	_ =	swait.ge @!p0 [sflag:s8], $0x0  }
0x24: {  	s3 =	sadd.s32 $0x88, s3;
	s6 =	simm.s32 @!p1 $0x1082;
	[sflag:s4] =	ssyncset.s32 $0xFFFFF086  }
0x25: {  	[simem:s6], [sflag:s4] =	dma.local [hbm:s3], $0xF7A  }
0x26: {  	[smem:$0x3F9B] =	sst s1;
	(tag) =	ssettag s2;
	_ =	strace s9  }
0x27: {  	s1 =	sld [smem:$0x3FAB]  }
0x28: {  	s2 =	sld [smem:$0x3FAC]  }
0x29: {  	s4 =	sld [smem:$0x3FAE]  }
0x2a: {  	p0 =	seq.s32 s5, $0x0;
	s5 =	sld [smem:$0x3FAF]  }
0x2b: {  	s6 =	sld [smem:$0x3FB0]  }
0x2c: {  	s7 =	sld [smem:$0x3FB1]  }
0x2d: {  	s3 =	simm.s32 $0x108;
	s8 =	sld [smem:$0x3FB2]  }
0x2e: {  	s3 =	simm.s32 @!p0 $0x1082;
	s9 =	sld [smem:$0x3FB3]  }
0x2f: {  	lr =	sadd.s32 s0, s3;
	s0 =	sld [smem:$0x3FAA]  }
0x30: {  	s3 =	sld [smem:$0x3FAD]  }
0x31: {  	[smem:$0x3FB6] =	sst s10  }
0x32: {  	s10 =	sld [smem:$0x3FB4];
	_ =	sdelay $0x3  }
0x33: {  	p0 =	seq.s32 s10, $0x1;
	s10 =	sld [smem:$0x3FB6];
	_ =	sdelay $0x3  }
0x34: {  	[smem:$0x3FB6] =	sst s10  }
0x35: {  	s10 =	sld [smem:$0x3FB5];
	_ =	sdelay $0x3  }
0x36: {  	p1 =	seq.s32 s10, $0x1;
	s10 =	sld [smem:$0x3FB6];
	_ =	sdelay $0x3  }
0x37: {  	[smem:$0x3FB6] =	sst s10  }
0x38: {  	s10 =	sld [smem:$0x3FB7]  }
0x39: {  	_ = 	snop;
	(pc) =	sbr.ind lr, $3  }
0x3a: {  	_ = 	snop  }
0x3b: {  	_ = 	snop  }
0x3c: {  	p2 =	seq.s32 s10, $0x1;
	s10 =	sld [smem:$0x3FB6]  }
0x3d: {  	_ =	shalt  }
0x3e: {  	_ =	shalt  }
0x3f: {  	_ =	shalt  }
0x40: {  	_ =	shalt  }
0x41: {  	_ =	shalt  }
0x42: {  	_ =	shalt  }
0x43: {  	_ =	shalt  }
0x44: {  	_ =	shalt  }
0x45: {  	_ =	shalt  }
0x46: {  	_ =	shalt  }
0x47: {  	_ =	shalt  }
0x48: {  	_ =	shalt  }
0x49: {  	_ =	shalt  }
0x4a: {  	_ =	shalt  }
0x4b: {  	_ =	shalt  }
0x4c: {  	_ =	shalt  }
0x4d: {  	_ =	shalt  }
0x4e: {  	_ =	shalt  }
0x4f: {  	_ =	shalt  }
0x50: {  	_ =	shalt  }
0x51: {  	_ =	shalt  }
0x52: {  	_ =	shalt  }
0x53: {  	_ =	shalt  }
0x54: {  	_ =	shalt  }
0x55: {  	_ =	shalt  }
0x56: {  	_ =	shalt  }
0x57: {  	_ =	shalt  }
0x58: {  	_ =	shalt  }
0x59: {  	_ =	shalt  }
0x5a: {  	_ =	shalt  }
0x5b: {  	_ =	shalt  }
0x5c: {  	_ =	shalt  }
0x5d: {  	_ =	shalt  }
0x5e: {  	_ =	shalt  }
0x5f: {  	_ =	shalt  }
0x60: {  	_ =	shalt  }
0x61: {  	_ =	shalt  }
0x62: {  	_ =	shalt  }
0x63: {  	_ =	shalt  }
0x64: {  	_ =	shalt  }
0x65: {  	_ =	shalt  }
0x66: {  	_ =	shalt  }
0x67: {  	_ =	shalt  }
0x68: {  	_ =	shalt  }
0x69: {  	_ =	shalt  }
0x6a: {  	_ =	shalt  }
0x6b: {  	_ =	shalt  }
0x6c: {  	_ =	shalt  }
0x6d: {  	_ =	shalt  }
0x6e: {  	_ =	shalt  }
0x6f: {  	_ =	shalt  }
0x70: {  	_ =	shalt  }
0x71: {  	_ =	shalt  }
0x72: {  	_ =	shalt  }
0x73: {  	_ =	shalt  }
0x74: {  	_ =	shalt  }
0x75: {  	_ =	shalt  }
0x76: {  	_ =	shalt  }
0x77: {  	_ =	shalt  }
0x78: {  	_ =	shalt  }
0x79: {  	_ =	shalt  }
0x7a: {  	_ =	shalt  }
0x7b: {  	_ =	shalt  }
0x7c: {  	_ =	shalt  }
0x7d: {  	_ =	shalt  }
0x7e: {  	_ =	shalt  }
0x7f: {  	_ =	shalt  }
0x80: {  	_ =	shalt  }
0x81: {  	_ =	shalt  }
0x82: {  	_ =	shalt  }
0x83: {  	_ =	shalt  }
0x84: {  	_ =	shalt  }
0x85: {  	_ =	shalt  }
0x86: {  	_ =	shalt  }
0x87: {  	_ =	shalt  }
.Lfunc_end0:
.L_simem_size_0:
called_computation_lowered:
.L_overlay_start_0:
0x88: {  	s2 =	sld [smem:$0x3FD9]  }
0x89: {  	s3 =	sld [smem:$0x3FFE];
	_ =	sdelay $0x1  }
0x8a: {  	s1 =	srdreg.scid  }
0x8b: {  	s0 =	sand.u32 $0x1, s1  }
0x8c: {  	s16 =	sshll.u32 s0, $0xA;
	s2 =	sadd.s32 s3, s2  }
0x8d: {  	s2 =	sadd.s32 s2, s16  }
0x8e: {  	[smem:$0x3FC2] =	sst s2  }
0x8f: {  	_ = 	snop  }
0x90: {  	(tm) =	ssettm $0x1  }
0x91: {  	s17 =	sld [smem:$0x3FFB];
	_ =	sdelay $0x3  }
0x92: {  	_ =	strace s17  }
0x93: {  	s2 =	sld [smem:$0x3FFC];
	_ =	sdelay $0x3  }
0x94: {  	_ =	strace s2  }
0x95: {  	s2 =	sld [smem:$0x3FFD];
	_ =	sdelay $0x3  }
0x96: {  	_ =	strace s2  }
0x97: {  	_ =	strace $0x8FFFFFFF  }
0x98: {  	s18 =	sld [smem:$0x3FDB];
	_ =	sdelay $0x1  }
0x99: {  	s19 =	simm.s32 $_scs_section_size  }
0x9a: {  	s4 =	simm.s32 $_size__tile_overlayer_lowered;
	s5 =	simm.s32 $_tile_overlayer_lowered  }
0x9b: {  	s22 =	simm.s32 $0x1BFF;
	s21 =	sshll.u32 s5, $0x1;
	s2 =	sadd.s32 s19, s18  }
0x9c: {  	s6 =	simm.s32 $0x0;
	s20 =	sshll.u32 s4, $0x1;
	s4 =	sadd.s32 s21, s2  }
0x9d: {  	[timem:s6], [sflag:s22] =	dma.local [hbm:s4], s20  }
0x9e: {  	_ =	swait.ge [sflag:s22], s20  }
0x9f: {  	s3 =	ssub.s32 $0x0, s20;
	[sflag:s22] =	ssyncset.done $0x0  }
0xa0: {  	[sflag:s22] =	ssyncadd.s32 s3;
	_ =	sdelay $0x1  }
0xa1: {  	s23 =	simm.s32 $0x1B8B  }
0xa2: {  	_ =	swait.ge [sflag:s23], $0x1  }
0xa3: {  	[sflag:s23] =	ssyncset.done $0x0  }
0xa4: {  	s25 =	simm.s32 $0x1B8E;
	s24 =	sld [smem:$0x3FFE];
	[sflag:s23] =	ssyncadd.s32 $0xFFFFFFFF  }
0xa5: {  	s26 =	simm.s32 $execute0_lowered;
	[smem:$0x3FD2] =	sst s25  }
0xa6: {  	s4 =	sshll.u32 s26, $0x1;
	_ =	strace $0x80000046;
	[dreg:$0x1] =	wrdreg $0xFFFFFFFF  }
0xa7: {  	s28 =	simm.s32 $_size_execute0_lowered;
	s2 =	sadd.s32 s2, s4;
	[dreg:$0x0] =	wrdreg $0x0  }
0xa8: {  	s4 =	sshll.u32 s28, $0x1;
	[dreg:$0x2] =	wrdreg s2  }
0xa9: {  	[dreg:$0x3] =	wrdreg s4  }
0xaa: {  	[dreg:$0x4] =	wrdreg $0xC0  }
0xab: {  	_ =	task [dreg:s6], $0x5FFFF  }
0xac: {  	[dreg:$0x1] =	wrdreg $0xFFFFFFFF  }
0xad: {  	[dreg:$0x0] =	wrdreg $0x60  }
0xae: {  	[dreg:$0x2] =	wrdreg s24  }
0xaf: {  	[dreg:$0x3] =	wrdreg $0x28800  }
0xb0: {  	[dreg:$0x4] =	wrdreg $0x9  }
0xb1: {  	_ =	task.clear_ibuf [dreg:s6], $0x5FFFF;
	_ =	strace $0x90000046  }
0xb2: {  	s29 =	simm.s32 $0x9;
	_ =	strace $0x80000048  }
0xb3: {  	_ =	swait.ge [sflag:s29], $0x1  }
0xb4: {  	[sflag:s29] =	ssyncadd.s32 $0xFFFFFFFF  }
0xb5: {  	_ =	strace $0x90000048  }
0xb6: {  	_ =	sfence  }
0xb7: {  	s30 =	sld [smem:$0x0];
	_ =	sdelay $0x2  }
0xb8: {  	s31 =	sshll.u32 s1, $0xD;
	s1 =	sshrl.u32 s1, $0x2  }
0xb9: {  	s3 =	sand.u32 $0x4000, s31;
	s1 =	sadd.s32 s1, s30  }
0xba: {  	s0 =	sor.u32 s3, s0;
	s1 =	sshll.u32 s1, $0x11  }
0xbb: {  	s0 =	sor.u32 s1, s0  }
0xbc: {  	s0 =	sadd.s32 $0x8F2B, s0  }
0xbd: {  	[sflag:s0] =	ssyncadd.remote.s32 $0x1  }
0xbe: {  	_ =	sfence.sel $0xFFFF  }
0xbf: {  	[dreg:$0x0] =	wrdreg $0xFFFFFFFF;
	(pc) =	sbr.abs _section_cstart, $3  }
0xc0: {  	[dreg:$0x1] =	wrdreg $0xFFFFFFFF  }
0xc1: {  	_ =	task.clear_ibuf [dreg:s6], $0x2FFFF;
	_ =	strace $0x9FFFFFFF  }
0xc2: {  	(tm) =	ssettm $0x7FFFFFFF  }
0xc3: {  	_ =	shalt  }
tec
execute0_lowered:
.L_overlay_start_1:
0x0: {  	(tag) =	ssettag $0x1  }
0x1: {  	s1 =	srdreg.scid  }
0x2: {  	s0 =	stileid.u32;
	s7 =	rddreg [dreg:$0x0]  }
0x3: {  	s2 =	rddreg [dreg:$0x1];
	s3 =	simm.s32 $0x0;
	s4 =	smul.u32 $0x4E20, s0  }
0x4: {  	s5 =	sand.u32 $0x1, s1;
	s1 =	rddreg [dreg:$0x2];
	s8 =	smul.u32 $0x2700, s0  }
0x5: {  	s17 =	simm.s32 $0x0;
	[smem:$0x7FF] =	sst s3;
	s9 =	smul.u32 $0x4E000, s0  }
0x6: {  	s12 =	sadd.s32 $0x3EC00, s7;
	s31 =	sshll.u32 s0, $0x6;
	s6 =	smul.u32 $0x2710, s5  }
0x7: {  	s16 =	sadd.s32 $0x138000, s2;
	p0 =	sne.s32 s0, $0xF;
	s30 =	smul.u32 $0x138800, s5  }
0x8: {  	_ =	strace $0x80000047;
	s28 =	ssub.s32 $0x2, s5;
	s15 =	smul.u32 $0x27100, s5  }
0x9: {  	s10 =	sadd.s32 s8, s7;
	s13 =	sshrl.u32 s28, $0x1;
	s29 =	sshrl.u32 s9, $0x2  }
0xa: {  	s4 =	sadd.s32 s6, s4;
	s13 =	ssub.s32 s28, s13;
	s14 =	sadd.s32 s29, s2  }
0xb: {  	s5 =	sadd.s32 $0x17400, s10;
	s6 =	sor.u32 $0x1C01, s31;
	s9 =	sshrl.u32 s30, $0x3  }
0xc: {  	s8 =	sadd.s32 s8, s15;
	s15 =	sshrl.u32 @!p0 s16, $0x3;
	s16 =	simm.s32 $0x50  }
0xd: {  	s4 =	sshrl.u32 s4, $0x3;
	s9 =	sadd.s32 s12, s9;
	s8 =	sadd.s32 s12, s8  }
0xe: {  	s10 =	smax.u32 s13, $0x1;
	s12 =	sshrl.u32 s14, $0x3;
	s13 =	simm.s32 $0x1  }
0xf: {  	s14 =	simm.s32 $0x80;
	s11 =	sadd.s32 s4, s7;
	s4 =	sadd.s32 $0x3E600, s7  }
0x10: {  	s7 =	sadd.s32 $0x3E400, s7;
	s9 =	sadd.s32 $0x27000, s9;
	s11 =	sadd.s32 $0xD600, s11  }
.LBB2_1:
0x11: {  	[spmem:s12], [sflag:s6] =	dma.local [hbm:s5], $0x2700  }
0x12: {  	_ =	swait.ge [sflag:s13], $0x2700  }
0x13: {  	[sflag:s13] =	ssyncset.done $0x0  }
0x14: {  	[sflag:s13] =	ssyncadd.s32 $0xFFFFD900  }
0x15: {  	[tilespmem:s14], [sflag:$0x1] =	stream.linear.gather [hbm4b:s4+s3], $0x2800, $0x38;
	[tilespmem:$0x16100] =	vst v63  }
0x16: {  	_ =	swait.ge [sflag:s13], $0x2800  }
0x17: {  	[sflag:s13] =	ssyncset.done $0x0  }
0x18: {  	s18 =	simm.s32 @!p0 $0x1;
	[sflag:s13] =	ssyncadd.s32 $0xFFFFD800  }
0x19: {  	[spmem:s15], [sflag:s6] =	dma.local @!p0 [hbm:s7], $0x100  }
0x1a: {  	_ =	swait.ge @!p0 [sflag:s18], $0x100  }
0x1b: {  	[sflag:s18] =	ssyncset.done @!p0 $0x0  }
0x1c: {  	[sflag:s18] =	ssyncadd.s32 @!p0 $0xFFFFFF00  }
0x1d: {  	s31 =	sadd.s32 $0x0, s11;
	[bflag:$0x0] =	sbarrier.arrive $0xFFFF  }
0x1e: {  	[tilespmem:s3], [sflag:$0x1] =	stream.linear.gather [hbm4b:s31+s3], $0x50, $0x38;
	[tilespmem:$0x16100] =	vst v63  }
0x1f: {  	_ =	swait.ge [sflag:s13], $0x50  }
0x20: {  	[sflag:s13] =	ssyncset.done $0x0  }
0x21: {  	[sflag:s13] =	ssyncadd.s32 $0xFFFFFFB0  }
0x22: {  	[spmem:s2] =	stream.indirect.scatter.add.f32 [tilespmem:s14], [sflag:$0x1], $0x80, s3, s16, $0xb8;
	[tilespmem:$0x16100] =	vst v63  }
0x23: {  	_ =	swait.ge [sflag:s13], $0x2800  }
0x24: {  	s19 =	simm.s32 $0x14;
	s18 =	simm.s32 $0xA;
	[sflag:s13] =	ssyncset.done $0x0  }
.LBB2_2:
0x25: {  	s20 =	sadd.s32 s18, s11  }
0x26: {  	[sflag:s13] =	ssyncadd.s32 $0xFFFFD800;
	s18 =	smov.u32 s19;
	s21 =	sadd.s32 $0xA, s19  }
0x27: {  	[tilespmem:s3], [sflag:$0x1] =	stream.linear.gather [hbm4b:s20+s3], $0x50, $0x38;
	[tilespmem:$0x16100] =	vst v63  }
0x28: {  	p1 =	sne.s32 s19, $0x4D8;
	_ =	swait.ge [sflag:s13], $0x50  }
.Ltmp0:
0x29: {  	[sflag:s13] =	ssyncset.done $0x0;
	(pc) =	sbr.rel @p1 .LBB2_2-.Ltmp0, $4  }
0x2a: {  	[sflag:s13] =	ssyncadd.s32 $0xFFFFFFB0  }
0x2b: {  	[spmem:s2] =	stream.indirect.scatter.add.f32 [tilespmem:s14], [sflag:$0x1], $0x80, s3, s16, $0xb8;
	[tilespmem:$0x16100] =	vst v63  }
0x2c: {  	_ =	swait.ge [sflag:s13], $0x2800  }
0x2d: {  	s19 =	smov.u32 s21;
	[sflag:s13] =	ssyncset.done $0x0  }
0x2e: {  	s18 =	sadd.s32 s18, s11;
	[sflag:s13] =	ssyncadd.s32 $0xFFFFD800  }
0x2f: {  	[tilespmem:s3], [sflag:$0x1] =	stream.linear.gather [hbm4b:s18+s3], $0x50, $0x38;
	[tilespmem:$0x16100] =	vst v63  }
0x30: {  	_ =	swait.ge [sflag:s13], $0x50  }
0x31: {  	[sflag:s13] =	ssyncset.done $0x0  }
0x32: {  	[sflag:s13] =	ssyncadd.s32 $0xFFFFFFB0  }
0x33: {  	[spmem:s2] =	stream.indirect.scatter.add.f32 [tilespmem:s14], [sflag:$0x1], $0x80, s3, s16, $0xb8;
	[tilespmem:$0x16100] =	vst v63  }
0x34: {  	_ =	swait.ge [sflag:s13], $0x2800  }
0x35: {  	[sflag:s13] =	ssyncset.done $0x0  }
0x36: {  	[sflag:s13] =	ssyncadd.s32 $0xFFFFD800  }
0x37: {  	[bflag:$0x0] =	sbarrier.arrive $0xFFFF  }
0x38: {  	[hbm:s8], [sflag:s6] =	dma.local [spmem:s12], $0x2700  }
0x39: {  	s17 =	sadd.s32 $0x1, s17;
	_ =	swait.ge [sflag:s13], $0x2700  }
0x3a: {  	p1 =	sne.s32 s17, s10;
	[sflag:s13] =	ssyncset.done $0x0  }
.Ltmp1:
0x3b: {  	s18 =	simm.s32 @!p0 $0x1;
	[sflag:s13] =	ssyncadd.s32 $0xFFFFD900;
	(pc) =	sbr.rel @p1 .LBB2_1-.Ltmp1, $4  }
0x3c: {  	[hbm:s9], [sflag:s6] =	dma.local @!p0 [spmem:s15], $0x100  }
0x3d: {  	_ =	swait.ge @!p0 [sflag:s18], $0x100  }
0x3e: {  	[sflag:s18] =	ssyncset.done @!p0 $0x0  }
0x3f: {  	[sflag:s18] =	ssyncadd.s32 @!p0 $0xFFFFFF00  }
0x40: {  	_ =	sfence.sel $0x180000  }
0x41: {  	[bflag:$0x0] =	sbarrier.arrive $0xFFFF  }
0x42: {  	p0 =	sne.s32 s0, $0x0;
	_ =	strace $0x90000047  }
0x43: {  	s0 =	sadd.s32 @!p0 $0x100000, s1;
	[bflag:$0x2] =	sbarrier.arrive $0xFFFF  }
0x44: {  	[sflag:s0] =	ssyncadd.tile.s32 @!p0 $0x1;
	_ =	shalt  }
.Lfunc_end2:
_tile_overlayer_lowered:
.L_overlay_start_2:
0x45: {  	(tag) =	ssettag $0x2  }
0x46: {  	s0 =	rddreg [dreg:$0x0];
	s2 =	stileid.u32  }
0x47: {  	s1 =	rddreg [dreg:$0x1];
	p0 =	sne.s32 s2, $0x0  }
0x48: {  	s3 =	rddreg [dreg:$0x2];
	[bflag:$0x3] =	sbarrier.arrive $0xFFFF;
	s2 =	simm.s32 @!p0 $0x1C01  }
0x49: {  	[timem:s3], [sflag:s2] =	dma.local @!p0 [hbm:s0], s1  }
0x4a: {  	s0 =	simm.s32 @!p0 $0x1  }
0x4b: {  	_ =	swait.ge @!p0 [sflag:s0], s1  }
0x4c: {  	s1 =	ssub.s32 @!p0 $0x0, s1;
	[sflag:s0] =	ssyncset.done @!p0 $0x0  }
0x4d: {  	[sflag:s0] =	ssyncadd.s32 @!p0 s1  }
0x4e: {  	[bflag:$0x3] =	sbarrier.arrive $0xFFFF  }
0x4f: {  	_ =	shalt  }

// kernel: kernel.15.cloned.1.call-start
scs
__scs_entry_jumppad:
0x0: {  	(pc) =	sbr.rel $0x88, $3  }
0x1: {  	(tag) =	ssettag $0x0;
	lr =	simm.s32 $0x1  }
0x2: {  	[smem:$0x3F9B] =	sst lr;
	_ =	strace $0xD0000000  }
0x3: {  	_ = 	snop  }
0x4: {  	_ = 	snop  }
0x5: {  	_ = 	snop  }
0x6: {  	_ = 	snop  }
0x7: {  	_ = 	snop  }
__scs_overlays_trampoline_lowered:
0x8: {  	[smem:$0x3FAA] =	sst s0  }
0x9: {  	[smem:$0x3FAB] =	sst s1  }
0xa: {  	[smem:$0x3FAC] =	sst s2  }
0xb: {  	[smem:$0x3FAD] =	sst s3  }
0xc: {  	[smem:$0x3FAE] =	sst s4  }
0xd: {  	[smem:$0x3FAF] =	sst s5  }
0xe: {  	[smem:$0x3FB0] =	sst s6  }
0xf: {  	[smem:$0x3FB1] =	sst s7  }
0x10: {  	[smem:$0x3FB2] =	sst s8  }
0x11: {  	[smem:$0x3FB3] =	sst s9;
	s0 =	simm.s32 @!p0 $0x0  }
0x12: {  	s1 =	sld [smem:$0x3F99];
	s0 =	simm.s32 @p0 $0x1  }
0x13: {  	[smem:$0x3FB4] =	sst s0;
	s0 =	simm.s32 @!p1 $0x0  }
0x14: {  	s2 =	sld [smem:$0x3F98];
	s0 =	simm.s32 @p1 $0x1  }
0x15: {  	[smem:$0x3FB5] =	sst s0;
	s0 =	simm.s32 @!p2 $0x0  }
0x16: {  	s3 =	sld [smem:$0x3FDB];
	s0 =	simm.s32 @p2 $0x1  }
0x17: {  	s4 =	simm.s32 $0x1BF5;
	[smem:$0x3FB7] =	sst s0  }
0x18: {  	s0 =	sld [smem:$0x3F9A];
	_ =	swait.ge [sflag:s4], $0x0  }
0x19: {  	s7 =	sld [smem:$0x3F9B]  }
0x1a: {  	s8 =	sadd.s32 $0xFFFFE003, lr  }
0x1b: {  	s9 =	sadd.s32 $0xFFFFFEF7, lr;
	s5 =	simm.s32 $0xFFFFFFFF;
	p2 =	slt.u32 s8, $0xFFFFF086  }
0x1c: {  	p1 =	slt.u32 s9, $0xF7A;
	s5 =	simm.s32 @!p2 $0x0  }
0x1d: {  	s5 =	simm.s32 @p1 $0x1;
	p0 =	seq.s32 s7, s2  }
0x1e: {  	s7 =	smul.u32 @!p0 $0xF7A, s2;
	p2 =	seq.s32 @!p0 s5, $0x0  }
0x1f: {  	s9 =	smul.u32 $0xF7A, s1;
	s8 =	simm.s32 @!p0 $0x1BF5;
	p2 =	por !p2, p0  }
0x20: {  	[sflag:s8] =	ssyncset.s32 @!p0 $0xFFFFF086;
	s6 =	sadd.s32 @!p0 s3, s7;
	s7 =	simm.s32 @!p0 $0x108  }
0x21: {  	s3 =	sadd.s32 s3, s9;
	s6 =	sadd.s32 @!p0 $0x88, s6;
	s7 =	simm.s32 @p2 $0x1082  }
0x22: {  	[simem:s7], [sflag:s8] =	dma.local @!p0 [hbm:s6], $0xF7A  }
0x23: {  	s9 =	sor.u32 $0xD0000000, s2;
	s6 =	simm.s32 $0x108;
	_ =	swait.ge @!p0 [sflag:s8], $0x0  }
0x24: {  	s3 =	sadd.s32 $0x88, s3;
	s6 =	simm.s32 @!p1 $0x1082;
	[sflag:s4] =	ssyncset.s32 $0xFFFFF086  }
0x25: {  	[simem:s6], [sflag:s4] =	dma.local [hbm:s3], $0xF7A  }
0x26: {  	[smem:$0x3F9B] =	sst s1;
	(tag) =	ssettag s2;
	_ =	strace s9  }
0x27: {  	s1 =	sld [smem:$0x3FAB]  }
0x28: {  	s2 =	sld [smem:$0x3FAC]  }
0x29: {  	s4 =	sld [smem:$0x3FAE]  }
0x2a: {  	p0 =	seq.s32 s5, $0x0;
	s5 =	sld [smem:$0x3FAF]  }
0x2b: {  	s6 =	sld [smem:$0x3FB0]  }
0x2c: {  	s7 =	sld [smem:$0x3FB1]  }
0x2d: {  	s3 =	simm.s32 $0x108;
	s8 =	sld [smem:$0x3FB2]  }
0x2e: {  	s3 =	simm.s32 @!p0 $0x1082;
	s9 =	sld [smem:$0x3FB3]  }
0x2f: {  	lr =	sadd.s32 s0, s3;
	s0 =	sld [smem:$0x3FAA]  }
0x30: {  	s3 =	sld [smem:$0x3FAD]  }
0x31: {  	[smem:$0x3FB6] =	sst s10  }
0x32: {  	s10 =	sld [smem:$0x3FB4];
	_ =	sdelay $0x3  }
0x33: {  	p0 =	seq.s32 s10, $0x1;
	s10 =	sld [smem:$0x3FB6];
	_ =	sdelay $0x3  }
0x34: {  	[smem:$0x3FB6] =	sst s10  }
0x35: {  	s10 =	sld [smem:$0x3FB5];
	_ =	sdelay $0x3  }
0x36: {  	p1 =	seq.s32 s10, $0x1;
	s10 =	sld [smem:$0x3FB6];
	_ =	sdelay $0x3  }
0x37: {  	[smem:$0x3FB6] =	sst s10  }
0x38: {  	s10 =	sld [smem:$0x3FB7]  }
0x39: {  	_ = 	snop;
	(pc) =	sbr.ind lr, $3  }
0x3a: {  	_ = 	snop  }
0x3b: {  	_ = 	snop  }
0x3c: {  	p2 =	seq.s32 s10, $0x1;
	s10 =	sld [smem:$0x3FB6]  }
0x3d: {  	_ =	shalt  }
0x3e: {  	_ =	shalt  }
0x3f: {  	_ =	shalt  }
0x40: {  	_ =	shalt  }
0x41: {  	_ =	shalt  }
0x42: {  	_ =	shalt  }
0x43: {  	_ =	shalt  }
0x44: {  	_ =	shalt  }
0x45: {  	_ =	shalt  }
0x46: {  	_ =	shalt  }
0x47: {  	_ =	shalt  }
0x48: {  	_ =	shalt  }
0x49: {  	_ =	shalt  }
0x4a: {  	_ =	shalt  }
0x4b: {  	_ =	shalt  }
0x4c: {  	_ =	shalt  }
0x4d: {  	_ =	shalt  }
0x4e: {  	_ =	shalt  }
0x4f: {  	_ =	shalt  }
0x50: {  	_ =	shalt  }
0x51: {  	_ =	shalt  }
0x52: {  	_ =	shalt  }
0x53: {  	_ =	shalt  }
0x54: {  	_ =	shalt  }
0x55: {  	_ =	shalt  }
0x56: {  	_ =	shalt  }
0x57: {  	_ =	shalt  }
0x58: {  	_ =	shalt  }
0x59: {  	_ =	shalt  }
0x5a: {  	_ =	shalt  }
0x5b: {  	_ =	shalt  }
0x5c: {  	_ =	shalt  }
0x5d: {  	_ =	shalt  }
0x5e: {  	_ =	shalt  }
0x5f: {  	_ =	shalt  }
0x60: {  	_ =	shalt  }
0x61: {  	_ =	shalt  }
0x62: {  	_ =	shalt  }
0x63: {  	_ =	shalt  }
0x64: {  	_ =	shalt  }
0x65: {  	_ =	shalt  }
0x66: {  	_ =	shalt  }
0x67: {  	_ =	shalt  }
0x68: {  	_ =	shalt  }
0x69: {  	_ =	shalt  }
0x6a: {  	_ =	shalt  }
0x6b: {  	_ =	shalt  }
0x6c: {  	_ =	shalt  }
0x6d: {  	_ =	shalt  }
0x6e: {  	_ =	shalt  }
0x6f: {  	_ =	shalt  }
0x70: {  	_ =	shalt  }
0x71: {  	_ =	shalt  }
0x72: {  	_ =	shalt  }
0x73: {  	_ =	shalt  }
0x74: {  	_ =	shalt  }
0x75: {  	_ =	shalt  }
0x76: {  	_ =	shalt  }
0x77: {  	_ =	shalt  }
0x78: {  	_ =	shalt  }
0x79: {  	_ =	shalt  }
0x7a: {  	_ =	shalt  }
0x7b: {  	_ =	shalt  }
0x7c: {  	_ =	shalt  }
0x7d: {  	_ =	shalt  }
0x7e: {  	_ =	shalt  }
0x7f: {  	_ =	shalt  }
0x80: {  	_ =	shalt  }
0x81: {  	_ =	shalt  }
0x82: {  	_ =	shalt  }
0x83: {  	_ =	shalt  }
0x84: {  	_ =	shalt  }
0x85: {  	_ =	shalt  }
0x86: {  	_ =	shalt  }
0x87: {  	_ =	shalt  }
.Lfunc_end0:
.L_simem_size_0:
called_computation.1_lowered:
.L_overlay_start_0:
0x88: {  	s2 =	sld [smem:$0x3FD9]  }
0x89: {  	s3 =	sld [smem:$0x3FFE];
	_ =	sdelay $0x1  }
0x8a: {  	s1 =	srdreg.scid  }
0x8b: {  	s0 =	sand.u32 $0x1, s1  }
0x8c: {  	s16 =	sshll.u32 s0, $0xA;
	s2 =	sadd.s32 s3, s2  }
0x8d: {  	s2 =	sadd.s32 s2, s16  }
0x8e: {  	[smem:$0x3FC2] =	sst s2  }
0x8f: {  	_ = 	snop  }
0x90: {  	(tm) =	ssettm $0x1  }
0x91: {  	s17 =	sld [smem:$0x3FFB];
	_ =	sdelay $0x3  }
0x92: {  	_ =	strace s17  }
0x93: {  	s2 =	sld [smem:$0x3FFC];
	_ =	sdelay $0x3  }
0x94: {  	_ =	strace s2  }
0x95: {  	s2 =	sld [smem:$0x3FFD];
	_ =	sdelay $0x3  }
0x96: {  	_ =	strace s2  }
0x97: {  	_ =	strace $0x8FFFFFFF  }
0x98: {  	s18 =	sld [smem:$0x3FDB];
	_ =	sdelay $0x1  }
0x99: {  	s19 =	simm.s32 $_scs_section_size  }
0x9a: {  	s4 =	simm.s32 $_size__tile_overlayer_lowered;
	s5 =	simm.s32 $_tile_overlayer_lowered  }
0x9b: {  	s22 =	simm.s32 $0x1BFF;
	s21 =	sshll.u32 s5, $0x1;
	s2 =	sadd.s32 s19, s18  }
0x9c: {  	s6 =	simm.s32 $0x0;
	s20 =	sshll.u32 s4, $0x1;
	s4 =	sadd.s32 s21, s2  }
0x9d: {  	[timem:s6], [sflag:s22] =	dma.local [hbm:s4], s20  }
0x9e: {  	_ =	swait.ge [sflag:s22], s20  }
0x9f: {  	s3 =	ssub.s32 $0x0, s20;
	[sflag:s22] =	ssyncset.done $0x0  }
0xa0: {  	[sflag:s22] =	ssyncadd.s32 s3;
	_ =	sdelay $0x1  }
0xa1: {  	s23 =	simm.s32 $0x1B8B  }
0xa2: {  	_ =	swait.ge [sflag:s23], $0x1  }
0xa3: {  	[sflag:s23] =	ssyncset.done $0x0  }
0xa4: {  	s25 =	simm.s32 $0x1B8E;
	s24 =	sld [smem:$0x3FFE];
	[sflag:s23] =	ssyncadd.s32 $0xFFFFFFFF  }
0xa5: {  	s26 =	simm.s32 $execute0_lowered;
	[smem:$0x3FD2] =	sst s25  }
0xa6: {  	s4 =	sshll.u32 s26, $0x1;
	_ =	strace $0x80000049;
	[dreg:$0x1] =	wrdreg $0xFFFFFFFF  }
0xa7: {  	s28 =	simm.s32 $_size_execute0_lowered;
	s2 =	sadd.s32 s2, s4;
	[dreg:$0x0] =	wrdreg $0x0  }
0xa8: {  	s4 =	sshll.u32 s28, $0x1;
	[dreg:$0x2] =	wrdreg s2  }
0xa9: {  	[dreg:$0x3] =	wrdreg s4  }
0xaa: {  	[dreg:$0x4] =	wrdreg $0xC0  }
0xab: {  	_ =	task [dreg:s6], $0x5FFFF  }
0xac: {  	[dreg:$0x1] =	wrdreg $0xFFFFFFFF  }
0xad: {  	[dreg:$0x0] =	wrdreg $0x60  }
0xae: {  	[dreg:$0x2] =	wrdreg s24  }
0xaf: {  	[dreg:$0x3] =	wrdreg $0x29000  }
0xb0: {  	[dreg:$0x4] =	wrdreg $0x9  }
0xb1: {  	_ =	task.clear_ibuf [dreg:s6], $0x5FFFF;
	_ =	strace $0x90000049  }
0xb2: {  	s29 =	simm.s32 $0x9;
	_ =	strace $0x8000004B  }
0xb3: {  	_ =	swait.ge [sflag:s29], $0x1  }
0xb4: {  	[sflag:s29] =	ssyncadd.s32 $0xFFFFFFFF  }
0xb5: {  	_ =	strace $0x9000004B  }
0xb6: {  	_ =	sfence  }
0xb7: {  	s30 =	sld [smem:$0x0];
	_ =	sdelay $0x2  }
0xb8: {  	s31 =	sshll.u32 s1, $0xD;
	s1 =	sshrl.u32 s1, $0x2  }
0xb9: {  	s3 =	sand.u32 $0x4000, s31;
	s1 =	sadd.s32 s1, s30  }
0xba: {  	s0 =	sor.u32 s3, s0;
	s1 =	sshll.u32 s1, $0x11  }
0xbb: {  	s0 =	sor.u32 s1, s0  }
0xbc: {  	s0 =	sadd.s32 $0x8F2B, s0  }
0xbd: {  	[sflag:s0] =	ssyncadd.remote.s32 $0x1  }
0xbe: {  	_ =	sfence.sel $0xFFFF  }
0xbf: {  	[dreg:$0x0] =	wrdreg $0xFFFFFFFF;
	(pc) =	sbr.abs _section_cstart, $3  }
0xc0: {  	[dreg:$0x1] =	wrdreg $0xFFFFFFFF  }
0xc1: {  	_ =	task.clear_ibuf [dreg:s6], $0x2FFFF;
	_ =	strace $0x9FFFFFFF  }
0xc2: {  	(tm) =	ssettm $0x7FFFFFFF  }
0xc3: {  	_ =	shalt  }
tec
execute0_lowered:
.L_overlay_start_1:
0x0: {  	(tag) =	ssettag $0x1  }
0x1: {  	s7 =	rddreg [dreg:$0x0]  }
0x2: {  	s1 =	srdreg.scid;
	s0 =	stileid.u32  }
0x3: {  	s2 =	rddreg [dreg:$0x1];
	s3 =	simm.s32 $0x0;
	s17 =	simm.s32 $0x50  }
0x4: {  	s18 =	simm.s32 $0x100;
	s19 =	simm.s32 $0x1;
	s4 =	smul.u32 $0x4E20, s0  }
0x5: {  	s5 =	sand.u32 $0x1, s1;
	s1 =	rddreg [dreg:$0x2];
	s8 =	smul.u32 $0x2700, s0  }
0x6: {  	s20 =	simm.s32 $0x0;
	[smem:$0x7FF] =	sst s3;
	s9 =	smul.u32 $0x4E000, s0  }
0x7: {  	s11 =	sadd.s32 $0x8CA00, s7;
	s31 =	sshll.u32 s0, $0x6;
	s6 =	smul.u32 $0x2710, s5  }
0x8: {  	s16 =	sadd.s32 $0x138000, s2;
	p0 =	sne.s32 s0, $0xF;
	s30 =	smul.u32 $0x138800, s5  }
0x9: {  	_ =	strace $0x8000004A;
	s28 =	ssub.s32 $0x2, s5;
	s15 =	smul.u32 $0x27100, s5  }
0xa: {  	s10 =	sadd.s32 s8, s7;
	s13 =	sshrl.u32 s28, $0x1;
	s29 =	sshrl.u32 s9, $0x2  }
0xb: {  	s6 =	sadd.s32 s6, s4;
	s4 =	sadd.s32 $0x3E600, s7;
	s13 =	ssub.s32 s28, s13  }
0xc: {  	s14 =	sadd.s32 s29, s2;
	s5 =	sadd.s32 $0x17400, s10;
	s9 =	sshrl.u32 s30, $0x3  }
0xd: {  	s8 =	sadd.s32 s8, s15;
	s15 =	sshrl.u32 @!p0 s16, $0x3;
	s16 =	simm.s32 $0x80  }
0xe: {  	s6 =	sshrl.u32 s6, $0x3;
	s9 =	sadd.s32 s11, s9;
	s8 =	sadd.s32 s11, s8  }
0xf: {  	s10 =	smax.u32 s13, $0x1;
	s13 =	sshrl.u32 s14, $0x3;
	s14 =	simm.s32 $0x2  }
0x10: {  	s12 =	sadd.s32 s6, s7;
	s6 =	sor.u32 $0x1C02, s31;
	s7 =	sadd.s32 $0x3E400, s7  }
0x11: {  	s9 =	sadd.s32 $0x27000, s9;
	s11 =	sadd.s32 $0xD600, s12;
	s12 =	sadd.s32 $0x3800, s12  }
.LBB2_1:
0x12: {  	[spmem:s13], [sflag:s6] =	dma.local [hbm:s5], $0x2700  }
0x13: {  	_ =	swait.ge [sflag:s14], $0x2700  }
0x14: {  	[sflag:s14] =	ssyncset.done $0x0  }
0x15: {  	s21 =	simm.s32 @!p0 $0x2;
	[sflag:s14] =	ssyncadd.s32 $0xFFFFD900  }
0x16: {  	[spmem:s15], [sflag:s6] =	dma.local @!p0 [hbm:s7], $0x100  }
0x17: {  	_ =	swait.ge @!p0 [sflag:s21], $0x100  }
0x18: {  	[sflag:s21] =	ssyncset.done @!p0 $0x0  }
0x19: {  	[sflag:s21] =	ssyncadd.s32 @!p0 $0xFFFFFF00  }
0x1a: {  	s30 =	sadd.s32 $0x0, s12;
	[bflag:$0x0] =	sbarrier.arrive $0xFFFF  }
0x1b: {  	[tilespmem:s3], [sflag:$0x2] =	stream.linear.gather [hbm4b:s30+s3], $0x50, $0x38;
	[tilespmem:$0x16180] =	vst v63  }
0x1c: {  	_ =	swait.ge [sflag:s14], $0x50  }
0x1d: {  	[sflag:s14] =	ssyncset.done $0x0  }
0x1e: {  	s31 =	sadd.s32 $0x0, s11;
	[sflag:s14] =	ssyncadd.s32 $0xFFFFFFB0  }
0x1f: {  	[tilespmem:s16], [sflag:$0x2] =	stream.linear.gather [hbm4b:s31+s3], $0x50, $0x38;
	[tilespmem:$0x16180] =	vst v63  }
0x20: {  	_ =	swait.ge [sflag:s14], $0x50  }
0x21: {  	[sflag:s14] =	ssyncset.done $0x0  }
0x22: {  	[sflag:s14] =	ssyncadd.s32 $0xFFFFFFB0  }
0x23: {  	[tilespmem:s18], [sflag:$0x1] =	stream.indirect.gather [hbm4b:s4+s17], $0x80, s3, s17, $0xb8;
	[tilespmem:$0x16180] =	vst v63  }
0x24: {  	_ =	swait.ge [sflag:s19], $0x2800  }
0x25: {  	[sflag:s19] =	ssyncset.done $0x0  }
0x26: {  	[sflag:s19] =	ssyncadd.s32 $0xFFFFD800  }
0x27: {  	[spmem:s2] =	stream.indirect.scatter.add.f32 [tilespmem:s18], [sflag:$0x2], $0x80, s16, s17, $0xb8;
	[tilespmem:$0x16180] =	vst v63  }
0x28: {  	_ =	swait.ge [sflag:s14], $0x2800  }
0x29: {  	s22 =	simm.s32 $0x14;
	s21 =	simm.s32 $0xA;
	[sflag:s14] =	ssyncset.done $0x0  }
.LBB2_2:
0x2a: {  	s23 =	sadd.s32 s21, s12  }
0x2b: {  	[sflag:s14] =	ssyncadd.s32 $0xFFFFD800;
	s24 =	smov.u32 s22;
	s25 =	sadd.s32 $0xA, s22  }
0x2c: {  	[tilespmem:s3], [sflag:$0x2] =	stream.linear.gather [hbm4b:s23+s3], $0x50, $0x38;
	[tilespmem:$0x16180] =	vst v63  }
0x2d: {  	p1 =	sne.s32 s22, $0x4D8;
	_ =	swait.ge [sflag:s14], $0x50  }
0x2e: {  	[sflag:s14] =	ssyncset.done $0x0  }
0x2f: {  	s22 =	sadd.s32 s21, s11;
	s21 =	smov.u32 s24;
	[sflag:s14] =	ssyncadd.s32 $0xFFFFFFB0  }
0x30: {  	[tilespmem:s16], [sflag:$0x2] =	stream.linear.gather [hbm4b:s22+s3], $0x50, $0x38;
	[tilespmem:$0x16180] =	vst v63  }
0x31: {  	_ =	swait.ge [sflag:s14], $0x50  }
0x32: {  	[sflag:s14] =	ssyncset.done $0x0  }
0x33: {  	[sflag:s14] =	ssyncadd.s32 $0xFFFFFFB0  }
0x34: {  	[tilespmem:s18], [sflag:$0x1] =	stream.indirect.gather [hbm4b:s4+s17], $0x80, s3, s17, $0xb8;
	[tilespmem:$0x16180] =	vst v63  }
0x35: {  	_ =	swait.ge [sflag:s19], $0x2800  }
.Ltmp0:
0x36: {  	[sflag:s19] =	ssyncset.done $0x0;
	(pc) =	sbr.rel @p1 .LBB2_2-.Ltmp0, $4  }
0x37: {  	[sflag:s19] =	ssyncadd.s32 $0xFFFFD800  }
0x38: {  	[spmem:s2] =	stream.indirect.scatter.add.f32 [tilespmem:s18], [sflag:$0x2], $0x80, s16, s17, $0xb8;
	[tilespmem:$0x16180] =	vst v63  }
0x39: {  	_ =	swait.ge [sflag:s14], $0x2800  }
0x3a: {  	s22 =	smov.u32 s25;
	[sflag:s14] =	ssyncset.done $0x0  }
0x3b: {  	s22 =	sadd.s32 s21, s12;
	[sflag:s14] =	ssyncadd.s32 $0xFFFFD800  }
0x3c: {  	[tilespmem:s3], [sflag:$0x2] =	stream.linear.gather [hbm4b:s22+s3], $0x50, $0x38;
	[tilespmem:$0x16180] =	vst v63  }
0x3d: {  	_ =	swait.ge [sflag:s14], $0x50  }
0x3e: {  	[sflag:s14] =	ssyncset.done $0x0  }
0x3f: {  	s31 =	sadd.s32 s21, s11;
	[sflag:s14] =	ssyncadd.s32 $0xFFFFFFB0  }
0x40: {  	[tilespmem:s16], [sflag:$0x2] =	stream.linear.gather [hbm4b:s31+s3], $0x50, $0x38;
	[tilespmem:$0x16180] =	vst v63  }
0x41: {  	_ =	swait.ge [sflag:s14], $0x50  }
0x42: {  	[sflag:s14] =	ssyncset.done $0x0  }
0x43: {  	[sflag:s14] =	ssyncadd.s32 $0xFFFFFFB0  }
0x44: {  	[tilespmem:s18], [sflag:$0x1] =	stream.indirect.gather [hbm4b:s4+s17], $0x80, s3, s17, $0xb8;
	[tilespmem:$0x16180] =	vst v63  }
0x45: {  	_ =	swait.ge [sflag:s19], $0x2800  }
0x46: {  	[sflag:s19] =	ssyncset.done $0x0  }
0x47: {  	[sflag:s19] =	ssyncadd.s32 $0xFFFFD800  }
0x48: {  	[spmem:s2] =	stream.indirect.scatter.add.f32 [tilespmem:s18], [sflag:$0x2], $0x80, s16, s17, $0xb8;
	[tilespmem:$0x16180] =	vst v63  }
0x49: {  	_ =	swait.ge [sflag:s14], $0x2800  }
0x4a: {  	[sflag:s14] =	ssyncset.done $0x0  }
0x4b: {  	[sflag:s14] =	ssyncadd.s32 $0xFFFFD800  }
0x4c: {  	[bflag:$0x0] =	sbarrier.arrive $0xFFFF  }
0x4d: {  	[hbm:s8], [sflag:s6] =	dma.local [spmem:s13], $0x2700  }
0x4e: {  	s20 =	sadd.s32 $0x1, s20;
	_ =	swait.ge [sflag:s14], $0x2700  }
0x4f: {  	p1 =	sne.s32 s20, s10;
	[sflag:s14] =	ssyncset.done $0x0  }
.Ltmp1:
0x50: {  	s21 =	simm.s32 @!p0 $0x2;
	[sflag:s14] =	ssyncadd.s32 $0xFFFFD900;
	(pc) =	sbr.rel @p1 .LBB2_1-.Ltmp1, $4  }
0x51: {  	[hbm:s9], [sflag:s6] =	dma.local @!p0 [spmem:s15], $0x100  }
0x52: {  	_ =	swait.ge @!p0 [sflag:s21], $0x100  }
0x53: {  	[sflag:s21] =	ssyncset.done @!p0 $0x0  }
0x54: {  	[sflag:s21] =	ssyncadd.s32 @!p0 $0xFFFFFF00  }
0x55: {  	_ =	sfence.sel $0x180000  }
0x56: {  	[bflag:$0x0] =	sbarrier.arrive $0xFFFF  }
0x57: {  	p0 =	sne.s32 s0, $0x0;
	_ =	strace $0x9000004A  }
0x58: {  	s0 =	sadd.s32 @!p0 $0x100000, s1;
	[bflag:$0x2] =	sbarrier.arrive $0xFFFF  }
0x59: {  	[sflag:s0] =	ssyncadd.tile.s32 @!p0 $0x1;
	_ =	shalt  }
.Lfunc_end2:
_tile_overlayer_lowered:
.L_overlay_start_2:
0x5a: {  	(tag) =	ssettag $0x2  }
0x5b: {  	s0 =	rddreg [dreg:$0x0];
	s2 =	stileid.u32  }
0x5c: {  	s1 =	rddreg [dreg:$0x1];
	p0 =	sne.s32 s2, $0x0  }
0x5d: {  	s3 =	rddreg [dreg:$0x2];
	[bflag:$0x3] =	sbarrier.arrive $0xFFFF;
	s2 =	simm.s32 @!p0 $0x1C02  }
0x5e: {  	[timem:s3], [sflag:s2] =	dma.local @!p0 [hbm:s0], s1  }
0x5f: {  	s0 =	simm.s32 @!p0 $0x2  }
0x60: {  	_ =	swait.ge @!p0 [sflag:s0], s1  }
0x61: {  	s1 =	ssub.s32 @!p0 $0x0, s1;
	[sflag:s0] =	ssyncset.done @!p0 $0x0  }
0x62: {  	[sflag:s0] =	ssyncadd.s32 @!p0 s1  }
0x63: {  	[bflag:$0x3] =	sbarrier.arrive $0xFFFF  }
0x64: {  	_ =	shalt  }

// kernel: kernel.18.cloned.1.call-start
scs
__scs_entry_jumppad:
0x0: {  	(pc) =	sbr.rel $0x88, $3  }
0x1: {  	(tag) =	ssettag $0x0;
	lr =	simm.s32 $0x1  }
0x2: {  	[smem:$0x3F9B] =	sst lr;
	_ =	strace $0xD0000000  }
0x3: {  	_ = 	snop  }
0x4: {  	_ = 	snop  }
0x5: {  	_ = 	snop  }
0x6: {  	_ = 	snop  }
0x7: {  	_ = 	snop  }
__scs_overlays_trampoline_lowered:
0x8: {  	[smem:$0x3FAA] =	sst s0  }
0x9: {  	[smem:$0x3FAB] =	sst s1  }
0xa: {  	[smem:$0x3FAC] =	sst s2  }
0xb: {  	[smem:$0x3FAD] =	sst s3  }
0xc: {  	[smem:$0x3FAE] =	sst s4  }
0xd: {  	[smem:$0x3FAF] =	sst s5  }
0xe: {  	[smem:$0x3FB0] =	sst s6  }
0xf: {  	[smem:$0x3FB1] =	sst s7  }
0x10: {  	[smem:$0x3FB2] =	sst s8  }
0x11: {  	[smem:$0x3FB3] =	sst s9;
	s0 =	simm.s32 @!p0 $0x0  }
0x12: {  	s1 =	sld [smem:$0x3F99];
	s0 =	simm.s32 @p0 $0x1  }
0x13: {  	[smem:$0x3FB4] =	sst s0;
	s0 =	simm.s32 @!p1 $0x0  }
0x14: {  	s2 =	sld [smem:$0x3F98];
	s0 =	simm.s32 @p1 $0x1  }
0x15: {  	[smem:$0x3FB5] =	sst s0;
	s0 =	simm.s32 @!p2 $0x0  }
0x16: {  	s3 =	sld [smem:$0x3FDB];
	s0 =	simm.s32 @p2 $0x1  }
0x17: {  	s4 =	simm.s32 $0x1BF5;
	[smem:$0x3FB7] =	sst s0  }
0x18: {  	s0 =	sld [smem:$0x3F9A];
	_ =	swait.ge [sflag:s4], $0x0  }
0x19: {  	s7 =	sld [smem:$0x3F9B]  }
0x1a: {  	s8 =	sadd.s32 $0xFFFFE003, lr  }
0x1b: {  	s9 =	sadd.s32 $0xFFFFFEF7, lr;
	s5 =	simm.s32 $0xFFFFFFFF;
	p2 =	slt.u32 s8, $0xFFFFF086  }
0x1c: {  	p1 =	slt.u32 s9, $0xF7A;
	s5 =	simm.s32 @!p2 $0x0  }
0x1d: {  	s5 =	simm.s32 @p1 $0x1;
	p0 =	seq.s32 s7, s2  }
0x1e: {  	s7 =	smul.u32 @!p0 $0xF7A, s2;
	p2 =	seq.s32 @!p0 s5, $0x0  }
0x1f: {  	s9 =	smul.u32 $0xF7A, s1;
	s8 =	simm.s32 @!p0 $0x1BF5;
	p2 =	por !p2, p0  }
0x20: {  	[sflag:s8] =	ssyncset.s32 @!p0 $0xFFFFF086;
	s6 =	sadd.s32 @!p0 s3, s7;
	s7 =	simm.s32 @!p0 $0x108  }
0x21: {  	s3 =	sadd.s32 s3, s9;
	s6 =	sadd.s32 @!p0 $0x88, s6;
	s7 =	simm.s32 @p2 $0x1082  }
0x22: {  	[simem:s7], [sflag:s8] =	dma.local @!p0 [hbm:s6], $0xF7A  }
0x23: {  	s9 =	sor.u32 $0xD0000000, s2;
	s6 =	simm.s32 $0x108;
	_ =	swait.ge @!p0 [sflag:s8], $0x0  }
0x24: {  	s3 =	sadd.s32 $0x88, s3;
	s6 =	simm.s32 @!p1 $0x1082;
	[sflag:s4] =	ssyncset.s32 $0xFFFFF086  }
0x25: {  	[simem:s6], [sflag:s4] =	dma.local [hbm:s3], $0xF7A  }
0x26: {  	[smem:$0x3F9B] =	sst s1;
	(tag) =	ssettag s2;
	_ =	strace s9  }
0x27: {  	s1 =	sld [smem:$0x3FAB]  }
0x28: {  	s2 =	sld [smem:$0x3FAC]  }
0x29: {  	s4 =	sld [smem:$0x3FAE]  }
0x2a: {  	p0 =	seq.s32 s5, $0x0;
	s5 =	sld [smem:$0x3FAF]  }
0x2b: {  	s6 =	sld [smem:$0x3FB0]  }
0x2c: {  	s7 =	sld [smem:$0x3FB1]  }
0x2d: {  	s3 =	simm.s32 $0x108;
	s8 =	sld [smem:$0x3FB2]  }
0x2e: {  	s3 =	simm.s32 @!p0 $0x1082;
	s9 =	sld [smem:$0x3FB3]  }
0x2f: {  	lr =	sadd.s32 s0, s3;
	s0 =	sld [smem:$0x3FAA]  }
0x30: {  	s3 =	sld [smem:$0x3FAD]  }
0x31: {  	[smem:$0x3FB6] =	sst s10  }
0x32: {  	s10 =	sld [smem:$0x3FB4];
	_ =	sdelay $0x3  }
0x33: {  	p0 =	seq.s32 s10, $0x1;
	s10 =	sld [smem:$0x3FB6];
	_ =	sdelay $0x3  }
0x34: {  	[smem:$0x3FB6] =	sst s10  }
0x35: {  	s10 =	sld [smem:$0x3FB5];
	_ =	sdelay $0x3  }
0x36: {  	p1 =	seq.s32 s10, $0x1;
	s10 =	sld [smem:$0x3FB6];
	_ =	sdelay $0x3  }
0x37: {  	[smem:$0x3FB6] =	sst s10  }
0x38: {  	s10 =	sld [smem:$0x3FB7]  }
0x39: {  	_ = 	snop;
	(pc) =	sbr.ind lr, $3  }
0x3a: {  	_ = 	snop  }
0x3b: {  	_ = 	snop  }
0x3c: {  	p2 =	seq.s32 s10, $0x1;
	s10 =	sld [smem:$0x3FB6]  }
0x3d: {  	_ =	shalt  }
0x3e: {  	_ =	shalt  }
0x3f: {  	_ =	shalt  }
0x40: {  	_ =	shalt  }
0x41: {  	_ =	shalt  }
0x42: {  	_ =	shalt  }
0x43: {  	_ =	shalt  }
0x44: {  	_ =	shalt  }
0x45: {  	_ =	shalt  }
0x46: {  	_ =	shalt  }
0x47: {  	_ =	shalt  }
0x48: {  	_ =	shalt  }
0x49: {  	_ =	shalt  }
0x4a: {  	_ =	shalt  }
0x4b: {  	_ =	shalt  }
0x4c: {  	_ =	shalt  }
0x4d: {  	_ =	shalt  }
0x4e: {  	_ =	shalt  }
0x4f: {  	_ =	shalt  }
0x50: {  	_ =	shalt  }
0x51: {  	_ =	shalt  }
0x52: {  	_ =	shalt  }
0x53: {  	_ =	shalt  }
0x54: {  	_ =	shalt  }
0x55: {  	_ =	shalt  }
0x56: {  	_ =	shalt  }
0x57: {  	_ =	shalt  }
0x58: {  	_ =	shalt  }
0x59: {  	_ =	shalt  }
0x5a: {  	_ =	shalt  }
0x5b: {  	_ =	shalt  }
0x5c: {  	_ =	shalt  }
0x5d: {  	_ =	shalt  }
0x5e: {  	_ =	shalt  }
0x5f: {  	_ =	shalt  }
0x60: {  	_ =	shalt  }
0x61: {  	_ =	shalt  }
0x62: {  	_ =	shalt  }
0x63: {  	_ =	shalt  }
0x64: {  	_ =	shalt  }
0x65: {  	_ =	shalt  }
0x66: {  	_ =	shalt  }
0x67: {  	_ =	shalt  }
0x68: {  	_ =	shalt  }
0x69: {  	_ =	shalt  }
0x6a: {  	_ =	shalt  }
0x6b: {  	_ =	shalt  }
0x6c: {  	_ =	shalt  }
0x6d: {  	_ =	shalt  }
0x6e: {  	_ =	shalt  }
0x6f: {  	_ =	shalt  }
0x70: {  	_ =	shalt  }
0x71: {  	_ =	shalt  }
0x72: {  	_ =	shalt  }
0x73: {  	_ =	shalt  }
0x74: {  	_ =	shalt  }
0x75: {  	_ =	shalt  }
0x76: {  	_ =	shalt  }
0x77: {  	_ =	shalt  }
0x78: {  	_ =	shalt  }
0x79: {  	_ =	shalt  }
0x7a: {  	_ =	shalt  }
0x7b: {  	_ =	shalt  }
0x7c: {  	_ =	shalt  }
0x7d: {  	_ =	shalt  }
0x7e: {  	_ =	shalt  }
0x7f: {  	_ =	shalt  }
0x80: {  	_ =	shalt  }
0x81: {  	_ =	shalt  }
0x82: {  	_ =	shalt  }
0x83: {  	_ =	shalt  }
0x84: {  	_ =	shalt  }
0x85: {  	_ =	shalt  }
0x86: {  	_ =	shalt  }
0x87: {  	_ =	shalt  }
.Lfunc_end0:
.L_simem_size_0:
called_computation.2_lowered:
.L_overlay_start_0:
0x88: {  	s2 =	sld [smem:$0x3FD9]  }
0x89: {  	s3 =	sld [smem:$0x3FFE];
	_ =	sdelay $0x1  }
0x8a: {  	s1 =	srdreg.scid  }
0x8b: {  	s0 =	sand.u32 $0x1, s1  }
0x8c: {  	s16 =	sshll.u32 s0, $0xA;
	s2 =	sadd.s32 s3, s2  }
0x8d: {  	s2 =	sadd.s32 s2, s16  }
0x8e: {  	[smem:$0x3FC2] =	sst s2  }
0x8f: {  	_ = 	snop  }
0x90: {  	(tm) =	ssettm $0x1  }
0x91: {  	s17 =	sld [smem:$0x3FFB];
	_ =	sdelay $0x3  }
0x92: {  	_ =	strace s17  }
0x93: {  	s2 =	sld [smem:$0x3FFC];
	_ =	sdelay $0x3  }
0x94: {  	_ =	strace s2  }
0x95: {  	s2 =	sld [smem:$0x3FFD];
	_ =	sdelay $0x3  }
0x96: {  	_ =	strace s2  }
0x97: {  	_ =	strace $0x8FFFFFFF  }
0x98: {  	s18 =	sld [smem:$0x3FDB];
	_ =	sdelay $0x1  }
0x99: {  	s19 =	simm.s32 $_scs_section_size  }
0x9a: {  	s4 =	simm.s32 $_size__tile_overlayer_lowered;
	s5 =	simm.s32 $_tile_overlayer_lowered  }
0x9b: {  	s22 =	simm.s32 $0x1BFF;
	s21 =	sshll.u32 s5, $0x1;
	s2 =	sadd.s32 s19, s18  }
0x9c: {  	s6 =	simm.s32 $0x0;
	s20 =	sshll.u32 s4, $0x1;
	s4 =	sadd.s32 s21, s2  }
0x9d: {  	[timem:s6], [sflag:s22] =	dma.local [hbm:s4], s20  }
0x9e: {  	_ =	swait.ge [sflag:s22], s20  }
0x9f: {  	s3 =	ssub.s32 $0x0, s20;
	[sflag:s22] =	ssyncset.done $0x0  }
0xa0: {  	[sflag:s22] =	ssyncadd.s32 s3;
	_ =	sdelay $0x1  }
0xa1: {  	s23 =	simm.s32 $0x1B8B  }
0xa2: {  	_ =	swait.ge [sflag:s23], $0x1  }
0xa3: {  	[sflag:s23] =	ssyncset.done $0x0  }
0xa4: {  	s25 =	simm.s32 $0x1B8E;
	s24 =	sld [smem:$0x3FFE];
	[sflag:s23] =	ssyncadd.s32 $0xFFFFFFFF  }
0xa5: {  	s26 =	simm.s32 $execute0_lowered;
	[smem:$0x3FD2] =	sst s25  }
0xa6: {  	s4 =	sshll.u32 s26, $0x1;
	_ =	strace $0x8000004C;
	[dreg:$0x1] =	wrdreg $0xFFFFFFFF  }
0xa7: {  	s28 =	simm.s32 $_size_execute0_lowered;
	s2 =	sadd.s32 s2, s4;
	[dreg:$0x0] =	wrdreg $0x0  }
0xa8: {  	s4 =	sshll.u32 s28, $0x1;
	[dreg:$0x2] =	wrdreg s2  }
0xa9: {  	[dreg:$0x3] =	wrdreg s4  }
0xaa: {  	[dreg:$0x4] =	wrdreg $0xC0  }
0xab: {  	_ =	task [dreg:s6], $0x5FFFF  }
0xac: {  	[dreg:$0x1] =	wrdreg $0xFFFFFFFF  }
0xad: {  	[dreg:$0x0] =	wrdreg $0x60  }
0xae: {  	[dreg:$0x2] =	wrdreg s24  }
0xaf: {  	[dreg:$0x3] =	wrdreg $0x29000  }
0xb0: {  	[dreg:$0x4] =	wrdreg $0x9  }
0xb1: {  	_ =	task.clear_ibuf [dreg:s6], $0x5FFFF;
	_ =	strace $0x9000004C  }
0xb2: {  	s29 =	simm.s32 $0x9;
	_ =	strace $0x8000004E  }
0xb3: {  	_ =	swait.ge [sflag:s29], $0x1  }
0xb4: {  	[sflag:s29] =	ssyncadd.s32 $0xFFFFFFFF  }
0xb5: {  	_ =	strace $0x9000004E  }
0xb6: {  	_ =	sfence  }
0xb7: {  	s30 =	sld [smem:$0x0];
	_ =	sdelay $0x2  }
0xb8: {  	s31 =	sshll.u32 s1, $0xD;
	s1 =	sshrl.u32 s1, $0x2  }
0xb9: {  	s3 =	sand.u32 $0x4000, s31;
	s1 =	sadd.s32 s1, s30  }
0xba: {  	s0 =	sor.u32 s3, s0;
	s1 =	sshll.u32 s1, $0x11  }
0xbb: {  	s0 =	sor.u32 s1, s0  }
0xbc: {  	s0 =	sadd.s32 $0x8F2B, s0  }
0xbd: {  	[sflag:s0] =	ssyncadd.remote.s32 $0x1  }
0xbe: {  	_ =	sfence.sel $0xFFFF  }
0xbf: {  	[dreg:$0x0] =	wrdreg $0xFFFFFFFF;
	(pc) =	sbr.abs _section_cstart, $3  }
0xc0: {  	[dreg:$0x1] =	wrdreg $0xFFFFFFFF  }
0xc1: {  	_ =	task.clear_ibuf [dreg:s6], $0x2FFFF;
	_ =	strace $0x9FFFFFFF  }
0xc2: {  	(tm) =	ssettm $0x7FFFFFFF  }
0xc3: {  	_ =	shalt  }
tec
execute0_lowered:
.L_overlay_start_1:
0x0: {  	(tag) =	ssettag $0x1  }
0x1: {  	s7 =	rddreg [dreg:$0x0]  }
0x2: {  	s1 =	srdreg.scid;
	s0 =	stileid.u32  }
0x3: {  	s2 =	rddreg [dreg:$0x1];
	s3 =	simm.s32 $0x0;
	s17 =	simm.s32 $0x50  }
0x4: {  	s18 =	simm.s32 $0x100;
	s19 =	simm.s32 $0x1;
	s4 =	smul.u32 $0x4E20, s0  }
0x5: {  	s5 =	sand.u32 $0x1, s1;
	s1 =	rddreg [dreg:$0x2];
	s8 =	smul.u32 $0x2700, s0  }
0x6: {  	s20 =	simm.s32 $0x0;
	[smem:$0x7FF] =	sst s3;
	s9 =	smul.u32 $0x4E000, s0  }
0x7: {  	s11 =	sadd.s32 $0x8CA00, s7;
	s31 =	sshll.u32 s0, $0x6;
	s6 =	smul.u32 $0x2710, s5  }
0x8: {  	s16 =	sadd.s32 $0x138000, s2;
	p0 =	sne.s32 s0, $0xF;
	s30 =	smul.u32 $0x138800, s5  }
0x9: {  	_ =	strace $0x8000004D;
	s28 =	ssub.s32 $0x2, s5;
	s15 =	smul.u32 $0x27100, s5  }
0xa: {  	s10 =	sadd.s32 s8, s7;
	s13 =	sshrl.u32 s28, $0x1;
	s29 =	sshrl.u32 s9, $0x2  }
0xb: {  	s6 =	sadd.s32 s6, s4;
	s4 =	sadd.s32 $0x3E600, s7;
	s13 =	ssub.s32 s28, s13  }
0xc: {  	s14 =	sadd.s32 s29, s2;
	s5 =	sadd.s32 $0x17400, s10;
	s9 =	sshrl.u32 s30, $0x3  }
0xd: {  	s8 =	sadd.s32 s8, s15;
	s15 =	sshrl.u32 @!p0 s16, $0x3;
	s16 =	simm.s32 $0x80  }
0xe: {  	s6 =	sshrl.u32 s6, $0x3;
	s9 =	sadd.s32 s11, s9;
	s8 =	sadd.s32 s11, s8  }
0xf: {  	s10 =	smax.u32 s13, $0x1;
	s13 =	sshrl.u32 s14, $0x3;
	s14 =	simm.s32 $0x2  }
0x10: {  	s12 =	sadd.s32 s6, s7;
	s6 =	sor.u32 $0x1C02, s31;
	s7 =	sadd.s32 $0x3E400, s7  }
0x11: {  	s9 =	sadd.s32 $0x27000, s9;
	s11 =	sadd.s32 $0xD600, s12;
	s12 =	sadd.s32 $0x3800, s12  }
.LBB2_1:
0x12: {  	[spmem:s13], [sflag:s6] =	dma.local [hbm:s5], $0x2700  }
0x13: {  	_ =	swait.ge [sflag:s14], $0x2700  }
0x14: {  	[sflag:s14] =	ssyncset.done $0x0  }
0x15: {  	s21 =	simm.s32 @!p0 $0x2;
	[sflag:s14] =	ssyncadd.s32 $0xFFFFD900  }
0x16: {  	[spmem:s15], [sflag:s6] =	dma.local @!p0 [hbm:s7], $0x100  }
0x17: {  	_ =	swait.ge @!p0 [sflag:s21], $0x100  }
0x18: {  	[sflag:s21] =	ssyncset.done @!p0 $0x0  }
0x19: {  	[sflag:s21] =	ssyncadd.s32 @!p0 $0xFFFFFF00  }
0x1a: {  	s30 =	sadd.s32 $0x0, s12;
	[bflag:$0x0] =	sbarrier.arrive $0xFFFF  }
0x1b: {  	[tilespmem:s3], [sflag:$0x2] =	stream.linear.gather [hbm4b:s30+s3], $0x50, $0x38;
	[tilespmem:$0x16180] =	vst v63  }
0x1c: {  	_ =	swait.ge [sflag:s14], $0x50  }
0x1d: {  	[sflag:s14] =	ssyncset.done $0x0  }
0x1e: {  	s31 =	sadd.s32 $0x0, s11;
	[sflag:s14] =	ssyncadd.s32 $0xFFFFFFB0  }
0x1f: {  	[tilespmem:s16], [sflag:$0x2] =	stream.linear.gather [hbm4b:s31+s3], $0x50, $0x38;
	[tilespmem:$0x16180] =	vst v63  }
0x20: {  	_ =	swait.ge [sflag:s14], $0x50  }
0x21: {  	[sflag:s14] =	ssyncset.done $0x0  }
0x22: {  	[sflag:s14] =	ssyncadd.s32 $0xFFFFFFB0  }
0x23: {  	[tilespmem:s18], [sflag:$0x1] =	stream.indirect.gather [hbm4b:s4+s17], $0x80, s3, s17, $0xb8;
	[tilespmem:$0x16180] =	vst v63  }
0x24: {  	_ =	swait.ge [sflag:s19], $0x2800  }
0x25: {  	[sflag:s19] =	ssyncset.done $0x0  }
0x26: {  	[sflag:s19] =	ssyncadd.s32 $0xFFFFD800  }
0x27: {  	[spmem:s2] =	stream.indirect.scatter.add.f32 [tilespmem:s18], [sflag:$0x2], $0x80, s16, s17, $0xb8;
	[tilespmem:$0x16180] =	vst v63  }
0x28: {  	_ =	swait.ge [sflag:s14], $0x2800  }
0x29: {  	s22 =	simm.s32 $0x14;
	s21 =	simm.s32 $0xA;
	[sflag:s14] =	ssyncset.done $0x0  }
.LBB2_2:
0x2a: {  	s23 =	sadd.s32 s21, s12  }
0x2b: {  	[sflag:s14] =	ssyncadd.s32 $0xFFFFD800;
	s24 =	smov.u32 s22;
	s25 =	sadd.s32 $0xA, s22  }
0x2c: {  	[tilespmem:s3], [sflag:$0x2] =	stream.linear.gather [hbm4b:s23+s3], $0x50, $0x38;
	[tilespmem:$0x16180] =	vst v63  }
0x2d: {  	p1 =	sne.s32 s22, $0x4D8;
	_ =	swait.ge [sflag:s14], $0x50  }
0x2e: {  	[sflag:s14] =	ssyncset.done $0x0  }
0x2f: {  	s22 =	sadd.s32 s21, s11;
	s21 =	smov.u32 s24;
	[sflag:s14] =	ssyncadd.s32 $0xFFFFFFB0  }
0x30: {  	[tilespmem:s16], [sflag:$0x2] =	stream.linear.gather [hbm4b:s22+s3], $0x50, $0x38;
	[tilespmem:$0x16180] =	vst v63  }
0x31: {  	_ =	swait.ge [sflag:s14], $0x50  }
0x32: {  	[sflag:s14] =	ssyncset.done $0x0  }
0x33: {  	[sflag:s14] =	ssyncadd.s32 $0xFFFFFFB0  }
0x34: {  	[tilespmem:s18], [sflag:$0x1] =	stream.indirect.gather [hbm4b:s4+s17], $0x80, s3, s17, $0xb8;
	[tilespmem:$0x16180] =	vst v63  }
0x35: {  	_ =	swait.ge [sflag:s19], $0x2800  }
.Ltmp0:
0x36: {  	[sflag:s19] =	ssyncset.done $0x0;
	(pc) =	sbr.rel @p1 .LBB2_2-.Ltmp0, $4  }
0x37: {  	[sflag:s19] =	ssyncadd.s32 $0xFFFFD800  }
0x38: {  	[spmem:s2] =	stream.indirect.scatter.add.f32 [tilespmem:s18], [sflag:$0x2], $0x80, s16, s17, $0xb8;
	[tilespmem:$0x16180] =	vst v63  }
0x39: {  	_ =	swait.ge [sflag:s14], $0x2800  }
0x3a: {  	s22 =	smov.u32 s25;
	[sflag:s14] =	ssyncset.done $0x0  }
0x3b: {  	s22 =	sadd.s32 s21, s12;
	[sflag:s14] =	ssyncadd.s32 $0xFFFFD800  }
0x3c: {  	[tilespmem:s3], [sflag:$0x2] =	stream.linear.gather [hbm4b:s22+s3], $0x50, $0x38;
	[tilespmem:$0x16180] =	vst v63  }
0x3d: {  	_ =	swait.ge [sflag:s14], $0x50  }
0x3e: {  	[sflag:s14] =	ssyncset.done $0x0  }
0x3f: {  	s31 =	sadd.s32 s21, s11;
	[sflag:s14] =	ssyncadd.s32 $0xFFFFFFB0  }
0x40: {  	[tilespmem:s16], [sflag:$0x2] =	stream.linear.gather [hbm4b:s31+s3], $0x50, $0x38;
	[tilespmem:$0x16180] =	vst v63  }
0x41: {  	_ =	swait.ge [sflag:s14], $0x50  }
0x42: {  	[sflag:s14] =	ssyncset.done $0x0  }
0x43: {  	[sflag:s14] =	ssyncadd.s32 $0xFFFFFFB0  }
0x44: {  	[tilespmem:s18], [sflag:$0x1] =	stream.indirect.gather [hbm4b:s4+s17], $0x80, s3, s17, $0xb8;
	[tilespmem:$0x16180] =	vst v63  }
0x45: {  	_ =	swait.ge [sflag:s19], $0x2800  }
0x46: {  	[sflag:s19] =	ssyncset.done $0x0  }
0x47: {  	[sflag:s19] =	ssyncadd.s32 $0xFFFFD800  }
0x48: {  	[spmem:s2] =	stream.indirect.scatter.add.f32 [tilespmem:s18], [sflag:$0x2], $0x80, s16, s17, $0xb8;
	[tilespmem:$0x16180] =	vst v63  }
0x49: {  	_ =	swait.ge [sflag:s14], $0x2800  }
0x4a: {  	[sflag:s14] =	ssyncset.done $0x0  }
0x4b: {  	[sflag:s14] =	ssyncadd.s32 $0xFFFFD800  }
0x4c: {  	[bflag:$0x0] =	sbarrier.arrive $0xFFFF  }
0x4d: {  	[hbm:s8], [sflag:s6] =	dma.local [spmem:s13], $0x2700  }
0x4e: {  	s20 =	sadd.s32 $0x1, s20;
	_ =	swait.ge [sflag:s14], $0x2700  }
0x4f: {  	p1 =	sne.s32 s20, s10;
	[sflag:s14] =	ssyncset.done $0x0  }
.Ltmp1:
0x50: {  	s21 =	simm.s32 @!p0 $0x2;
	[sflag:s14] =	ssyncadd.s32 $0xFFFFD900;
	(pc) =	sbr.rel @p1 .LBB2_1-.Ltmp1, $4  }
0x51: {  	[hbm:s9], [sflag:s6] =	dma.local @!p0 [spmem:s15], $0x100  }
0x52: {  	_ =	swait.ge @!p0 [sflag:s21], $0x100  }
0x53: {  	[sflag:s21] =	ssyncset.done @!p0 $0x0  }
0x54: {  	[sflag:s21] =	ssyncadd.s32 @!p0 $0xFFFFFF00  }
0x55: {  	_ =	sfence.sel $0x180000  }
0x56: {  	[bflag:$0x0] =	sbarrier.arrive $0xFFFF  }
0x57: {  	p0 =	sne.s32 s0, $0x0;
	_ =	strace $0x9000004D  }
0x58: {  	s0 =	sadd.s32 @!p0 $0x100000, s1;
	[bflag:$0x2] =	sbarrier.arrive $0xFFFF  }
0x59: {  	[sflag:s0] =	ssyncadd.tile.s32 @!p0 $0x1;
	_ =	shalt  }
.Lfunc_end2:
_tile_overlayer_lowered:
.L_overlay_start_2:
0x5a: {  	(tag) =	ssettag $0x2  }
0x5b: {  	s0 =	rddreg [dreg:$0x0];
	s2 =	stileid.u32  }
0x5c: {  	s1 =	rddreg [dreg:$0x1];
	p0 =	sne.s32 s2, $0x0  }
0x5d: {  	s3 =	rddreg [dreg:$0x2];
	[bflag:$0x3] =	sbarrier.arrive $0xFFFF;
	s2 =	simm.s32 @!p0 $0x1C02  }
0x5e: {  	[timem:s3], [sflag:s2] =	dma.local @!p0 [hbm:s0], s1  }
0x5f: {  	s0 =	simm.s32 @!p0 $0x2  }
0x60: {  	_ =	swait.ge @!p0 [sflag:s0], s1  }
0x61: {  	s1 =	ssub.s32 @!p0 $0x0, s1;
	[sflag:s0] =	ssyncset.done @!p0 $0x0  }
0x62: {  	[sflag:s0] =	ssyncadd.s32 @!p0 s1  }
0x63: {  	[bflag:$0x3] =	sbarrier.arrive $0xFFFF  }
0x64: {  	_ =	shalt  }

// kernel: kernel.21.cloned.1.call-start
scs
__scs_entry_jumppad:
0x0: {  	(pc) =	sbr.rel $0x88, $3  }
0x1: {  	(tag) =	ssettag $0x0;
	lr =	simm.s32 $0x1  }
0x2: {  	[smem:$0x3F9B] =	sst lr;
	_ =	strace $0xD0000000  }
0x3: {  	_ = 	snop  }
0x4: {  	_ = 	snop  }
0x5: {  	_ = 	snop  }
0x6: {  	_ = 	snop  }
0x7: {  	_ = 	snop  }
__scs_overlays_trampoline_lowered:
0x8: {  	[smem:$0x3FAA] =	sst s0  }
0x9: {  	[smem:$0x3FAB] =	sst s1  }
0xa: {  	[smem:$0x3FAC] =	sst s2  }
0xb: {  	[smem:$0x3FAD] =	sst s3  }
0xc: {  	[smem:$0x3FAE] =	sst s4  }
0xd: {  	[smem:$0x3FAF] =	sst s5  }
0xe: {  	[smem:$0x3FB0] =	sst s6  }
0xf: {  	[smem:$0x3FB1] =	sst s7  }
0x10: {  	[smem:$0x3FB2] =	sst s8  }
0x11: {  	[smem:$0x3FB3] =	sst s9;
	s0 =	simm.s32 @!p0 $0x0  }
0x12: {  	s1 =	sld [smem:$0x3F99];
	s0 =	simm.s32 @p0 $0x1  }
0x13: {  	[smem:$0x3FB4] =	sst s0;
	s0 =	simm.s32 @!p1 $0x0  }
0x14: {  	s2 =	sld [smem:$0x3F98];
	s0 =	simm.s32 @p1 $0x1  }
0x15: {  	[smem:$0x3FB5] =	sst s0;
	s0 =	simm.s32 @!p2 $0x0  }
0x16: {  	s3 =	sld [smem:$0x3FDB];
	s0 =	simm.s32 @p2 $0x1  }
0x17: {  	s4 =	simm.s32 $0x1BF5;
	[smem:$0x3FB7] =	sst s0  }
0x18: {  	s0 =	sld [smem:$0x3F9A];
	_ =	swait.ge [sflag:s4], $0x0  }
0x19: {  	s7 =	sld [smem:$0x3F9B]  }
0x1a: {  	s8 =	sadd.s32 $0xFFFFE003, lr  }
0x1b: {  	s9 =	sadd.s32 $0xFFFFFEF7, lr;
	s5 =	simm.s32 $0xFFFFFFFF;
	p2 =	slt.u32 s8, $0xFFFFF086  }
0x1c: {  	p1 =	slt.u32 s9, $0xF7A;
	s5 =	simm.s32 @!p2 $0x0  }
0x1d: {  	s5 =	simm.s32 @p1 $0x1;
	p0 =	seq.s32 s7, s2  }
0x1e: {  	s7 =	smul.u32 @!p0 $0xF7A, s2;
	p2 =	seq.s32 @!p0 s5, $0x0  }
0x1f: {  	s9 =	smul.u32 $0xF7A, s1;
	s8 =	simm.s32 @!p0 $0x1BF5;
	p2 =	por !p2, p0  }
0x20: {  	[sflag:s8] =	ssyncset.s32 @!p0 $0xFFFFF086;
	s6 =	sadd.s32 @!p0 s3, s7;
	s7 =	simm.s32 @!p0 $0x108  }
0x21: {  	s3 =	sadd.s32 s3, s9;
	s6 =	sadd.s32 @!p0 $0x88, s6;
	s7 =	simm.s32 @p2 $0x1082  }
0x22: {  	[simem:s7], [sflag:s8] =	dma.local @!p0 [hbm:s6], $0xF7A  }
0x23: {  	s9 =	sor.u32 $0xD0000000, s2;
	s6 =	simm.s32 $0x108;
	_ =	swait.ge @!p0 [sflag:s8], $0x0  }
0x24: {  	s3 =	sadd.s32 $0x88, s3;
	s6 =	simm.s32 @!p1 $0x1082;
	[sflag:s4] =	ssyncset.s32 $0xFFFFF086  }
0x25: {  	[simem:s6], [sflag:s4] =	dma.local [hbm:s3], $0xF7A  }
0x26: {  	[smem:$0x3F9B] =	sst s1;
	(tag) =	ssettag s2;
	_ =	strace s9  }
0x27: {  	s1 =	sld [smem:$0x3FAB]  }
0x28: {  	s2 =	sld [smem:$0x3FAC]  }
0x29: {  	s4 =	sld [smem:$0x3FAE]  }
0x2a: {  	p0 =	seq.s32 s5, $0x0;
	s5 =	sld [smem:$0x3FAF]  }
0x2b: {  	s6 =	sld [smem:$0x3FB0]  }
0x2c: {  	s7 =	sld [smem:$0x3FB1]  }
0x2d: {  	s3 =	simm.s32 $0x108;
	s8 =	sld [smem:$0x3FB2]  }
0x2e: {  	s3 =	simm.s32 @!p0 $0x1082;
	s9 =	sld [smem:$0x3FB3]  }
0x2f: {  	lr =	sadd.s32 s0, s3;
	s0 =	sld [smem:$0x3FAA]  }
0x30: {  	s3 =	sld [smem:$0x3FAD]  }
0x31: {  	[smem:$0x3FB6] =	sst s10  }
0x32: {  	s10 =	sld [smem:$0x3FB4];
	_ =	sdelay $0x3  }
0x33: {  	p0 =	seq.s32 s10, $0x1;
	s10 =	sld [smem:$0x3FB6];
	_ =	sdelay $0x3  }
0x34: {  	[smem:$0x3FB6] =	sst s10  }
0x35: {  	s10 =	sld [smem:$0x3FB5];
	_ =	sdelay $0x3  }
0x36: {  	p1 =	seq.s32 s10, $0x1;
	s10 =	sld [smem:$0x3FB6];
	_ =	sdelay $0x3  }
0x37: {  	[smem:$0x3FB6] =	sst s10  }
0x38: {  	s10 =	sld [smem:$0x3FB7]  }
0x39: {  	_ = 	snop;
	(pc) =	sbr.ind lr, $3  }
0x3a: {  	_ = 	snop  }
0x3b: {  	_ = 	snop  }
0x3c: {  	p2 =	seq.s32 s10, $0x1;
	s10 =	sld [smem:$0x3FB6]  }
0x3d: {  	_ =	shalt  }
0x3e: {  	_ =	shalt  }
0x3f: {  	_ =	shalt  }
0x40: {  	_ =	shalt  }
0x41: {  	_ =	shalt  }
0x42: {  	_ =	shalt  }
0x43: {  	_ =	shalt  }
0x44: {  	_ =	shalt  }
0x45: {  	_ =	shalt  }
0x46: {  	_ =	shalt  }
0x47: {  	_ =	shalt  }
0x48: {  	_ =	shalt  }
0x49: {  	_ =	shalt  }
0x4a: {  	_ =	shalt  }
0x4b: {  	_ =	shalt  }
0x4c: {  	_ =	shalt  }
0x4d: {  	_ =	shalt  }
0x4e: {  	_ =	shalt  }
0x4f: {  	_ =	shalt  }
0x50: {  	_ =	shalt  }
0x51: {  	_ =	shalt  }
0x52: {  	_ =	shalt  }
0x53: {  	_ =	shalt  }
0x54: {  	_ =	shalt  }
0x55: {  	_ =	shalt  }
0x56: {  	_ =	shalt  }
0x57: {  	_ =	shalt  }
0x58: {  	_ =	shalt  }
0x59: {  	_ =	shalt  }
0x5a: {  	_ =	shalt  }
0x5b: {  	_ =	shalt  }
0x5c: {  	_ =	shalt  }
0x5d: {  	_ =	shalt  }
0x5e: {  	_ =	shalt  }
0x5f: {  	_ =	shalt  }
0x60: {  	_ =	shalt  }
0x61: {  	_ =	shalt  }
0x62: {  	_ =	shalt  }
0x63: {  	_ =	shalt  }
0x64: {  	_ =	shalt  }
0x65: {  	_ =	shalt  }
0x66: {  	_ =	shalt  }
0x67: {  	_ =	shalt  }
0x68: {  	_ =	shalt  }
0x69: {  	_ =	shalt  }
0x6a: {  	_ =	shalt  }
0x6b: {  	_ =	shalt  }
0x6c: {  	_ =	shalt  }
0x6d: {  	_ =	shalt  }
0x6e: {  	_ =	shalt  }
0x6f: {  	_ =	shalt  }
0x70: {  	_ =	shalt  }
0x71: {  	_ =	shalt  }
0x72: {  	_ =	shalt  }
0x73: {  	_ =	shalt  }
0x74: {  	_ =	shalt  }
0x75: {  	_ =	shalt  }
0x76: {  	_ =	shalt  }
0x77: {  	_ =	shalt  }
0x78: {  	_ =	shalt  }
0x79: {  	_ =	shalt  }
0x7a: {  	_ =	shalt  }
0x7b: {  	_ =	shalt  }
0x7c: {  	_ =	shalt  }
0x7d: {  	_ =	shalt  }
0x7e: {  	_ =	shalt  }
0x7f: {  	_ =	shalt  }
0x80: {  	_ =	shalt  }
0x81: {  	_ =	shalt  }
0x82: {  	_ =	shalt  }
0x83: {  	_ =	shalt  }
0x84: {  	_ =	shalt  }
0x85: {  	_ =	shalt  }
0x86: {  	_ =	shalt  }
0x87: {  	_ =	shalt  }
.Lfunc_end0:
.L_simem_size_0:
called_computation.3_lowered:
.L_overlay_start_0:
0x88: {  	s2 =	sld [smem:$0x3FD9]  }
0x89: {  	s3 =	sld [smem:$0x3FFE];
	_ =	sdelay $0x1  }
0x8a: {  	s1 =	srdreg.scid  }
0x8b: {  	s0 =	sand.u32 $0x1, s1  }
0x8c: {  	s16 =	sshll.u32 s0, $0xA;
	s2 =	sadd.s32 s3, s2  }
0x8d: {  	s2 =	sadd.s32 s2, s16  }
0x8e: {  	[smem:$0x3FC2] =	sst s2  }
0x8f: {  	_ = 	snop  }
0x90: {  	(tm) =	ssettm $0x1  }
0x91: {  	s17 =	sld [smem:$0x3FFB];
	_ =	sdelay $0x3  }
0x92: {  	_ =	strace s17  }
0x93: {  	s2 =	sld [smem:$0x3FFC];
	_ =	sdelay $0x3  }
0x94: {  	_ =	strace s2  }
0x95: {  	s2 =	sld [smem:$0x3FFD];
	_ =	sdelay $0x3  }
0x96: {  	_ =	strace s2  }
0x97: {  	_ =	strace $0x8FFFFFFF  }
0x98: {  	s18 =	sld [smem:$0x3FDB];
	_ =	sdelay $0x1  }
0x99: {  	s19 =	simm.s32 $_scs_section_size  }
0x9a: {  	s4 =	simm.s32 $_size__tile_overlayer_lowered;
	s5 =	simm.s32 $_tile_overlayer_lowered  }
0x9b: {  	s22 =	simm.s32 $0x1BFF;
	s21 =	sshll.u32 s5, $0x1;
	s2 =	sadd.s32 s19, s18  }
0x9c: {  	s6 =	simm.s32 $0x0;
	s20 =	sshll.u32 s4, $0x1;
	s4 =	sadd.s32 s21, s2  }
0x9d: {  	[timem:s6], [sflag:s22] =	dma.local [hbm:s4], s20  }
0x9e: {  	_ =	swait.ge [sflag:s22], s20  }
0x9f: {  	s3 =	ssub.s32 $0x0, s20;
	[sflag:s22] =	ssyncset.done $0x0  }
0xa0: {  	[sflag:s22] =	ssyncadd.s32 s3;
	_ =	sdelay $0x1  }
0xa1: {  	s23 =	simm.s32 $0x1B8B  }
0xa2: {  	_ =	swait.ge [sflag:s23], $0x1  }
0xa3: {  	[sflag:s23] =	ssyncset.done $0x0  }
0xa4: {  	s25 =	simm.s32 $0x1B8E;
	s24 =	sld [smem:$0x3FFE];
	[sflag:s23] =	ssyncadd.s32 $0xFFFFFFFF  }
0xa5: {  	s26 =	simm.s32 $execute0_lowered;
	[smem:$0x3FD2] =	sst s25  }
0xa6: {  	s4 =	sshll.u32 s26, $0x1;
	_ =	strace $0x8000004F;
	[dreg:$0x1] =	wrdreg $0xFFFFFFFF  }
0xa7: {  	s28 =	simm.s32 $_size_execute0_lowered;
	s2 =	sadd.s32 s2, s4;
	[dreg:$0x0] =	wrdreg $0x0  }
0xa8: {  	s4 =	sshll.u32 s28, $0x1;
	[dreg:$0x2] =	wrdreg s2  }
0xa9: {  	[dreg:$0x3] =	wrdreg s4  }
0xaa: {  	[dreg:$0x4] =	wrdreg $0xC0  }
0xab: {  	_ =	task [dreg:s6], $0x5FFFF  }
0xac: {  	[dreg:$0x1] =	wrdreg $0xFFFFFFFF  }
0xad: {  	[dreg:$0x0] =	wrdreg $0x60  }
0xae: {  	[dreg:$0x2] =	wrdreg s24  }
0xaf: {  	[dreg:$0x3] =	wrdreg $0x29000  }
0xb0: {  	[dreg:$0x4] =	wrdreg $0x9  }
0xb1: {  	_ =	task.clear_ibuf [dreg:s6], $0x5FFFF;
	_ =	strace $0x9000004F  }
0xb2: {  	s29 =	simm.s32 $0x9;
	_ =	strace $0x80000051  }
0xb3: {  	_ =	swait.ge [sflag:s29], $0x1  }
0xb4: {  	[sflag:s29] =	ssyncadd.s32 $0xFFFFFFFF  }
0xb5: {  	_ =	strace $0x90000051  }
0xb6: {  	_ =	sfence  }
0xb7: {  	s30 =	sld [smem:$0x0];
	_ =	sdelay $0x2  }
0xb8: {  	s31 =	sshll.u32 s1, $0xD;
	s1 =	sshrl.u32 s1, $0x2  }
0xb9: {  	s3 =	sand.u32 $0x4000, s31;
	s1 =	sadd.s32 s1, s30  }
0xba: {  	s0 =	sor.u32 s3, s0;
	s1 =	sshll.u32 s1, $0x11  }
0xbb: {  	s0 =	sor.u32 s1, s0  }
0xbc: {  	s0 =	sadd.s32 $0x8F2B, s0  }
0xbd: {  	[sflag:s0] =	ssyncadd.remote.s32 $0x1  }
0xbe: {  	_ =	sfence.sel $0xFFFF  }
0xbf: {  	[dreg:$0x0] =	wrdreg $0xFFFFFFFF;
	(pc) =	sbr.abs _section_cstart, $3  }
0xc0: {  	[dreg:$0x1] =	wrdreg $0xFFFFFFFF  }
0xc1: {  	_ =	task.clear_ibuf [dreg:s6], $0x2FFFF;
	_ =	strace $0x9FFFFFFF  }
0xc2: {  	(tm) =	ssettm $0x7FFFFFFF  }
0xc3: {  	_ =	shalt  }
tec
execute0_lowered:
.L_overlay_start_1:
0x0: {  	(tag) =	ssettag $0x1  }
0x1: {  	s7 =	rddreg [dreg:$0x0]  }
0x2: {  	s1 =	srdreg.scid;
	s0 =	stileid.u32  }
0x3: {  	s2 =	rddreg [dreg:$0x1];
	s3 =	simm.s32 $0x0;
	s17 =	simm.s32 $0x50  }
0x4: {  	s18 =	simm.s32 $0x100;
	s19 =	simm.s32 $0x1;
	s4 =	smul.u32 $0x4E20, s0  }
0x5: {  	s5 =	sand.u32 $0x1, s1;
	s1 =	rddreg [dreg:$0x2];
	s8 =	smul.u32 $0x2700, s0  }
0x6: {  	s20 =	simm.s32 $0x0;
	[smem:$0x7FF] =	sst s3;
	s9 =	smul.u32 $0x4E000, s0  }
0x7: {  	s11 =	sadd.s32 $0xB3C00, s7;
	s31 =	sshll.u32 s0, $0x6;
	s6 =	smul.u32 $0x2710, s5  }
0x8: {  	s16 =	sadd.s32 $0x138000, s2;
	p0 =	sne.s32 s0, $0xF;
	s30 =	smul.u32 $0x138800, s5  }
0x9: {  	_ =	strace $0x80000050;
	s28 =	ssub.s32 $0x2, s5;
	s15 =	smul.u32 $0x27100, s5  }
0xa: {  	s10 =	sadd.s32 s8, s7;
	s13 =	sshrl.u32 s28, $0x1;
	s29 =	sshrl.u32 s9, $0x2  }
0xb: {  	s6 =	sadd.s32 s6, s4;
	s4 =	sadd.s32 $0x3E600, s7;
	s13 =	ssub.s32 s28, s13  }
0xc: {  	s14 =	sadd.s32 s29, s2;
	s5 =	sadd.s32 $0x17400, s10;
	s9 =	sshrl.u32 s30, $0x3  }
0xd: {  	s8 =	sadd.s32 s8, s15;
	s15 =	sshrl.u32 @!p0 s16, $0x3;
	s16 =	simm.s32 $0x80  }
0xe: {  	s6 =	sshrl.u32 s6, $0x3;
	s9 =	sadd.s32 s11, s9;
	s8 =	sadd.s32 s11, s8  }
0xf: {  	s10 =	smax.u32 s13, $0x1;
	s13 =	sshrl.u32 s14, $0x3;
	s14 =	simm.s32 $0x2  }
0x10: {  	s12 =	sadd.s32 s6, s7;
	s6 =	sor.u32 $0x1C02, s31;
	s7 =	sadd.s32 $0x3E400, s7  }
0x11: {  	s9 =	sadd.s32 $0x27000, s9;
	s11 =	sadd.s32 $0xD600, s12;
	s12 =	sadd.s32 $0x3800, s12  }
.LBB2_1:
0x12: {  	[spmem:s13], [sflag:s6] =	dma.local [hbm:s5], $0x2700  }
0x13: {  	_ =	swait.ge [sflag:s14], $0x2700  }
0x14: {  	[sflag:s14] =	ssyncset.done $0x0  }
0x15: {  	s21 =	simm.s32 @!p0 $0x2;
	[sflag:s14] =	ssyncadd.s32 $0xFFFFD900  }
0x16: {  	[spmem:s15], [sflag:s6] =	dma.local @!p0 [hbm:s7], $0x100  }
0x17: {  	_ =	swait.ge @!p0 [sflag:s21], $0x100  }
0x18: {  	[sflag:s21] =	ssyncset.done @!p0 $0x0  }
0x19: {  	[sflag:s21] =	ssyncadd.s32 @!p0 $0xFFFFFF00  }
0x1a: {  	s30 =	sadd.s32 $0x0, s12;
	[bflag:$0x0] =	sbarrier.arrive $0xFFFF  }
0x1b: {  	[tilespmem:s3], [sflag:$0x2] =	stream.linear.gather [hbm4b:s30+s3], $0x50, $0x38;
	[tilespmem:$0x16180] =	vst v63  }
0x1c: {  	_ =	swait.ge [sflag:s14], $0x50  }
0x1d: {  	[sflag:s14] =	ssyncset.done $0x0  }
0x1e: {  	s31 =	sadd.s32 $0x0, s11;
	[sflag:s14] =	ssyncadd.s32 $0xFFFFFFB0  }
0x1f: {  	[tilespmem:s16], [sflag:$0x2] =	stream.linear.gather [hbm4b:s31+s3], $0x50, $0x38;
	[tilespmem:$0x16180] =	vst v63  }
0x20: {  	_ =	swait.ge [sflag:s14], $0x50  }
0x21: {  	[sflag:s14] =	ssyncset.done $0x0  }
0x22: {  	[sflag:s14] =	ssyncadd.s32 $0xFFFFFFB0  }
0x23: {  	[tilespmem:s18], [sflag:$0x1] =	stream.indirect.gather [hbm4b:s4+s17], $0x80, s3, s17, $0xb8;
	[tilespmem:$0x16180] =	vst v63  }
0x24: {  	_ =	swait.ge [sflag:s19], $0x2800  }
0x25: {  	[sflag:s19] =	ssyncset.done $0x0  }
0x26: {  	[sflag:s19] =	ssyncadd.s32 $0xFFFFD800  }
0x27: {  	[spmem:s2] =	stream.indirect.scatter.add.f32 [tilespmem:s18], [sflag:$0x2], $0x80, s16, s17, $0xb8;
	[tilespmem:$0x16180] =	vst v63  }
0x28: {  	_ =	swait.ge [sflag:s14], $0x2800  }
0x29: {  	s22 =	simm.s32 $0x14;
	s21 =	simm.s32 $0xA;
	[sflag:s14] =	ssyncset.done $0x0  }
.LBB2_2:
0x2a: {  	s23 =	sadd.s32 s21, s12  }
0x2b: {  	[sflag:s14] =	ssyncadd.s32 $0xFFFFD800;
	s24 =	smov.u32 s22;
	s25 =	sadd.s32 $0xA, s22  }
0x2c: {  	[tilespmem:s3], [sflag:$0x2] =	stream.linear.gather [hbm4b:s23+s3], $0x50, $0x38;
	[tilespmem:$0x16180] =	vst v63  }
0x2d: {  	p1 =	sne.s32 s22, $0x4D8;
	_ =	swait.ge [sflag:s14], $0x50  }
0x2e: {  	[sflag:s14] =	ssyncset.done $0x0  }
0x2f: {  	s22 =	sadd.s32 s21, s11;
	s21 =	smov.u32 s24;
	[sflag:s14] =	ssyncadd.s32 $0xFFFFFFB0  }
0x30: {  	[tilespmem:s16], [sflag:$0x2] =	stream.linear.gather [hbm4b:s22+s3], $0x50, $0x38;
	[tilespmem:$0x16180] =	vst v63  }
0x31: {  	_ =	swait.ge [sflag:s14], $0x50  }
0x32: {  	[sflag:s14] =	ssyncset.done $0x0  }
0x33: {  	[sflag:s14] =	ssyncadd.s32 $0xFFFFFFB0  }
0x34: {  	[tilespmem:s18], [sflag:$0x1] =	stream.indirect.gather [hbm4b:s4+s17], $0x80, s3, s17, $0xb8;
	[tilespmem:$0x16180] =	vst v63  }
0x35: {  	_ =	swait.ge [sflag:s19], $0x2800  }
.Ltmp0:
0x36: {  	[sflag:s19] =	ssyncset.done $0x0;
	(pc) =	sbr.rel @p1 .LBB2_2-.Ltmp0, $4  }
0x37: {  	[sflag:s19] =	ssyncadd.s32 $0xFFFFD800  }
0x38: {  	[spmem:s2] =	stream.indirect.scatter.add.f32 [tilespmem:s18], [sflag:$0x2], $0x80, s16, s17, $0xb8;
	[tilespmem:$0x16180] =	vst v63  }
0x39: {  	_ =	swait.ge [sflag:s14], $0x2800  }
0x3a: {  	s22 =	smov.u32 s25;
	[sflag:s14] =	ssyncset.done $0x0  }
0x3b: {  	s22 =	sadd.s32 s21, s12;
	[sflag:s14] =	ssyncadd.s32 $0xFFFFD800  }
0x3c: {  	[tilespmem:s3], [sflag:$0x2] =	stream.linear.gather [hbm4b:s22+s3], $0x50, $0x38;
	[tilespmem:$0x16180] =	vst v63  }
0x3d: {  	_ =	swait.ge [sflag:s14], $0x50  }
0x3e: {  	[sflag:s14] =	ssyncset.done $0x0  }
0x3f: {  	s31 =	sadd.s32 s21, s11;
	[sflag:s14] =	ssyncadd.s32 $0xFFFFFFB0  }
0x40: {  	[tilespmem:s16], [sflag:$0x2] =	stream.linear.gather [hbm4b:s31+s3], $0x50, $0x38;
	[tilespmem:$0x16180] =	vst v63  }
0x41: {  	_ =	swait.ge [sflag:s14], $0x50  }
0x42: {  	[sflag:s14] =	ssyncset.done $0x0  }
0x43: {  	[sflag:s14] =	ssyncadd.s32 $0xFFFFFFB0  }
0x44: {  	[tilespmem:s18], [sflag:$0x1] =	stream.indirect.gather [hbm4b:s4+s17], $0x80, s3, s17, $0xb8;
	[tilespmem:$0x16180] =	vst v63  }
0x45: {  	_ =	swait.ge [sflag:s19], $0x2800  }
0x46: {  	[sflag:s19] =	ssyncset.done $0x0  }
0x47: {  	[sflag:s19] =	ssyncadd.s32 $0xFFFFD800  }
0x48: {  	[spmem:s2] =	stream.indirect.scatter.add.f32 [tilespmem:s18], [sflag:$0x2], $0x80, s16, s17, $0xb8;
	[tilespmem:$0x16180] =	vst v63  }
0x49: {  	_ =	swait.ge [sflag:s14], $0x2800  }
0x4a: {  	[sflag:s14] =	ssyncset.done $0x0  }
0x4b: {  	[sflag:s14] =	ssyncadd.s32 $0xFFFFD800  }
0x4c: {  	[bflag:$0x0] =	sbarrier.arrive $0xFFFF  }
0x4d: {  	[hbm:s8], [sflag:s6] =	dma.local [spmem:s13], $0x2700  }
0x4e: {  	s20 =	sadd.s32 $0x1, s20;
	_ =	swait.ge [sflag:s14], $0x2700  }
0x4f: {  	p1 =	sne.s32 s20, s10;
	[sflag:s14] =	ssyncset.done $0x0  }
.Ltmp1:
0x50: {  	s21 =	simm.s32 @!p0 $0x2;
	[sflag:s14] =	ssyncadd.s32 $0xFFFFD900;
	(pc) =	sbr.rel @p1 .LBB2_1-.Ltmp1, $4  }
0x51: {  	[hbm:s9], [sflag:s6] =	dma.local @!p0 [spmem:s15], $0x100  }
0x52: {  	_ =	swait.ge @!p0 [sflag:s21], $0x100  }
0x53: {  	[sflag:s21] =	ssyncset.done @!p0 $0x0  }
0x54: {  	[sflag:s21] =	ssyncadd.s32 @!p0 $0xFFFFFF00  }
0x55: {  	_ =	sfence.sel $0x180000  }
0x56: {  	[bflag:$0x0] =	sbarrier.arrive $0xFFFF  }
0x57: {  	p0 =	sne.s32 s0, $0x0;
	_ =	strace $0x90000050  }
0x58: {  	s0 =	sadd.s32 @!p0 $0x100000, s1;
	[bflag:$0x2] =	sbarrier.arrive $0xFFFF  }
0x59: {  	[sflag:s0] =	ssyncadd.tile.s32 @!p0 $0x1;
	_ =	shalt  }
.Lfunc_end2:
_tile_overlayer_lowered:
.L_overlay_start_2:
0x5a: {  	(tag) =	ssettag $0x2  }
0x5b: {  	s0 =	rddreg [dreg:$0x0];
	s2 =	stileid.u32  }
0x5c: {  	s1 =	rddreg [dreg:$0x1];
	p0 =	sne.s32 s2, $0x0  }
0x5d: {  	s3 =	rddreg [dreg:$0x2];
	[bflag:$0x3] =	sbarrier.arrive $0xFFFF;
	s2 =	simm.s32 @!p0 $0x1C02  }
0x5e: {  	[timem:s3], [sflag:s2] =	dma.local @!p0 [hbm:s0], s1  }
0x5f: {  	s0 =	simm.s32 @!p0 $0x2  }
0x60: {  	_ =	swait.ge @!p0 [sflag:s0], s1  }
0x61: {  	s1 =	ssub.s32 @!p0 $0x0, s1;
	[sflag:s0] =	ssyncset.done @!p0 $0x0  }
0x62: {  	[sflag:s0] =	ssyncadd.s32 @!p0 s1  }
0x63: {  	[bflag:$0x3] =	sbarrier.arrive $0xFFFF  }
0x64: {  	_ =	shalt  }

// kernel: kernel.24.cloned.1.call-start
scs
__scs_entry_jumppad:
0x0: {  	(pc) =	sbr.rel $0x88, $3  }
0x1: {  	(tag) =	ssettag $0x0;
	lr =	simm.s32 $0x1  }
0x2: {  	[smem:$0x3F9B] =	sst lr;
	_ =	strace $0xD0000000  }
0x3: {  	_ = 	snop  }
0x4: {  	_ = 	snop  }
0x5: {  	_ = 	snop  }
0x6: {  	_ = 	snop  }
0x7: {  	_ = 	snop  }
__scs_overlays_trampoline_lowered:
0x8: {  	[smem:$0x3FAA] =	sst s0  }
0x9: {  	[smem:$0x3FAB] =	sst s1  }
0xa: {  	[smem:$0x3FAC] =	sst s2  }
0xb: {  	[smem:$0x3FAD] =	sst s3  }
0xc: {  	[smem:$0x3FAE] =	sst s4  }
0xd: {  	[smem:$0x3FAF] =	sst s5  }
0xe: {  	[smem:$0x3FB0] =	sst s6  }
0xf: {  	[smem:$0x3FB1] =	sst s7  }
0x10: {  	[smem:$0x3FB2] =	sst s8  }
0x11: {  	[smem:$0x3FB3] =	sst s9;
	s0 =	simm.s32 @!p0 $0x0  }
0x12: {  	s1 =	sld [smem:$0x3F99];
	s0 =	simm.s32 @p0 $0x1  }
0x13: {  	[smem:$0x3FB4] =	sst s0;
	s0 =	simm.s32 @!p1 $0x0  }
0x14: {  	s2 =	sld [smem:$0x3F98];
	s0 =	simm.s32 @p1 $0x1  }
0x15: {  	[smem:$0x3FB5] =	sst s0;
	s0 =	simm.s32 @!p2 $0x0  }
0x16: {  	s3 =	sld [smem:$0x3FDB];
	s0 =	simm.s32 @p2 $0x1  }
0x17: {  	s4 =	simm.s32 $0x1BF5;
	[smem:$0x3FB7] =	sst s0  }
0x18: {  	s0 =	sld [smem:$0x3F9A];
	_ =	swait.ge [sflag:s4], $0x0  }
0x19: {  	s7 =	sld [smem:$0x3F9B]  }
0x1a: {  	s8 =	sadd.s32 $0xFFFFE003, lr  }
0x1b: {  	s9 =	sadd.s32 $0xFFFFFEF7, lr;
	s5 =	simm.s32 $0xFFFFFFFF;
	p2 =	slt.u32 s8, $0xFFFFF086  }
0x1c: {  	p1 =	slt.u32 s9, $0xF7A;
	s5 =	simm.s32 @!p2 $0x0  }
0x1d: {  	s5 =	simm.s32 @p1 $0x1;
	p0 =	seq.s32 s7, s2  }
0x1e: {  	s7 =	smul.u32 @!p0 $0xF7A, s2;
	p2 =	seq.s32 @!p0 s5, $0x0  }
0x1f: {  	s9 =	smul.u32 $0xF7A, s1;
	s8 =	simm.s32 @!p0 $0x1BF5;
	p2 =	por !p2, p0  }
0x20: {  	[sflag:s8] =	ssyncset.s32 @!p0 $0xFFFFF086;
	s6 =	sadd.s32 @!p0 s3, s7;
	s7 =	simm.s32 @!p0 $0x108  }
0x21: {  	s3 =	sadd.s32 s3, s9;
	s6 =	sadd.s32 @!p0 $0x88, s6;
	s7 =	simm.s32 @p2 $0x1082  }
0x22: {  	[simem:s7], [sflag:s8] =	dma.local @!p0 [hbm:s6], $0xF7A  }
0x23: {  	s9 =	sor.u32 $0xD0000000, s2;
	s6 =	simm.s32 $0x108;
	_ =	swait.ge @!p0 [sflag:s8], $0x0  }
0x24: {  	s3 =	sadd.s32 $0x88, s3;
	s6 =	simm.s32 @!p1 $0x1082;
	[sflag:s4] =	ssyncset.s32 $0xFFFFF086  }
0x25: {  	[simem:s6], [sflag:s4] =	dma.local [hbm:s3], $0xF7A  }
0x26: {  	[smem:$0x3F9B] =	sst s1;
	(tag) =	ssettag s2;
	_ =	strace s9  }
0x27: {  	s1 =	sld [smem:$0x3FAB]  }
0x28: {  	s2 =	sld [smem:$0x3FAC]  }
0x29: {  	s4 =	sld [smem:$0x3FAE]  }
0x2a: {  	p0 =	seq.s32 s5, $0x0;
	s5 =	sld [smem:$0x3FAF]  }
0x2b: {  	s6 =	sld [smem:$0x3FB0]  }
0x2c: {  	s7 =	sld [smem:$0x3FB1]  }
0x2d: {  	s3 =	simm.s32 $0x108;
	s8 =	sld [smem:$0x3FB2]  }
0x2e: {  	s3 =	simm.s32 @!p0 $0x1082;
	s9 =	sld [smem:$0x3FB3]  }
0x2f: {  	lr =	sadd.s32 s0, s3;
	s0 =	sld [smem:$0x3FAA]  }
0x30: {  	s3 =	sld [smem:$0x3FAD]  }
0x31: {  	[smem:$0x3FB6] =	sst s10  }
0x32: {  	s10 =	sld [smem:$0x3FB4];
	_ =	sdelay $0x3  }
0x33: {  	p0 =	seq.s32 s10, $0x1;
	s10 =	sld [smem:$0x3FB6];
	_ =	sdelay $0x3  }
0x34: {  	[smem:$0x3FB6] =	sst s10  }
0x35: {  	s10 =	sld [smem:$0x3FB5];
	_ =	sdelay $0x3  }
0x36: {  	p1 =	seq.s32 s10, $0x1;
	s10 =	sld [smem:$0x3FB6];
	_ =	sdelay $0x3  }
0x37: {  	[smem:$0x3FB6] =	sst s10  }
0x38: {  	s10 =	sld [smem:$0x3FB7]  }
0x39: {  	_ = 	snop;
	(pc) =	sbr.ind lr, $3  }
0x3a: {  	_ = 	snop  }
0x3b: {  	_ = 	snop  }
0x3c: {  	p2 =	seq.s32 s10, $0x1;
	s10 =	sld [smem:$0x3FB6]  }
0x3d: {  	_ =	shalt  }
0x3e: {  	_ =	shalt  }
0x3f: {  	_ =	shalt  }
0x40: {  	_ =	shalt  }
0x41: {  	_ =	shalt  }
0x42: {  	_ =	shalt  }
0x43: {  	_ =	shalt  }
0x44: {  	_ =	shalt  }
0x45: {  	_ =	shalt  }
0x46: {  	_ =	shalt  }
0x47: {  	_ =	shalt  }
0x48: {  	_ =	shalt  }
0x49: {  	_ =	shalt  }
0x4a: {  	_ =	shalt  }
0x4b: {  	_ =	shalt  }
0x4c: {  	_ =	shalt  }
0x4d: {  	_ =	shalt  }
0x4e: {  	_ =	shalt  }
0x4f: {  	_ =	shalt  }
0x50: {  	_ =	shalt  }
0x51: {  	_ =	shalt  }
0x52: {  	_ =	shalt  }
0x53: {  	_ =	shalt  }
0x54: {  	_ =	shalt  }
0x55: {  	_ =	shalt  }
0x56: {  	_ =	shalt  }
0x57: {  	_ =	shalt  }
0x58: {  	_ =	shalt  }
0x59: {  	_ =	shalt  }
0x5a: {  	_ =	shalt  }
0x5b: {  	_ =	shalt  }
0x5c: {  	_ =	shalt  }
0x5d: {  	_ =	shalt  }
0x5e: {  	_ =	shalt  }
0x5f: {  	_ =	shalt  }
0x60: {  	_ =	shalt  }
0x61: {  	_ =	shalt  }
0x62: {  	_ =	shalt  }
0x63: {  	_ =	shalt  }
0x64: {  	_ =	shalt  }
0x65: {  	_ =	shalt  }
0x66: {  	_ =	shalt  }
0x67: {  	_ =	shalt  }
0x68: {  	_ =	shalt  }
0x69: {  	_ =	shalt  }
0x6a: {  	_ =	shalt  }
0x6b: {  	_ =	shalt  }
0x6c: {  	_ =	shalt  }
0x6d: {  	_ =	shalt  }
0x6e: {  	_ =	shalt  }
0x6f: {  	_ =	shalt  }
0x70: {  	_ =	shalt  }
0x71: {  	_ =	shalt  }
0x72: {  	_ =	shalt  }
0x73: {  	_ =	shalt  }
0x74: {  	_ =	shalt  }
0x75: {  	_ =	shalt  }
0x76: {  	_ =	shalt  }
0x77: {  	_ =	shalt  }
0x78: {  	_ =	shalt  }
0x79: {  	_ =	shalt  }
0x7a: {  	_ =	shalt  }
0x7b: {  	_ =	shalt  }
0x7c: {  	_ =	shalt  }
0x7d: {  	_ =	shalt  }
0x7e: {  	_ =	shalt  }
0x7f: {  	_ =	shalt  }
0x80: {  	_ =	shalt  }
0x81: {  	_ =	shalt  }
0x82: {  	_ =	shalt  }
0x83: {  	_ =	shalt  }
0x84: {  	_ =	shalt  }
0x85: {  	_ =	shalt  }
0x86: {  	_ =	shalt  }
0x87: {  	_ =	shalt  }
.Lfunc_end0:
.L_simem_size_0:
called_computation.4_lowered:
.L_overlay_start_0:
0x88: {  	s2 =	sld [smem:$0x3FD9]  }
0x89: {  	s3 =	sld [smem:$0x3FFE];
	_ =	sdelay $0x1  }
0x8a: {  	s1 =	srdreg.scid  }
0x8b: {  	s0 =	sand.u32 $0x1, s1  }
0x8c: {  	s16 =	sshll.u32 s0, $0xA;
	s2 =	sadd.s32 s3, s2  }
0x8d: {  	s2 =	sadd.s32 s2, s16  }
0x8e: {  	[smem:$0x3FC2] =	sst s2  }
0x8f: {  	_ = 	snop  }
0x90: {  	(tm) =	ssettm $0x1  }
0x91: {  	s17 =	sld [smem:$0x3FFB];
	_ =	sdelay $0x3  }
0x92: {  	_ =	strace s17  }
0x93: {  	s2 =	sld [smem:$0x3FFC];
	_ =	sdelay $0x3  }
0x94: {  	_ =	strace s2  }
0x95: {  	s2 =	sld [smem:$0x3FFD];
	_ =	sdelay $0x3  }
0x96: {  	_ =	strace s2  }
0x97: {  	_ =	strace $0x8FFFFFFF  }
0x98: {  	s18 =	sld [smem:$0x3FDB];
	_ =	sdelay $0x1  }
0x99: {  	s19 =	simm.s32 $_scs_section_size  }
0x9a: {  	s4 =	simm.s32 $_size__tile_overlayer_lowered;
	s5 =	simm.s32 $_tile_overlayer_lowered  }
0x9b: {  	s22 =	simm.s32 $0x1BFF;
	s21 =	sshll.u32 s5, $0x1;
	s2 =	sadd.s32 s19, s18  }
0x9c: {  	s6 =	simm.s32 $0x0;
	s20 =	sshll.u32 s4, $0x1;
	s4 =	sadd.s32 s21, s2  }
0x9d: {  	[timem:s6], [sflag:s22] =	dma.local [hbm:s4], s20  }
0x9e: {  	_ =	swait.ge [sflag:s22], s20  }
0x9f: {  	s3 =	ssub.s32 $0x0, s20;
	[sflag:s22] =	ssyncset.done $0x0  }
0xa0: {  	[sflag:s22] =	ssyncadd.s32 s3;
	_ =	sdelay $0x1  }
0xa1: {  	s23 =	simm.s32 $0x1B8B  }
0xa2: {  	_ =	swait.ge [sflag:s23], $0x1  }
0xa3: {  	[sflag:s23] =	ssyncset.done $0x0  }
0xa4: {  	s25 =	simm.s32 $0x1B8E;
	s24 =	sld [smem:$0x3FFE];
	[sflag:s23] =	ssyncadd.s32 $0xFFFFFFFF  }
0xa5: {  	s26 =	simm.s32 $execute0_lowered;
	[smem:$0x3FD2] =	sst s25  }
0xa6: {  	s4 =	sshll.u32 s26, $0x1;
	_ =	strace $0x80000052;
	[dreg:$0x1] =	wrdreg $0xFFFFFFFF  }
0xa7: {  	s28 =	simm.s32 $_size_execute0_lowered;
	s2 =	sadd.s32 s2, s4;
	[dreg:$0x0] =	wrdreg $0x0  }
0xa8: {  	s4 =	sshll.u32 s28, $0x1;
	[dreg:$0x2] =	wrdreg s2  }
0xa9: {  	[dreg:$0x3] =	wrdreg s4  }
0xaa: {  	[dreg:$0x4] =	wrdreg $0xC0  }
0xab: {  	_ =	task [dreg:s6], $0x5FFFF  }
0xac: {  	[dreg:$0x1] =	wrdreg $0xFFFFFFFF  }
0xad: {  	[dreg:$0x0] =	wrdreg $0x60  }
0xae: {  	[dreg:$0x2] =	wrdreg s24  }
0xaf: {  	[dreg:$0x3] =	wrdreg $0x29000  }
0xb0: {  	[dreg:$0x4] =	wrdreg $0x9  }
0xb1: {  	_ =	task.clear_ibuf [dreg:s6], $0x5FFFF;
	_ =	strace $0x90000052  }
0xb2: {  	s29 =	simm.s32 $0x9;
	_ =	strace $0x80000054  }
0xb3: {  	_ =	swait.ge [sflag:s29], $0x1  }
0xb4: {  	[sflag:s29] =	ssyncadd.s32 $0xFFFFFFFF  }
0xb5: {  	_ =	strace $0x90000054  }
0xb6: {  	_ =	sfence  }
0xb7: {  	s30 =	sld [smem:$0x0];
	_ =	sdelay $0x2  }
0xb8: {  	s31 =	sshll.u32 s1, $0xD;
	s1 =	sshrl.u32 s1, $0x2  }
0xb9: {  	s3 =	sand.u32 $0x4000, s31;
	s1 =	sadd.s32 s1, s30  }
0xba: {  	s0 =	sor.u32 s3, s0;
	s1 =	sshll.u32 s1, $0x11  }
0xbb: {  	s0 =	sor.u32 s1, s0  }
0xbc: {  	s0 =	sadd.s32 $0x8F2B, s0  }
0xbd: {  	[sflag:s0] =	ssyncadd.remote.s32 $0x1  }
0xbe: {  	_ =	sfence.sel $0xFFFF  }
0xbf: {  	[dreg:$0x0] =	wrdreg $0xFFFFFFFF;
	(pc) =	sbr.abs _section_cstart, $3  }
0xc0: {  	[dreg:$0x1] =	wrdreg $0xFFFFFFFF  }
0xc1: {  	_ =	task.clear_ibuf [dreg:s6], $0x2FFFF;
	_ =	strace $0x9FFFFFFF  }
0xc2: {  	(tm) =	ssettm $0x7FFFFFFF  }
0xc3: {  	_ =	shalt  }
tec
execute0_lowered:
.L_overlay_start_1:
0x0: {  	(tag) =	ssettag $0x1  }
0x1: {  	s7 =	rddreg [dreg:$0x0]  }
0x2: {  	s1 =	srdreg.scid;
	s0 =	stileid.u32  }
0x3: {  	s2 =	rddreg [dreg:$0x1];
	s3 =	simm.s32 $0x0;
	s17 =	simm.s32 $0x50  }
0x4: {  	s18 =	simm.s32 $0x100;
	s19 =	simm.s32 $0x1;
	s4 =	smul.u32 $0x4E20, s0  }
0x5: {  	s5 =	sand.u32 $0x1, s1;
	s1 =	rddreg [dreg:$0x2];
	s8 =	smul.u32 $0x2700, s0  }
0x6: {  	s20 =	simm.s32 $0x0;
	[smem:$0x7FF] =	sst s3;
	s9 =	smul.u32 $0x4E000, s0  }
0x7: {  	s11 =	sadd.s32 $0x65800, s7;
	s31 =	sshll.u32 s0, $0x6;
	s6 =	smul.u32 $0x2710, s5  }
0x8: {  	s16 =	sadd.s32 $0x138000, s2;
	p0 =	sne.s32 s0, $0xF;
	s30 =	smul.u32 $0x138800, s5  }
0x9: {  	_ =	strace $0x80000053;
	s28 =	ssub.s32 $0x2, s5;
	s15 =	smul.u32 $0x27100, s5  }
0xa: {  	s10 =	sadd.s32 s8, s7;
	s13 =	sshrl.u32 s28, $0x1;
	s29 =	sshrl.u32 s9, $0x2  }
0xb: {  	s6 =	sadd.s32 s6, s4;
	s4 =	sadd.s32 $0x3E600, s7;
	s13 =	ssub.s32 s28, s13  }
0xc: {  	s14 =	sadd.s32 s29, s2;
	s5 =	sadd.s32 $0x17400, s10;
	s9 =	sshrl.u32 s30, $0x3  }
0xd: {  	s8 =	sadd.s32 s8, s15;
	s15 =	sshrl.u32 @!p0 s16, $0x3;
	s16 =	simm.s32 $0x80  }
0xe: {  	s6 =	sshrl.u32 s6, $0x3;
	s9 =	sadd.s32 s11, s9;
	s8 =	sadd.s32 s11, s8  }
0xf: {  	s10 =	smax.u32 s13, $0x1;
	s13 =	sshrl.u32 s14, $0x3;
	s14 =	simm.s32 $0x2  }
0x10: {  	s12 =	sadd.s32 s6, s7;
	s6 =	sor.u32 $0x1C02, s31;
	s7 =	sadd.s32 $0x3E400, s7  }
0x11: {  	s9 =	sadd.s32 $0x27000, s9;
	s11 =	sadd.s32 $0xD600, s12;
	s12 =	sadd.s32 $0x3800, s12  }
.LBB2_1:
0x12: {  	[spmem:s13], [sflag:s6] =	dma.local [hbm:s5], $0x2700  }
0x13: {  	_ =	swait.ge [sflag:s14], $0x2700  }
0x14: {  	[sflag:s14] =	ssyncset.done $0x0  }
0x15: {  	s21 =	simm.s32 @!p0 $0x2;
	[sflag:s14] =	ssyncadd.s32 $0xFFFFD900  }
0x16: {  	[spmem:s15], [sflag:s6] =	dma.local @!p0 [hbm:s7], $0x100  }
0x17: {  	_ =	swait.ge @!p0 [sflag:s21], $0x100  }
0x18: {  	[sflag:s21] =	ssyncset.done @!p0 $0x0  }
0x19: {  	[sflag:s21] =	ssyncadd.s32 @!p0 $0xFFFFFF00  }
0x1a: {  	s30 =	sadd.s32 $0x0, s12;
	[bflag:$0x0] =	sbarrier.arrive $0xFFFF  }
0x1b: {  	[tilespmem:s3], [sflag:$0x2] =	stream.linear.gather [hbm4b:s30+s3], $0x50, $0x38;
	[tilespmem:$0x16180] =	vst v63  }
0x1c: {  	_ =	swait.ge [sflag:s14], $0x50  }
0x1d: {  	[sflag:s14] =	ssyncset.done $0x0  }
0x1e: {  	s31 =	sadd.s32 $0x0, s11;
	[sflag:s14] =	ssyncadd.s32 $0xFFFFFFB0  }
0x1f: {  	[tilespmem:s16], [sflag:$0x2] =	stream.linear.gather [hbm4b:s31+s3], $0x50, $0x38;
	[tilespmem:$0x16180] =	vst v63  }
0x20: {  	_ =	swait.ge [sflag:s14], $0x50  }
0x21: {  	[sflag:s14] =	ssyncset.done $0x0  }
0x22: {  	[sflag:s14] =	ssyncadd.s32 $0xFFFFFFB0  }
0x23: {  	[tilespmem:s18], [sflag:$0x1] =	stream.indirect.gather [hbm4b:s4+s17], $0x80, s3, s17, $0xb8;
	[tilespmem:$0x16180] =	vst v63  }
0x24: {  	_ =	swait.ge [sflag:s19], $0x2800  }
0x25: {  	[sflag:s19] =	ssyncset.done $0x0  }
0x26: {  	[sflag:s19] =	ssyncadd.s32 $0xFFFFD800  }
0x27: {  	[spmem:s2] =	stream.indirect.scatter.add.f32 [tilespmem:s18], [sflag:$0x2], $0x80, s16, s17, $0xb8;
	[tilespmem:$0x16180] =	vst v63  }
0x28: {  	_ =	swait.ge [sflag:s14], $0x2800  }
0x29: {  	s22 =	simm.s32 $0x14;
	s21 =	simm.s32 $0xA;
	[sflag:s14] =	ssyncset.done $0x0  }
.LBB2_2:
0x2a: {  	s23 =	sadd.s32 s21, s12  }
0x2b: {  	[sflag:s14] =	ssyncadd.s32 $0xFFFFD800;
	s24 =	smov.u32 s22;
	s25 =	sadd.s32 $0xA, s22  }
0x2c: {  	[tilespmem:s3], [sflag:$0x2] =	stream.linear.gather [hbm4b:s23+s3], $0x50, $0x38;
	[tilespmem:$0x16180] =	vst v63  }
0x2d: {  	p1 =	sne.s32 s22, $0x4D8;
	_ =	swait.ge [sflag:s14], $0x50  }
0x2e: {  	[sflag:s14] =	ssyncset.done $0x0  }
0x2f: {  	s22 =	sadd.s32 s21, s11;
	s21 =	smov.u32 s24;
	[sflag:s14] =	ssyncadd.s32 $0xFFFFFFB0  }
0x30: {  	[tilespmem:s16], [sflag:$0x2] =	stream.linear.gather [hbm4b:s22+s3], $0x50, $0x38;
	[tilespmem:$0x16180] =	vst v63  }
0x31: {  	_ =	swait.ge [sflag:s14], $0x50  }
0x32: {  	[sflag:s14] =	ssyncset.done $0x0  }
0x33: {  	[sflag:s14] =	ssyncadd.s32 $0xFFFFFFB0  }
0x34: {  	[tilespmem:s18], [sflag:$0x1] =	stream.indirect.gather [hbm4b:s4+s17], $0x80, s3, s17, $0xb8;
	[tilespmem:$0x16180] =	vst v63  }
0x35: {  	_ =	swait.ge [sflag:s19], $0x2800  }
.Ltmp0:
0x36: {  	[sflag:s19] =	ssyncset.done $0x0;
	(pc) =	sbr.rel @p1 .LBB2_2-.Ltmp0, $4  }
0x37: {  	[sflag:s19] =	ssyncadd.s32 $0xFFFFD800  }
0x38: {  	[spmem:s2] =	stream.indirect.scatter.add.f32 [tilespmem:s18], [sflag:$0x2], $0x80, s16, s17, $0xb8;
	[tilespmem:$0x16180] =	vst v63  }
0x39: {  	_ =	swait.ge [sflag:s14], $0x2800  }
0x3a: {  	s22 =	smov.u32 s25;
	[sflag:s14] =	ssyncset.done $0x0  }
0x3b: {  	s22 =	sadd.s32 s21, s12;
	[sflag:s14] =	ssyncadd.s32 $0xFFFFD800  }
0x3c: {  	[tilespmem:s3], [sflag:$0x2] =	stream.linear.gather [hbm4b:s22+s3], $0x50, $0x38;
	[tilespmem:$0x16180] =	vst v63  }
0x3d: {  	_ =	swait.ge [sflag:s14], $0x50  }
0x3e: {  	[sflag:s14] =	ssyncset.done $0x0  }
0x3f: {  	s31 =	sadd.s32 s21, s11;
	[sflag:s14] =	ssyncadd.s32 $0xFFFFFFB0  }
0x40: {  	[tilespmem:s16], [sflag:$0x2] =	stream.linear.gather [hbm4b:s31+s3], $0x50, $0x38;
	[tilespmem:$0x16180] =	vst v63  }
0x41: {  	_ =	swait.ge [sflag:s14], $0x50  }
0x42: {  	[sflag:s14] =	ssyncset.done $0x0  }
0x43: {  	[sflag:s14] =	ssyncadd.s32 $0xFFFFFFB0  }
0x44: {  	[tilespmem:s18], [sflag:$0x1] =	stream.indirect.gather [hbm4b:s4+s17], $0x80, s3, s17, $0xb8;
	[tilespmem:$0x16180] =	vst v63  }
0x45: {  	_ =	swait.ge [sflag:s19], $0x2800  }
0x46: {  	[sflag:s19] =	ssyncset.done $0x0  }
0x47: {  	[sflag:s19] =	ssyncadd.s32 $0xFFFFD800  }
0x48: {  	[spmem:s2] =	stream.indirect.scatter.add.f32 [tilespmem:s18], [sflag:$0x2], $0x80, s16, s17, $0xb8;
	[tilespmem:$0x16180] =	vst v63  }
0x49: {  	_ =	swait.ge [sflag:s14], $0x2800  }
0x4a: {  	[sflag:s14] =	ssyncset.done $0x0  }
0x4b: {  	[sflag:s14] =	ssyncadd.s32 $0xFFFFD800  }
0x4c: {  	[bflag:$0x0] =	sbarrier.arrive $0xFFFF  }
0x4d: {  	[hbm:s8], [sflag:s6] =	dma.local [spmem:s13], $0x2700  }
0x4e: {  	s20 =	sadd.s32 $0x1, s20;
	_ =	swait.ge [sflag:s14], $0x2700  }
0x4f: {  	p1 =	sne.s32 s20, s10;
	[sflag:s14] =	ssyncset.done $0x0  }
.Ltmp1:
0x50: {  	s21 =	simm.s32 @!p0 $0x2;
	[sflag:s14] =	ssyncadd.s32 $0xFFFFD900;
	(pc) =	sbr.rel @p1 .LBB2_1-.Ltmp1, $4  }
0x51: {  	[hbm:s9], [sflag:s6] =	dma.local @!p0 [spmem:s15], $0x100  }
0x52: {  	_ =	swait.ge @!p0 [sflag:s21], $0x100  }
0x53: {  	[sflag:s21] =	ssyncset.done @!p0 $0x0  }
0x54: {  	[sflag:s21] =	ssyncadd.s32 @!p0 $0xFFFFFF00  }
0x55: {  	_ =	sfence.sel $0x180000  }
0x56: {  	[bflag:$0x0] =	sbarrier.arrive $0xFFFF  }
0x57: {  	p0 =	sne.s32 s0, $0x0;
	_ =	strace $0x90000053  }
0x58: {  	s0 =	sadd.s32 @!p0 $0x100000, s1;
	[bflag:$0x2] =	sbarrier.arrive $0xFFFF  }
0x59: {  	[sflag:s0] =	ssyncadd.tile.s32 @!p0 $0x1;
	_ =	shalt  }
.Lfunc_end2:
_tile_overlayer_lowered:
.L_overlay_start_2:
0x5a: {  	(tag) =	ssettag $0x2  }
0x5b: {  	s0 =	rddreg [dreg:$0x0];
	s2 =	stileid.u32  }
0x5c: {  	s1 =	rddreg [dreg:$0x1];
	p0 =	sne.s32 s2, $0x0  }
0x5d: {  	s3 =	rddreg [dreg:$0x2];
	[bflag:$0x3] =	sbarrier.arrive $0xFFFF;
	s2 =	simm.s32 @!p0 $0x1C02  }
0x5e: {  	[timem:s3], [sflag:s2] =	dma.local @!p0 [hbm:s0], s1  }
0x5f: {  	s0 =	simm.s32 @!p0 $0x2  }
0x60: {  	_ =	swait.ge @!p0 [sflag:s0], s1  }
0x61: {  	s1 =	ssub.s32 @!p0 $0x0, s1;
	[sflag:s0] =	ssyncset.done @!p0 $0x0  }
0x62: {  	[sflag:s0] =	ssyncadd.s32 @!p0 s1  }
0x63: {  	[bflag:$0x3] =	sbarrier.arrive $0xFFFF  }
0x64: {  	_ =	shalt  }

</sc_bundles>
